<compile_context>
chip_gen: v7x
topology: tpu7x:2x2x1
jax: 0.10.2.dev20260603
libtpu: 0.0.44.dev20260713+nightly
codegen_flags: <defaults>
</compile_context>

<pallas_src>
import functools

import jax
import jax.numpy as jnp
from jax import lax
from jax.experimental import pallas as pl
from jax.experimental.pallas import tpu as pltpu
from jax.experimental.pallas import tpu_sc as plsc

BATCH = 4096
HIST = 200
DIM = 64
HPAD = 208
HALF = HPAD // 2
NC = 2
NS = 16
NW = NC * NS
BPW = BATCH // NW
LANES = 16
NV = DIM // LANES


NBUF = 4
UNROLL = 4


def _encoder_body(x_hbm, table_hbm, out_hbm, idx_v, rows_v, out_v, *sems):
    wid = lax.axis_index("s") * NC + lax.axis_index("c")
    base = wid * BPW

    pltpu.sync_copy(x_hbm.at[pl.ds(base, BPW)], idx_v)

    def start_gather(b, buf):
        for j in range(HPAD // LANES):
            idx_vec = idx_v[b, j]
            pltpu.async_copy(
                table_hbm.at[idx_vec],
                rows_v.at[buf, pl.ds(j * LANES, LANES)], sems[buf])

    def drain(buf):
        pltpu.make_async_copy(
            table_hbm.at[pl.ds(0, HPAD)], rows_v.at[buf], sems[buf]).wait()

    def accumulate(b, buf):
        zero = jnp.zeros((LANES,), jnp.float32)

        def body(j, acc):
            j0 = j * UNROLL
            r = [[rows_v[buf, j0 + u, pl.ds(k * LANES, LANES)]
                  for u in range(UNROLL)] for k in range(NV)]
            return tuple(
                acc[k] + ((r[k][0] + r[k][1]) + (r[k][2] + r[k][3]))
                for k in range(NV))

        acc = lax.fori_loop(0, HIST // UNROLL, body, (zero,) * NV)
        one = jnp.full((LANES,), 1.0, jnp.float32)
        for k in range(NV):
            out_v[b, pl.ds(k * LANES, LANES)] = jnp.where(
                acc[k] > 0.0, one, -one)

    for b in range(NBUF):
        start_gather(b, b)

    def outer(i, _):
        row0 = NBUF * i
        for b in range(NBUF):
            drain(b)
            accumulate(row0 + b, b)

            @pl.when(row0 + b + NBUF < BPW)
            def _():
                start_gather(row0 + b + NBUF, b)
        return 0

    lax.fori_loop(0, BPW // NBUF, outer, 0)

    pltpu.sync_copy(out_v, out_hbm.at[pl.ds(base, BPW)])


@jax.jit
def _encoder(x3, embed_weight):
    mesh = plsc.VectorSubcoreMesh(
        core_axis_name="c", subcore_axis_name="s", num_cores=NC,
        num_subcores=NS)
    return pl.kernel(
        _encoder_body,
        out_type=jax.ShapeDtypeStruct((BATCH, DIM), jnp.float32),
        mesh=mesh,
        scratch_types=[
            pltpu.VMEM((BPW, HPAD // LANES, LANES), jnp.int32),
            pltpu.VMEM((NBUF, HPAD, DIM), jnp.float32),
            pltpu.VMEM((BPW, DIM), jnp.float32),
        ] + [pltpu.SemaphoreType.DMA] * NBUF,
        compiler_params=pltpu.CompilerParams(use_tc_tiling_on_sc=False),
    )(x3, embed_weight)


def kernel(x, embed_weight):
    x3 = jnp.pad(x, ((0, 0), (0, HPAD - HIST))).reshape(
        BATCH, HPAD // LANES, LANES)
    return _encoder(x3, embed_weight)

# --- scband reference (transcript-rebuilt; emitter-appended) ---
"""Pipeline reference for scband-encoder-4758823764201 (READ-ONLY COPY).

The authoritative reference and input builder live on the scoring server;
editing this copy changes nothing except your own understanding.
"""

import jax, jax.numpy as jnp
import numpy as np

SIZE = 1000000
DIM = 64
BATCH = 4096
HIST = 200

def setup_inputs(seed: int = 0) -> dict:
    key = jax.random.key(seed)
    k1, k2 = jax.random.split(key)
    # token/feature indices, as the torch harness feeds int64 which forward casts via .float().long()
    x = jax.random.randint(k1, (BATCH, HIST), 0, SIZE, dtype=jnp.int32)
    # torchhd.embeddings.Random produces random bipolar (+1/-1) MAP hypervectors, frozen (requires_grad=False)
    embed_weight = jnp.where(jax.random.uniform(k2, (SIZE, DIM)) > 0.5, 1.0, -1.0).astype(jnp.float32)
    return {"x": x, "embed_weight": embed_weight}

def reference(x, embed_weight):
    # forward: x = flatten(x).float(); sample_hv = torchhd.multiset(embed(x.long())); return torchhd.hard_quantize(sample_hv)
    flat = x.reshape(x.shape[0], -1).astype(jnp.float32)
    idx = flat.astype(jnp.int32)
    hv = jnp.take(embed_weight, idx, axis=0)          # embedding gather -> [B, L, D]
    sample_hv = jnp.sum(hv, axis=-2)                   # torchhd.multiset = sum over dim=-2 -> [B, D]
    out = jnp.where(sample_hv > 0, 1.0, -1.0).astype(jnp.float32)  # torchhd.hard_quantize
    return out

if __name__ == "__main__":
    import jax
    _d = setup_inputs()
    print(jax.jit(kernel)(*tuple(_d.values())))

</pallas_src>

<mosaic_0001>
#map = affine_map<(d0, d1) -> (0, 0, 0)>
#map1 = affine_map<(d0, d1) -> (0, 0)>
module attributes {stable_mosaic.version = 14 : i64} {
  func.func @_encoder_body(%arg0: i32, %arg1: i32, %arg2: memref<4096x13x16xi32, #tpu.memory_space<hbm>>, %arg3: memref<1000000x64xf32, #tpu.memory_space<hbm>>, %arg4: memref<4096x64xf32, #tpu.memory_space<hbm>>, %arg5: memref<128x13x16xi32, #tpu.memory_space<vmem>>, %arg6: memref<4x208x64xf32, #tpu.memory_space<vmem>>, %arg7: memref<128x64xf32, #tpu.memory_space<vmem>>, %arg8: memref<!tpu.dma_semaphore, #tpu.memory_space<semaphore_mem>>, %arg9: memref<!tpu.dma_semaphore, #tpu.memory_space<semaphore_mem>>, %arg10: memref<!tpu.dma_semaphore, #tpu.memory_space<semaphore_mem>>, %arg11: memref<!tpu.dma_semaphore, #tpu.memory_space<semaphore_mem>>) attributes {dimension_semantics = [#tpu.dimension_semantics<core_parallel>, #tpu.dimension_semantics<subcore_parallel>], iteration_bounds = array<i64: 2, 16>, scalar_prefetch = 0 : i64, scratch_operands = 7 : i64, tpu.core_type = #tpu.core_type<sc_vector_subcore>, window_params = [{transform_indices = #map}, {transform_indices = #map1}, {transform_indices = #map1}]} {
    %mul3A = arith.constant 2 : i32
    %mul3A_0 = arith.muli %arg1, %mul3A : i32
    %add3A = arith.addi %mul3A_0, %arg0 : i32
    %mul3A_1 = arith.constant 128 : i32
    %mul3A_2 = arith.muli %add3A, %mul3A_1 : i32
    "tpu.region"() ({
      %run_scoped3A = tpu.sem_alloc : memref<!tpu.dma_semaphore, #tpu.memory_space<semaphore_mem>>
      %dma_start3A_787 = arith.constant 0 : i32
      %dma_start3A_788 = arith.constant 0 : i32
      %dma_start3A_789 = tpu.memref_slice %arg2[%mul3A_2, %dma_start3A_787, %dma_start3A_788] : memref<4096x13x16xi32, #tpu.memory_space<hbm>> -> memref<128x13x16xi32, #tpu.memory_space<hbm>>
      %dma_start3A_790 = arith.constant 0 : i32
      %dma_start3A_791 = arith.constant 0 : i32
      %dma_start3A_792 = tpu.memref_slice %arg2[%mul3A_2, %dma_start3A_790, %dma_start3A_791] : memref<4096x13x16xi32, #tpu.memory_space<hbm>> -> memref<128x13x16xi32, #tpu.memory_space<hbm>>
      tpu.enqueue_dma source(%dma_start3A_792 : memref<128x13x16xi32, #tpu.memory_space<hbm>>) target(%arg5 : memref<128x13x16xi32, #tpu.memory_space<vmem>>) target_semaphore(%run_scoped3A : memref<!tpu.dma_semaphore, #tpu.memory_space<semaphore_mem>>)
      %dma_wait3A = arith.constant 0 : i32
      %dma_wait3A_793 = arith.constant 0 : i32
      %dma_wait3A_794 = tpu.memref_slice %arg2[%mul3A_2, %dma_wait3A, %dma_wait3A_793] : memref<4096x13x16xi32, #tpu.memory_space<hbm>> -> memref<128x13x16xi32, #tpu.memory_space<hbm>>
      %dma_wait3A_795 = arith.constant 0 : i32
      %dma_wait3A_796 = arith.constant 0 : i32
      %dma_wait3A_797 = tpu.memref_slice %arg2[%mul3A_2, %dma_wait3A_795, %dma_wait3A_796] : memref<4096x13x16xi32, #tpu.memory_space<hbm>> -> memref<128x13x16xi32, #tpu.memory_space<hbm>>
      tpu.wait_dma2 semaphore(%run_scoped3A : memref<!tpu.dma_semaphore, #tpu.memory_space<semaphore_mem>>) src(%dma_wait3A_797 : memref<128x13x16xi32, #tpu.memory_space<hbm>>) dst(%arg5 : memref<128x13x16xi32, #tpu.memory_space<vmem>>)
      tpu.yield
    }) : () -> ()
    %get3A = arith.constant 0 : i32
    %get3A_3 = arith.constant 0 : i32
    %get3A_4 = arith.index_cast %get3A : i32 to index
    %get3A_5 = arith.index_cast %get3A_3 : i32 to index
    %get3A_6 = arith.constant 0 : index
    %get3A_7 = tpu.vector_load %arg5[%get3A_4, %get3A_5, %get3A_6] {strides = array<i32>} : memref<128x13x16xi32, #tpu.memory_space<vmem>>, vector<1x1x16xi32>,
    %get3A_8 = vector.shape_cast %get3A_7 : vector<1x1x16xi32> to vector<16xi32>
    %dma_start3A = arith.constant 0 : i32
    %dma_start3A_9 = arith.constant 0 : i32
    %dma_start3A_10 = arith.constant 0 : i32
    %dma_start3A_11 = tpu.memref_slice %arg6[%dma_start3A, %dma_start3A_9, %dma_start3A_10] : memref<4x208x64xf32, #tpu.memory_space<vmem>> -> memref<1x16x64xf32, #tpu.memory_space<vmem>>
    %dma_start3A_12 = tpu.memref_squeeze %dma_start3A_11 : memref<1x16x64xf32, #tpu.memory_space<vmem>> -> memref<16x64xf32, #tpu.memory_space<vmem>>
    %dma_start3A_13 = arith.constant 0 : i32
    %dma_start3A_14 = arith.constant 0 : i32
    %dma_start3A_15 = tpu.memref_slice %arg3[%dma_start3A_13, %dma_start3A_14] : memref<1000000x64xf32, #tpu.memory_space<hbm>> -> memref<1000000x64xf32, #tpu.memory_space<hbm>>
    tpu.enqueue_indirect_dma source(%dma_start3A_15 : memref<1000000x64xf32, #tpu.memory_space<hbm>>) target(%dma_start3A_12 : memref<16x64xf32, #tpu.memory_space<vmem>>) offsets(%get3A_8 : vector<16xi32>) semaphore(%arg8 : memref<!tpu.dma_semaphore, #tpu.memory_space<semaphore_mem>>)
    %get3A_16 = arith.constant 0 : i32
    %get3A_17 = arith.constant 1 : i32
    %get3A_18 = arith.index_cast %get3A_16 : i32 to index
    %get3A_19 = arith.index_cast %get3A_17 : i32 to index
    %get3A_20 = arith.constant 0 : index
    %get3A_21 = tpu.vector_load %arg5[%get3A_18, %get3A_19, %get3A_20] {strides = array<i32>} : memref<128x13x16xi32, #tpu.memory_space<vmem>>, vector<1x1x16xi32>,
    %get3A_22 = vector.shape_cast %get3A_21 : vector<1x1x16xi32> to vector<16xi32>
    %dma_start3A_23 = arith.constant 0 : i32
    %dma_start3A_24 = arith.constant 16 : i32
    %dma_start3A_25 = arith.constant 0 : i32
    %dma_start3A_26 = tpu.memref_slice %arg6[%dma_start3A_23, %dma_start3A_24, %dma_start3A_25] : memref<4x208x64xf32, #tpu.memory_space<vmem>> -> memref<1x16x64xf32, #tpu.memory_space<vmem>>
    %dma_start3A_27 = tpu.memref_squeeze %dma_start3A_26 : memref<1x16x64xf32, #tpu.memory_space<vmem>> -> memref<16x64xf32, #tpu.memory_space<vmem>>
    %dma_start3A_28 = arith.constant 0 : i32
    %dma_start3A_29 = arith.constant 0 : i32
    %dma_start3A_30 = tpu.memref_slice %arg3[%dma_start3A_28, %dma_start3A_29] : memref<1000000x64xf32, #tpu.memory_space<hbm>> -> memref<1000000x64xf32, #tpu.memory_space<hbm>>
    tpu.enqueue_indirect_dma source(%dma_start3A_30 : memref<1000000x64xf32, #tpu.memory_space<hbm>>) target(%dma_start3A_27 : memref<16x64xf32, #tpu.memory_space<vmem>>) offsets(%get3A_22 : vector<16xi32>) semaphore(%arg8 : memref<!tpu.dma_semaphore, #tpu.memory_space<semaphore_mem>>)
    %get3A_31 = arith.constant 0 : i32
    %get3A_32 = arith.constant 2 : i32
    %get3A_33 = arith.index_cast %get3A_31 : i32 to index
    %get3A_34 = arith.index_cast %get3A_32 : i32 to index
    %get3A_35 = arith.constant 0 : index
    %get3A_36 = tpu.vector_load %arg5[%get3A_33, %get3A_34, %get3A_35] {strides = array<i32>} : memref<128x13x16xi32, #tpu.memory_space<vmem>>, vector<1x1x16xi32>,
    %get3A_37 = vector.shape_cast %get3A_36 : vector<1x1x16xi32> to vector<16xi32>
    %dma_start3A_38 = arith.constant 0 : i32
    %dma_start3A_39 = arith.constant 32 : i32
    %dma_start3A_40 = arith.constant 0 : i32
    %dma_start3A_41 = tpu.memref_slice %arg6[%dma_start3A_38, %dma_start3A_39, %dma_start3A_40] : memref<4x208x64xf32, #tpu.memory_space<vmem>> -> memref<1x16x64xf32, #tpu.memory_space<vmem>>
    %dma_start3A_42 = tpu.memref_squeeze %dma_start3A_41 : memref<1x16x64xf32, #tpu.memory_space<vmem>> -> memref<16x64xf32, #tpu.memory_space<vmem>>
    %dma_start3A_43 = arith.constant 0 : i32
    %dma_start3A_44 = arith.constant 0 : i32
    %dma_start3A_45 = tpu.memref_slice %arg3[%dma_start3A_43, %dma_start3A_44] : memref<1000000x64xf32, #tpu.memory_space<hbm>> -> memref<1000000x64xf32, #tpu.memory_space<hbm>>
    tpu.enqueue_indirect_dma source(%dma_start3A_45 : memref<1000000x64xf32, #tpu.memory_space<hbm>>) target(%dma_start3A_42 : memref<16x64xf32, #tpu.memory_space<vmem>>) offsets(%get3A_37 : vector<16xi32>) semaphore(%arg8 : memref<!tpu.dma_semaphore, #tpu.memory_space<semaphore_mem>>)
    %get3A_46 = arith.constant 0 : i32
    %get3A_47 = arith.constant 3 : i32
    %get3A_48 = arith.index_cast %get3A_46 : i32 to index
    %get3A_49 = arith.index_cast %get3A_47 : i32 to index
    %get3A_50 = arith.constant 0 : index
    %get3A_51 = tpu.vector_load %arg5[%get3A_48, %get3A_49, %get3A_50] {strides = array<i32>} : memref<128x13x16xi32, #tpu.memory_space<vmem>>, vector<1x1x16xi32>,
    %get3A_52 = vector.shape_cast %get3A_51 : vector<1x1x16xi32> to vector<16xi32>
    %dma_start3A_53 = arith.constant 0 : i32
    %dma_start3A_54 = arith.constant 48 : i32
    %dma_start3A_55 = arith.constant 0 : i32
    %dma_start3A_56 = tpu.memref_slice %arg6[%dma_start3A_53, %dma_start3A_54, %dma_start3A_55] : memref<4x208x64xf32, #tpu.memory_space<vmem>> -> memref<1x16x64xf32, #tpu.memory_space<vmem>>
    %dma_start3A_57 = tpu.memref_squeeze %dma_start3A_56 : memref<1x16x64xf32, #tpu.memory_space<vmem>> -> memref<16x64xf32, #tpu.memory_space<vmem>>
    %dma_start3A_58 = arith.constant 0 : i32
    %dma_start3A_59 = arith.constant 0 : i32
    %dma_start3A_60 = tpu.memref_slice %arg3[%dma_start3A_58, %dma_start3A_59] : memref<1000000x64xf32, #tpu.memory_space<hbm>> -> memref<1000000x64xf32, #tpu.memory_space<hbm>>
    tpu.enqueue_indirect_dma source(%dma_start3A_60 : memref<1000000x64xf32, #tpu.memory_space<hbm>>) target(%dma_start3A_57 : memref<16x64xf32, #tpu.memory_space<vmem>>) offsets(%get3A_52 : vector<16xi32>) semaphore(%arg8 : memref<!tpu.dma_semaphore, #tpu.memory_space<semaphore_mem>>)
    %get3A_61 = arith.constant 0 : i32
    %get3A_62 = arith.constant 4 : i32
    %get3A_63 = arith.index_cast %get3A_61 : i32 to index
    %get3A_64 = arith.index_cast %get3A_62 : i32 to index
    %get3A_65 = arith.constant 0 : index
    %get3A_66 = tpu.vector_load %arg5[%get3A_63, %get3A_64, %get3A_65] {strides = array<i32>} : memref<128x13x16xi32, #tpu.memory_space<vmem>>, vector<1x1x16xi32>,
    %get3A_67 = vector.shape_cast %get3A_66 : vector<1x1x16xi32> to vector<16xi32>
    %dma_start3A_68 = arith.constant 0 : i32
    %dma_start3A_69 = arith.constant 64 : i32
    %dma_start3A_70 = arith.constant 0 : i32
    %dma_start3A_71 = tpu.memref_slice %arg6[%dma_start3A_68, %dma_start3A_69, %dma_start3A_70] : memref<4x208x64xf32, #tpu.memory_space<vmem>> -> memref<1x16x64xf32, #tpu.memory_space<vmem>>
    %dma_start3A_72 = tpu.memref_squeeze %dma_start3A_71 : memref<1x16x64xf32, #tpu.memory_space<vmem>> -> memref<16x64xf32, #tpu.memory_space<vmem>>
    %dma_start3A_73 = arith.constant 0 : i32
    %dma_start3A_74 = arith.constant 0 : i32
    %dma_start3A_75 = tpu.memref_slice %arg3[%dma_start3A_73, %dma_start3A_74] : memref<1000000x64xf32, #tpu.memory_space<hbm>> -> memref<1000000x64xf32, #tpu.memory_space<hbm>>
    tpu.enqueue_indirect_dma source(%dma_start3A_75 : memref<1000000x64xf32, #tpu.memory_space<hbm>>) target(%dma_start3A_72 : memref<16x64xf32, #tpu.memory_space<vmem>>) offsets(%get3A_67 : vector<16xi32>) semaphore(%arg8 : memref<!tpu.dma_semaphore, #tpu.memory_space<semaphore_mem>>)
    %get3A_76 = arith.constant 0 : i32
    %get3A_77 = arith.constant 5 : i32
    %get3A_78 = arith.index_cast %get3A_76 : i32 to index
    %get3A_79 = arith.index_cast %get3A_77 : i32 to index
    %get3A_80 = arith.constant 0 : index
    %get3A_81 = tpu.vector_load %arg5[%get3A_78, %get3A_79, %get3A_80] {strides = array<i32>} : memref<128x13x16xi32, #tpu.memory_space<vmem>>, vector<1x1x16xi32>,
    %get3A_82 = vector.shape_cast %get3A_81 : vector<1x1x16xi32> to vector<16xi32>
    %dma_start3A_83 = arith.constant 0 : i32
    %dma_start3A_84 = arith.constant 80 : i32
    %dma_start3A_85 = arith.constant 0 : i32
    %dma_start3A_86 = tpu.memref_slice %arg6[%dma_start3A_83, %dma_start3A_84, %dma_start3A_85] : memref<4x208x64xf32, #tpu.memory_space<vmem>> -> memref<1x16x64xf32, #tpu.memory_space<vmem>>
    %dma_start3A_87 = tpu.memref_squeeze %dma_start3A_86 : memref<1x16x64xf32, #tpu.memory_space<vmem>> -> memref<16x64xf32, #tpu.memory_space<vmem>>
    %dma_start3A_88 = arith.constant 0 : i32
    %dma_start3A_89 = arith.constant 0 : i32
    %dma_start3A_90 = tpu.memref_slice %arg3[%dma_start3A_88, %dma_start3A_89] : memref<1000000x64xf32, #tpu.memory_space<hbm>> -> memref<1000000x64xf32, #tpu.memory_space<hbm>>
    tpu.enqueue_indirect_dma source(%dma_start3A_90 : memref<1000000x64xf32, #tpu.memory_space<hbm>>) target(%dma_start3A_87 : memref<16x64xf32, #tpu.memory_space<vmem>>) offsets(%get3A_82 : vector<16xi32>) semaphore(%arg8 : memref<!tpu.dma_semaphore, #tpu.memory_space<semaphore_mem>>)
    %get3A_91 = arith.constant 0 : i32
    %get3A_92 = arith.constant 6 : i32
    %get3A_93 = arith.index_cast %get3A_91 : i32 to index
    %get3A_94 = arith.index_cast %get3A_92 : i32 to index
    %get3A_95 = arith.constant 0 : index
    %get3A_96 = tpu.vector_load %arg5[%get3A_93, %get3A_94, %get3A_95] {strides = array<i32>} : memref<128x13x16xi32, #tpu.memory_space<vmem>>, vector<1x1x16xi32>,
    %get3A_97 = vector.shape_cast %get3A_96 : vector<1x1x16xi32> to vector<16xi32>
    %dma_start3A_98 = arith.constant 0 : i32
    %dma_start3A_99 = arith.constant 96 : i32
    %dma_start3A_100 = arith.constant 0 : i32
    %dma_start3A_101 = tpu.memref_slice %arg6[%dma_start3A_98, %dma_start3A_99, %dma_start3A_100] : memref<4x208x64xf32, #tpu.memory_space<vmem>> -> memref<1x16x64xf32, #tpu.memory_space<vmem>>
    %dma_start3A_102 = tpu.memref_squeeze %dma_start3A_101 : memref<1x16x64xf32, #tpu.memory_space<vmem>> -> memref<16x64xf32, #tpu.memory_space<vmem>>
    %dma_start3A_103 = arith.constant 0 : i32
    %dma_start3A_104 = arith.constant 0 : i32
    %dma_start3A_105 = tpu.memref_slice %arg3[%dma_start3A_103, %dma_start3A_104] : memref<1000000x64xf32, #tpu.memory_space<hbm>> -> memref<1000000x64xf32, #tpu.memory_space<hbm>>
    tpu.enqueue_indirect_dma source(%dma_start3A_105 : memref<1000000x64xf32, #tpu.memory_space<hbm>>) target(%dma_start3A_102 : memref<16x64xf32, #tpu.memory_space<vmem>>) offsets(%get3A_97 : vector<16xi32>) semaphore(%arg8 : memref<!tpu.dma_semaphore, #tpu.memory_space<semaphore_mem>>)
    %get3A_106 = arith.constant 0 : i32
    %get3A_107 = arith.constant 7 : i32
    %get3A_108 = arith.index_cast %get3A_106 : i32 to index
    %get3A_109 = arith.index_cast %get3A_107 : i32 to index
    %get3A_110 = arith.constant 0 : index
    %get3A_111 = tpu.vector_load %arg5[%get3A_108, %get3A_109, %get3A_110] {strides = array<i32>} : memref<128x13x16xi32, #tpu.memory_space<vmem>>, vector<1x1x16xi32>,
    %get3A_112 = vector.shape_cast %get3A_111 : vector<1x1x16xi32> to vector<16xi32>
    %dma_start3A_113 = arith.constant 0 : i32
    %dma_start3A_114 = arith.constant 112 : i32
    %dma_start3A_115 = arith.constant 0 : i32
    %dma_start3A_116 = tpu.memref_slice %arg6[%dma_start3A_113, %dma_start3A_114, %dma_start3A_115] : memref<4x208x64xf32, #tpu.memory_space<vmem>> -> memref<1x16x64xf32, #tpu.memory_space<vmem>>
    %dma_start3A_117 = tpu.memref_squeeze %dma_start3A_116 : memref<1x16x64xf32, #tpu.memory_space<vmem>> -> memref<16x64xf32, #tpu.memory_space<vmem>>
    %dma_start3A_118 = arith.constant 0 : i32
    %dma_start3A_119 = arith.constant 0 : i32
    %dma_start3A_120 = tpu.memref_slice %arg3[%dma_start3A_118, %dma_start3A_119] : memref<1000000x64xf32, #tpu.memory_space<hbm>> -> memref<1000000x64xf32, #tpu.memory_space<hbm>>
    tpu.enqueue_indirect_dma source(%dma_start3A_120 : memref<1000000x64xf32, #tpu.memory_space<hbm>>) target(%dma_start3A_117 : memref<16x64xf32, #tpu.memory_space<vmem>>) offsets(%get3A_112 : vector<16xi32>) semaphore(%arg8 : memref<!tpu.dma_semaphore, #tpu.memory_space<semaphore_mem>>)
    %get3A_121 = arith.constant 0 : i32
    %get3A_122 = arith.constant 8 : i32
    %get3A_123 = arith.index_cast %get3A_121 : i32 to index
    %get3A_124 = arith.index_cast %get3A_122 : i32 to index
    %get3A_125 = arith.constant 0 : index
    %get3A_126 = tpu.vector_load %arg5[%get3A_123, %get3A_124, %get3A_125] {strides = array<i32>} : memref<128x13x16xi32, #tpu.memory_space<vmem>>, vector<1x1x16xi32>,
    %get3A_127 = vector.shape_cast %get3A_126 : vector<1x1x16xi32> to vector<16xi32>
    %dma_start3A_128 = arith.constant 0 : i32
    %dma_start3A_129 = arith.constant 128 : i32
    %dma_start3A_130 = arith.constant 0 : i32
    %dma_start3A_131 = tpu.memref_slice %arg6[%dma_start3A_128, %dma_start3A_129, %dma_start3A_130] : memref<4x208x64xf32, #tpu.memory_space<vmem>> -> memref<1x16x64xf32, #tpu.memory_space<vmem>>
    %dma_start3A_132 = tpu.memref_squeeze %dma_start3A_131 : memref<1x16x64xf32, #tpu.memory_space<vmem>> -> memref<16x64xf32, #tpu.memory_space<vmem>>
    %dma_start3A_133 = arith.constant 0 : i32
    %dma_start3A_134 = arith.constant 0 : i32
    %dma_start3A_135 = tpu.memref_slice %arg3[%dma_start3A_133, %dma_start3A_134] : memref<1000000x64xf32, #tpu.memory_space<hbm>> -> memref<1000000x64xf32, #tpu.memory_space<hbm>>
    tpu.enqueue_indirect_dma source(%dma_start3A_135 : memref<1000000x64xf32, #tpu.memory_space<hbm>>) target(%dma_start3A_132 : memref<16x64xf32, #tpu.memory_space<vmem>>) offsets(%get3A_127 : vector<16xi32>) semaphore(%arg8 : memref<!tpu.dma_semaphore, #tpu.memory_space<semaphore_mem>>)
    %get3A_136 = arith.constant 0 : i32
    %get3A_137 = arith.constant 9 : i32
    %get3A_138 = arith.index_cast %get3A_136 : i32 to index
    %get3A_139 = arith.index_cast %get3A_137 : i32 to index
    %get3A_140 = arith.constant 0 : index
    %get3A_141 = tpu.vector_load %arg5[%get3A_138, %get3A_139, %get3A_140] {strides = array<i32>} : memref<128x13x16xi32, #tpu.memory_space<vmem>>, vector<1x1x16xi32>,
    %get3A_142 = vector.shape_cast %get3A_141 : vector<1x1x16xi32> to vector<16xi32>
    %dma_start3A_143 = arith.constant 0 : i32
    %dma_start3A_144 = arith.constant 144 : i32
    %dma_start3A_145 = arith.constant 0 : i32
    %dma_start3A_146 = tpu.memref_slice %arg6[%dma_start3A_143, %dma_start3A_144, %dma_start3A_145] : memref<4x208x64xf32, #tpu.memory_space<vmem>> -> memref<1x16x64xf32, #tpu.memory_space<vmem>>
    %dma_start3A_147 = tpu.memref_squeeze %dma_start3A_146 : memref<1x16x64xf32, #tpu.memory_space<vmem>> -> memref<16x64xf32, #tpu.memory_space<vmem>>
    %dma_start3A_148 = arith.constant 0 : i32
    %dma_start3A_149 = arith.constant 0 : i32
    %dma_start3A_150 = tpu.memref_slice %arg3[%dma_start3A_148, %dma_start3A_149] : memref<1000000x64xf32, #tpu.memory_space<hbm>> -> memref<1000000x64xf32, #tpu.memory_space<hbm>>
    tpu.enqueue_indirect_dma source(%dma_start3A_150 : memref<1000000x64xf32, #tpu.memory_space<hbm>>) target(%dma_start3A_147 : memref<16x64xf32, #tpu.memory_space<vmem>>) offsets(%get3A_142 : vector<16xi32>) semaphore(%arg8 : memref<!tpu.dma_semaphore, #tpu.memory_space<semaphore_mem>>)
    %get3A_151 = arith.constant 0 : i32
    %get3A_152 = arith.constant 10 : i32
    %get3A_153 = arith.index_cast %get3A_151 : i32 to index
    %get3A_154 = arith.index_cast %get3A_152 : i32 to index
    %get3A_155 = arith.constant 0 : index
    %get3A_156 = tpu.vector_load %arg5[%get3A_153, %get3A_154, %get3A_155] {strides = array<i32>} : memref<128x13x16xi32, #tpu.memory_space<vmem>>, vector<1x1x16xi32>,
    %get3A_157 = vector.shape_cast %get3A_156 : vector<1x1x16xi32> to vector<16xi32>
    %dma_start3A_158 = arith.constant 0 : i32
    %dma_start3A_159 = arith.constant 160 : i32
    %dma_start3A_160 = arith.constant 0 : i32
    %dma_start3A_161 = tpu.memref_slice %arg6[%dma_start3A_158, %dma_start3A_159, %dma_start3A_160] : memref<4x208x64xf32, #tpu.memory_space<vmem>> -> memref<1x16x64xf32, #tpu.memory_space<vmem>>
    %dma_start3A_162 = tpu.memref_squeeze %dma_start3A_161 : memref<1x16x64xf32, #tpu.memory_space<vmem>> -> memref<16x64xf32, #tpu.memory_space<vmem>>
    %dma_start3A_163 = arith.constant 0 : i32
    %dma_start3A_164 = arith.constant 0 : i32
    %dma_start3A_165 = tpu.memref_slice %arg3[%dma_start3A_163, %dma_start3A_164] : memref<1000000x64xf32, #tpu.memory_space<hbm>> -> memref<1000000x64xf32, #tpu.memory_space<hbm>>
    tpu.enqueue_indirect_dma source(%dma_start3A_165 : memref<1000000x64xf32, #tpu.memory_space<hbm>>) target(%dma_start3A_162 : memref<16x64xf32, #tpu.memory_space<vmem>>) offsets(%get3A_157 : vector<16xi32>) semaphore(%arg8 : memref<!tpu.dma_semaphore, #tpu.memory_space<semaphore_mem>>)
    %get3A_166 = arith.constant 0 : i32
    %get3A_167 = arith.constant 11 : i32
    %get3A_168 = arith.index_cast %get3A_166 : i32 to index
    %get3A_169 = arith.index_cast %get3A_167 : i32 to index
    %get3A_170 = arith.constant 0 : index
    %get3A_171 = tpu.vector_load %arg5[%get3A_168, %get3A_169, %get3A_170] {strides = array<i32>} : memref<128x13x16xi32, #tpu.memory_space<vmem>>, vector<1x1x16xi32>,
    %get3A_172 = vector.shape_cast %get3A_171 : vector<1x1x16xi32> to vector<16xi32>
    %dma_start3A_173 = arith.constant 0 : i32
    %dma_start3A_174 = arith.constant 176 : i32
    %dma_start3A_175 = arith.constant 0 : i32
    %dma_start3A_176 = tpu.memref_slice %arg6[%dma_start3A_173, %dma_start3A_174, %dma_start3A_175] : memref<4x208x64xf32, #tpu.memory_space<vmem>> -> memref<1x16x64xf32, #tpu.memory_space<vmem>>
    %dma_start3A_177 = tpu.memref_squeeze %dma_start3A_176 : memref<1x16x64xf32, #tpu.memory_space<vmem>> -> memref<16x64xf32, #tpu.memory_space<vmem>>
    %dma_start3A_178 = arith.constant 0 : i32
    %dma_start3A_179 = arith.constant 0 : i32
    %dma_start3A_180 = tpu.memref_slice %arg3[%dma_start3A_178, %dma_start3A_179] : memref<1000000x64xf32, #tpu.memory_space<hbm>> -> memref<1000000x64xf32, #tpu.memory_space<hbm>>
    tpu.enqueue_indirect_dma source(%dma_start3A_180 : memref<1000000x64xf32, #tpu.memory_space<hbm>>) target(%dma_start3A_177 : memref<16x64xf32, #tpu.memory_space<vmem>>) offsets(%get3A_172 : vector<16xi32>) semaphore(%arg8 : memref<!tpu.dma_semaphore, #tpu.memory_space<semaphore_mem>>)
    %get3A_181 = arith.constant 0 : i32
    %get3A_182 = arith.constant 12 : i32
    %get3A_183 = arith.index_cast %get3A_181 : i32 to index
    %get3A_184 = arith.index_cast %get3A_182 : i32 to index
    %get3A_185 = arith.constant 0 : index
    %get3A_186 = tpu.vector_load %arg5[%get3A_183, %get3A_184, %get3A_185] {strides = array<i32>} : memref<128x13x16xi32, #tpu.memory_space<vmem>>, vector<1x1x16xi32>,
    %get3A_187 = vector.shape_cast %get3A_186 : vector<1x1x16xi32> to vector<16xi32>
    %dma_start3A_188 = arith.constant 0 : i32
    %dma_start3A_189 = arith.constant 192 : i32
    %dma_start3A_190 = arith.constant 0 : i32
    %dma_start3A_191 = tpu.memref_slice %arg6[%dma_start3A_188, %dma_start3A_189, %dma_start3A_190] : memref<4x208x64xf32, #tpu.memory_space<vmem>> -> memref<1x16x64xf32, #tpu.memory_space<vmem>>
    %dma_start3A_192 = tpu.memref_squeeze %dma_start3A_191 : memref<1x16x64xf32, #tpu.memory_space<vmem>> -> memref<16x64xf32, #tpu.memory_space<vmem>>
    %dma_start3A_193 = arith.constant 0 : i32
    %dma_start3A_194 = arith.constant 0 : i32
    %dma_start3A_195 = tpu.memref_slice %arg3[%dma_start3A_193, %dma_start3A_194] : memref<1000000x64xf32, #tpu.memory_space<hbm>> -> memref<1000000x64xf32, #tpu.memory_space<hbm>>
    tpu.enqueue_indirect_dma source(%dma_start3A_195 : memref<1000000x64xf32, #tpu.memory_space<hbm>>) target(%dma_start3A_192 : memref<16x64xf32, #tpu.memory_space<vmem>>) offsets(%get3A_187 : vector<16xi32>) semaphore(%arg8 : memref<!tpu.dma_semaphore, #tpu.memory_space<semaphore_mem>>)
    %get3A_196 = arith.constant 1 : i32
    %get3A_197 = arith.constant 0 : i32
    %get3A_198 = arith.index_cast %get3A_196 : i32 to index
    %get3A_199 = arith.index_cast %get3A_197 : i32 to index
    %get3A_200 = arith.constant 0 : index
    %get3A_201 = tpu.vector_load %arg5[%get3A_198, %get3A_199, %get3A_200] {strides = array<i32>} : memref<128x13x16xi32, #tpu.memory_space<vmem>>, vector<1x1x16xi32>,
    %get3A_202 = vector.shape_cast %get3A_201 : vector<1x1x16xi32> to vector<16xi32>
    %dma_start3A_203 = arith.constant 1 : i32
    %dma_start3A_204 = arith.constant 0 : i32
    %dma_start3A_205 = arith.constant 0 : i32
    %dma_start3A_206 = tpu.memref_slice %arg6[%dma_start3A_203, %dma_start3A_204, %dma_start3A_205] : memref<4x208x64xf32, #tpu.memory_space<vmem>> -> memref<1x16x64xf32, #tpu.memory_space<vmem>>
    %dma_start3A_207 = tpu.memref_squeeze %dma_start3A_206 : memref<1x16x64xf32, #tpu.memory_space<vmem>> -> memref<16x64xf32, #tpu.memory_space<vmem>>
    %dma_start3A_208 = arith.constant 0 : i32
    %dma_start3A_209 = arith.constant 0 : i32
    %dma_start3A_210 = tpu.memref_slice %arg3[%dma_start3A_208, %dma_start3A_209] : memref<1000000x64xf32, #tpu.memory_space<hbm>> -> memref<1000000x64xf32, #tpu.memory_space<hbm>>
    tpu.enqueue_indirect_dma source(%dma_start3A_210 : memref<1000000x64xf32, #tpu.memory_space<hbm>>) target(%dma_start3A_207 : memref<16x64xf32, #tpu.memory_space<vmem>>) offsets(%get3A_202 : vector<16xi32>) semaphore(%arg9 : memref<!tpu.dma_semaphore, #tpu.memory_space<semaphore_mem>>)
    %get3A_211 = arith.constant 1 : i32
    %get3A_212 = arith.constant 1 : i32
    %get3A_213 = arith.index_cast %get3A_211 : i32 to index
    %get3A_214 = arith.index_cast %get3A_212 : i32 to index
    %get3A_215 = arith.constant 0 : index
    %get3A_216 = tpu.vector_load %arg5[%get3A_213, %get3A_214, %get3A_215] {strides = array<i32>} : memref<128x13x16xi32, #tpu.memory_space<vmem>>, vector<1x1x16xi32>,
    %get3A_217 = vector.shape_cast %get3A_216 : vector<1x1x16xi32> to vector<16xi32>
    %dma_start3A_218 = arith.constant 1 : i32
    %dma_start3A_219 = arith.constant 16 : i32
    %dma_start3A_220 = arith.constant 0 : i32
    %dma_start3A_221 = tpu.memref_slice %arg6[%dma_start3A_218, %dma_start3A_219, %dma_start3A_220] : memref<4x208x64xf32, #tpu.memory_space<vmem>> -> memref<1x16x64xf32, #tpu.memory_space<vmem>>
    %dma_start3A_222 = tpu.memref_squeeze %dma_start3A_221 : memref<1x16x64xf32, #tpu.memory_space<vmem>> -> memref<16x64xf32, #tpu.memory_space<vmem>>
    %dma_start3A_223 = arith.constant 0 : i32
    %dma_start3A_224 = arith.constant 0 : i32
    %dma_start3A_225 = tpu.memref_slice %arg3[%dma_start3A_223, %dma_start3A_224] : memref<1000000x64xf32, #tpu.memory_space<hbm>> -> memref<1000000x64xf32, #tpu.memory_space<hbm>>
    tpu.enqueue_indirect_dma source(%dma_start3A_225 : memref<1000000x64xf32, #tpu.memory_space<hbm>>) target(%dma_start3A_222 : memref<16x64xf32, #tpu.memory_space<vmem>>) offsets(%get3A_217 : vector<16xi32>) semaphore(%arg9 : memref<!tpu.dma_semaphore, #tpu.memory_space<semaphore_mem>>)
    %get3A_226 = arith.constant 1 : i32
    %get3A_227 = arith.constant 2 : i32
    %get3A_228 = arith.index_cast %get3A_226 : i32 to index
    %get3A_229 = arith.index_cast %get3A_227 : i32 to index
    %get3A_230 = arith.constant 0 : index
    %get3A_231 = tpu.vector_load %arg5[%get3A_228, %get3A_229, %get3A_230] {strides = array<i32>} : memref<128x13x16xi32, #tpu.memory_space<vmem>>, vector<1x1x16xi32>,
    %get3A_232 = vector.shape_cast %get3A_231 : vector<1x1x16xi32> to vector<16xi32>
    %dma_start3A_233 = arith.constant 1 : i32
    %dma_start3A_234 = arith.constant 32 : i32
    %dma_start3A_235 = arith.constant 0 : i32
    %dma_start3A_236 = tpu.memref_slice %arg6[%dma_start3A_233, %dma_start3A_234, %dma_start3A_235] : memref<4x208x64xf32, #tpu.memory_space<vmem>> -> memref<1x16x64xf32, #tpu.memory_space<vmem>>
    %dma_start3A_237 = tpu.memref_squeeze %dma_start3A_236 : memref<1x16x64xf32, #tpu.memory_space<vmem>> -> memref<16x64xf32, #tpu.memory_space<vmem>>
    %dma_start3A_238 = arith.constant 0 : i32
    %dma_start3A_239 = arith.constant 0 : i32
    %dma_start3A_240 = tpu.memref_slice %arg3[%dma_start3A_238, %dma_start3A_239] : memref<1000000x64xf32, #tpu.memory_space<hbm>> -> memref<1000000x64xf32, #tpu.memory_space<hbm>>
    tpu.enqueue_indirect_dma source(%dma_start3A_240 : memref<1000000x64xf32, #tpu.memory_space<hbm>>) target(%dma_start3A_237 : memref<16x64xf32, #tpu.memory_space<vmem>>) offsets(%get3A_232 : vector<16xi32>) semaphore(%arg9 : memref<!tpu.dma_semaphore, #tpu.memory_space<semaphore_mem>>)
    %get3A_241 = arith.constant 1 : i32
    %get3A_242 = arith.constant 3 : i32
    %get3A_243 = arith.index_cast %get3A_241 : i32 to index
    %get3A_244 = arith.index_cast %get3A_242 : i32 to index
    %get3A_245 = arith.constant 0 : index
    %get3A_246 = tpu.vector_load %arg5[%get3A_243, %get3A_244, %get3A_245] {strides = array<i32>} : memref<128x13x16xi32, #tpu.memory_space<vmem>>, vector<1x1x16xi32>,
    %get3A_247 = vector.shape_cast %get3A_246 : vector<1x1x16xi32> to vector<16xi32>
    %dma_start3A_248 = arith.constant 1 : i32
    %dma_start3A_249 = arith.constant 48 : i32
    %dma_start3A_250 = arith.constant 0 : i32
    %dma_start3A_251 = tpu.memref_slice %arg6[%dma_start3A_248, %dma_start3A_249, %dma_start3A_250] : memref<4x208x64xf32, #tpu.memory_space<vmem>> -> memref<1x16x64xf32, #tpu.memory_space<vmem>>
    %dma_start3A_252 = tpu.memref_squeeze %dma_start3A_251 : memref<1x16x64xf32, #tpu.memory_space<vmem>> -> memref<16x64xf32, #tpu.memory_space<vmem>>
    %dma_start3A_253 = arith.constant 0 : i32
    %dma_start3A_254 = arith.constant 0 : i32
    %dma_start3A_255 = tpu.memref_slice %arg3[%dma_start3A_253, %dma_start3A_254] : memref<1000000x64xf32, #tpu.memory_space<hbm>> -> memref<1000000x64xf32, #tpu.memory_space<hbm>>
    tpu.enqueue_indirect_dma source(%dma_start3A_255 : memref<1000000x64xf32, #tpu.memory_space<hbm>>) target(%dma_start3A_252 : memref<16x64xf32, #tpu.memory_space<vmem>>) offsets(%get3A_247 : vector<16xi32>) semaphore(%arg9 : memref<!tpu.dma_semaphore, #tpu.memory_space<semaphore_mem>>)
    %get3A_256 = arith.constant 1 : i32
    %get3A_257 = arith.constant 4 : i32
    %get3A_258 = arith.index_cast %get3A_256 : i32 to index
    %get3A_259 = arith.index_cast %get3A_257 : i32 to index
    %get3A_260 = arith.constant 0 : index
    %get3A_261 = tpu.vector_load %arg5[%get3A_258, %get3A_259, %get3A_260] {strides = array<i32>} : memref<128x13x16xi32, #tpu.memory_space<vmem>>, vector<1x1x16xi32>,
    %get3A_262 = vector.shape_cast %get3A_261 : vector<1x1x16xi32> to vector<16xi32>
    %dma_start3A_263 = arith.constant 1 : i32
    %dma_start3A_264 = arith.constant 64 : i32
    %dma_start3A_265 = arith.constant 0 : i32
    %dma_start3A_266 = tpu.memref_slice %arg6[%dma_start3A_263, %dma_start3A_264, %dma_start3A_265] : memref<4x208x64xf32, #tpu.memory_space<vmem>> -> memref<1x16x64xf32, #tpu.memory_space<vmem>>
    %dma_start3A_267 = tpu.memref_squeeze %dma_start3A_266 : memref<1x16x64xf32, #tpu.memory_space<vmem>> -> memref<16x64xf32, #tpu.memory_space<vmem>>
    %dma_start3A_268 = arith.constant 0 : i32
    %dma_start3A_269 = arith.constant 0 : i32
    %dma_start3A_270 = tpu.memref_slice %arg3[%dma_start3A_268, %dma_start3A_269] : memref<1000000x64xf32, #tpu.memory_space<hbm>> -> memref<1000000x64xf32, #tpu.memory_space<hbm>>
    tpu.enqueue_indirect_dma source(%dma_start3A_270 : memref<1000000x64xf32, #tpu.memory_space<hbm>>) target(%dma_start3A_267 : memref<16x64xf32, #tpu.memory_space<vmem>>) offsets(%get3A_262 : vector<16xi32>) semaphore(%arg9 : memref<!tpu.dma_semaphore, #tpu.memory_space<semaphore_mem>>)
    %get3A_271 = arith.constant 1 : i32
    %get3A_272 = arith.constant 5 : i32
    %get3A_273 = arith.index_cast %get3A_271 : i32 to index
    %get3A_274 = arith.index_cast %get3A_272 : i32 to index
    %get3A_275 = arith.constant 0 : index
    %get3A_276 = tpu.vector_load %arg5[%get3A_273, %get3A_274, %get3A_275] {strides = array<i32>} : memref<128x13x16xi32, #tpu.memory_space<vmem>>, vector<1x1x16xi32>,
    %get3A_277 = vector.shape_cast %get3A_276 : vector<1x1x16xi32> to vector<16xi32>
    %dma_start3A_278 = arith.constant 1 : i32
    %dma_start3A_279 = arith.constant 80 : i32
    %dma_start3A_280 = arith.constant 0 : i32
    %dma_start3A_281 = tpu.memref_slice %arg6[%dma_start3A_278, %dma_start3A_279, %dma_start3A_280] : memref<4x208x64xf32, #tpu.memory_space<vmem>> -> memref<1x16x64xf32, #tpu.memory_space<vmem>>
    %dma_start3A_282 = tpu.memref_squeeze %dma_start3A_281 : memref<1x16x64xf32, #tpu.memory_space<vmem>> -> memref<16x64xf32, #tpu.memory_space<vmem>>
    %dma_start3A_283 = arith.constant 0 : i32
    %dma_start3A_284 = arith.constant 0 : i32
    %dma_start3A_285 = tpu.memref_slice %arg3[%dma_start3A_283, %dma_start3A_284] : memref<1000000x64xf32, #tpu.memory_space<hbm>> -> memref<1000000x64xf32, #tpu.memory_space<hbm>>
    tpu.enqueue_indirect_dma source(%dma_start3A_285 : memref<1000000x64xf32, #tpu.memory_space<hbm>>) target(%dma_start3A_282 : memref<16x64xf32, #tpu.memory_space<vmem>>) offsets(%get3A_277 : vector<16xi32>) semaphore(%arg9 : memref<!tpu.dma_semaphore, #tpu.memory_space<semaphore_mem>>)
    %get3A_286 = arith.constant 1 : i32
    %get3A_287 = arith.constant 6 : i32
    %get3A_288 = arith.index_cast %get3A_286 : i32 to index
    %get3A_289 = arith.index_cast %get3A_287 : i32 to index
    %get3A_290 = arith.constant 0 : index
    %get3A_291 = tpu.vector_load %arg5[%get3A_288, %get3A_289, %get3A_290] {strides = array<i32>} : memref<128x13x16xi32, #tpu.memory_space<vmem>>, vector<1x1x16xi32>,
    %get3A_292 = vector.shape_cast %get3A_291 : vector<1x1x16xi32> to vector<16xi32>
    %dma_start3A_293 = arith.constant 1 : i32
    %dma_start3A_294 = arith.constant 96 : i32
    %dma_start3A_295 = arith.constant 0 : i32
    %dma_start3A_296 = tpu.memref_slice %arg6[%dma_start3A_293, %dma_start3A_294, %dma_start3A_295] : memref<4x208x64xf32, #tpu.memory_space<vmem>> -> memref<1x16x64xf32, #tpu.memory_space<vmem>>
    %dma_start3A_297 = tpu.memref_squeeze %dma_start3A_296 : memref<1x16x64xf32, #tpu.memory_space<vmem>> -> memref<16x64xf32, #tpu.memory_space<vmem>>
    %dma_start3A_298 = arith.constant 0 : i32
    %dma_start3A_299 = arith.constant 0 : i32
    %dma_start3A_300 = tpu.memref_slice %arg3[%dma_start3A_298, %dma_start3A_299] : memref<1000000x64xf32, #tpu.memory_space<hbm>> -> memref<1000000x64xf32, #tpu.memory_space<hbm>>
    tpu.enqueue_indirect_dma source(%dma_start3A_300 : memref<1000000x64xf32, #tpu.memory_space<hbm>>) target(%dma_start3A_297 : memref<16x64xf32, #tpu.memory_space<vmem>>) offsets(%get3A_292 : vector<16xi32>) semaphore(%arg9 : memref<!tpu.dma_semaphore, #tpu.memory_space<semaphore_mem>>)
    %get3A_301 = arith.constant 1 : i32
    %get3A_302 = arith.constant 7 : i32
    %get3A_303 = arith.index_cast %get3A_301 : i32 to index
    %get3A_304 = arith.index_cast %get3A_302 : i32 to index
    %get3A_305 = arith.constant 0 : index
    %get3A_306 = tpu.vector_load %arg5[%get3A_303, %get3A_304, %get3A_305] {strides = array<i32>} : memref<128x13x16xi32, #tpu.memory_space<vmem>>, vector<1x1x16xi32>,
    %get3A_307 = vector.shape_cast %get3A_306 : vector<1x1x16xi32> to vector<16xi32>
    %dma_start3A_308 = arith.constant 1 : i32
    %dma_start3A_309 = arith.constant 112 : i32
    %dma_start3A_310 = arith.constant 0 : i32
    %dma_start3A_311 = tpu.memref_slice %arg6[%dma_start3A_308, %dma_start3A_309, %dma_start3A_310] : memref<4x208x64xf32, #tpu.memory_space<vmem>> -> memref<1x16x64xf32, #tpu.memory_space<vmem>>
    %dma_start3A_312 = tpu.memref_squeeze %dma_start3A_311 : memref<1x16x64xf32, #tpu.memory_space<vmem>> -> memref<16x64xf32, #tpu.memory_space<vmem>>
    %dma_start3A_313 = arith.constant 0 : i32
    %dma_start3A_314 = arith.constant 0 : i32
    %dma_start3A_315 = tpu.memref_slice %arg3[%dma_start3A_313, %dma_start3A_314] : memref<1000000x64xf32, #tpu.memory_space<hbm>> -> memref<1000000x64xf32, #tpu.memory_space<hbm>>
    tpu.enqueue_indirect_dma source(%dma_start3A_315 : memref<1000000x64xf32, #tpu.memory_space<hbm>>) target(%dma_start3A_312 : memref<16x64xf32, #tpu.memory_space<vmem>>) offsets(%get3A_307 : vector<16xi32>) semaphore(%arg9 : memref<!tpu.dma_semaphore, #tpu.memory_space<semaphore_mem>>)
    %get3A_316 = arith.constant 1 : i32
    %get3A_317 = arith.constant 8 : i32
    %get3A_318 = arith.index_cast %get3A_316 : i32 to index
    %get3A_319 = arith.index_cast %get3A_317 : i32 to index
    %get3A_320 = arith.constant 0 : index
    %get3A_321 = tpu.vector_load %arg5[%get3A_318, %get3A_319, %get3A_320] {strides = array<i32>} : memref<128x13x16xi32, #tpu.memory_space<vmem>>, vector<1x1x16xi32>,
    %get3A_322 = vector.shape_cast %get3A_321 : vector<1x1x16xi32> to vector<16xi32>
    %dma_start3A_323 = arith.constant 1 : i32
    %dma_start3A_324 = arith.constant 128 : i32
    %dma_start3A_325 = arith.constant 0 : i32
    %dma_start3A_326 = tpu.memref_slice %arg6[%dma_start3A_323, %dma_start3A_324, %dma_start3A_325] : memref<4x208x64xf32, #tpu.memory_space<vmem>> -> memref<1x16x64xf32, #tpu.memory_space<vmem>>
    %dma_start3A_327 = tpu.memref_squeeze %dma_start3A_326 : memref<1x16x64xf32, #tpu.memory_space<vmem>> -> memref<16x64xf32, #tpu.memory_space<vmem>>
    %dma_start3A_328 = arith.constant 0 : i32
    %dma_start3A_329 = arith.constant 0 : i32
    %dma_start3A_330 = tpu.memref_slice %arg3[%dma_start3A_328, %dma_start3A_329] : memref<1000000x64xf32, #tpu.memory_space<hbm>> -> memref<1000000x64xf32, #tpu.memory_space<hbm>>
    tpu.enqueue_indirect_dma source(%dma_start3A_330 : memref<1000000x64xf32, #tpu.memory_space<hbm>>) target(%dma_start3A_327 : memref<16x64xf32, #tpu.memory_space<vmem>>) offsets(%get3A_322 : vector<16xi32>) semaphore(%arg9 : memref<!tpu.dma_semaphore, #tpu.memory_space<semaphore_mem>>)
    %get3A_331 = arith.constant 1 : i32
    %get3A_332 = arith.constant 9 : i32
    %get3A_333 = arith.index_cast %get3A_331 : i32 to index
    %get3A_334 = arith.index_cast %get3A_332 : i32 to index
    %get3A_335 = arith.constant 0 : index
    %get3A_336 = tpu.vector_load %arg5[%get3A_333, %get3A_334, %get3A_335] {strides = array<i32>} : memref<128x13x16xi32, #tpu.memory_space<vmem>>, vector<1x1x16xi32>,
    %get3A_337 = vector.shape_cast %get3A_336 : vector<1x1x16xi32> to vector<16xi32>
    %dma_start3A_338 = arith.constant 1 : i32
    %dma_start3A_339 = arith.constant 144 : i32
    %dma_start3A_340 = arith.constant 0 : i32
    %dma_start3A_341 = tpu.memref_slice %arg6[%dma_start3A_338, %dma_start3A_339, %dma_start3A_340] : memref<4x208x64xf32, #tpu.memory_space<vmem>> -> memref<1x16x64xf32, #tpu.memory_space<vmem>>
    %dma_start3A_342 = tpu.memref_squeeze %dma_start3A_341 : memref<1x16x64xf32, #tpu.memory_space<vmem>> -> memref<16x64xf32, #tpu.memory_space<vmem>>
    %dma_start3A_343 = arith.constant 0 : i32
    %dma_start3A_344 = arith.constant 0 : i32
    %dma_start3A_345 = tpu.memref_slice %arg3[%dma_start3A_343, %dma_start3A_344] : memref<1000000x64xf32, #tpu.memory_space<hbm>> -> memref<1000000x64xf32, #tpu.memory_space<hbm>>
    tpu.enqueue_indirect_dma source(%dma_start3A_345 : memref<1000000x64xf32, #tpu.memory_space<hbm>>) target(%dma_start3A_342 : memref<16x64xf32, #tpu.memory_space<vmem>>) offsets(%get3A_337 : vector<16xi32>) semaphore(%arg9 : memref<!tpu.dma_semaphore, #tpu.memory_space<semaphore_mem>>)
    %get3A_346 = arith.constant 1 : i32
    %get3A_347 = arith.constant 10 : i32
    %get3A_348 = arith.index_cast %get3A_346 : i32 to index
    %get3A_349 = arith.index_cast %get3A_347 : i32 to index
    %get3A_350 = arith.constant 0 : index
    %get3A_351 = tpu.vector_load %arg5[%get3A_348, %get3A_349, %get3A_350] {strides = array<i32>} : memref<128x13x16xi32, #tpu.memory_space<vmem>>, vector<1x1x16xi32>,
    %get3A_352 = vector.shape_cast %get3A_351 : vector<1x1x16xi32> to vector<16xi32>
    %dma_start3A_353 = arith.constant 1 : i32
    %dma_start3A_354 = arith.constant 160 : i32
    %dma_start3A_355 = arith.constant 0 : i32
    %dma_start3A_356 = tpu.memref_slice %arg6[%dma_start3A_353, %dma_start3A_354, %dma_start3A_355] : memref<4x208x64xf32, #tpu.memory_space<vmem>> -> memref<1x16x64xf32, #tpu.memory_space<vmem>>
    %dma_start3A_357 = tpu.memref_squeeze %dma_start3A_356 : memref<1x16x64xf32, #tpu.memory_space<vmem>> -> memref<16x64xf32, #tpu.memory_space<vmem>>
    %dma_start3A_358 = arith.constant 0 : i32
    %dma_start3A_359 = arith.constant 0 : i32
    %dma_start3A_360 = tpu.memref_slice %arg3[%dma_start3A_358, %dma_start3A_359] : memref<1000000x64xf32, #tpu.memory_space<hbm>> -> memref<1000000x64xf32, #tpu.memory_space<hbm>>
    tpu.enqueue_indirect_dma source(%dma_start3A_360 : memref<1000000x64xf32, #tpu.memory_space<hbm>>) target(%dma_start3A_357 : memref<16x64xf32, #tpu.memory_space<vmem>>) offsets(%get3A_352 : vector<16xi32>) semaphore(%arg9 : memref<!tpu.dma_semaphore, #tpu.memory_space<semaphore_mem>>)
    %get3A_361 = arith.constant 1 : i32
    %get3A_362 = arith.constant 11 : i32
    %get3A_363 = arith.index_cast %get3A_361 : i32 to index
    %get3A_364 = arith.index_cast %get3A_362 : i32 to index
    %get3A_365 = arith.constant 0 : index
    %get3A_366 = tpu.vector_load %arg5[%get3A_363, %get3A_364, %get3A_365] {strides = array<i32>} : memref<128x13x16xi32, #tpu.memory_space<vmem>>, vector<1x1x16xi32>,
    %get3A_367 = vector.shape_cast %get3A_366 : vector<1x1x16xi32> to vector<16xi32>
    %dma_start3A_368 = arith.constant 1 : i32
    %dma_start3A_369 = arith.constant 176 : i32
    %dma_start3A_370 = arith.constant 0 : i32
    %dma_start3A_371 = tpu.memref_slice %arg6[%dma_start3A_368, %dma_start3A_369, %dma_start3A_370] : memref<4x208x64xf32, #tpu.memory_space<vmem>> -> memref<1x16x64xf32, #tpu.memory_space<vmem>>
    %dma_start3A_372 = tpu.memref_squeeze %dma_start3A_371 : memref<1x16x64xf32, #tpu.memory_space<vmem>> -> memref<16x64xf32, #tpu.memory_space<vmem>>
    %dma_start3A_373 = arith.constant 0 : i32
    %dma_start3A_374 = arith.constant 0 : i32
    %dma_start3A_375 = tpu.memref_slice %arg3[%dma_start3A_373, %dma_start3A_374] : memref<1000000x64xf32, #tpu.memory_space<hbm>> -> memref<1000000x64xf32, #tpu.memory_space<hbm>>
    tpu.enqueue_indirect_dma source(%dma_start3A_375 : memref<1000000x64xf32, #tpu.memory_space<hbm>>) target(%dma_start3A_372 : memref<16x64xf32, #tpu.memory_space<vmem>>) offsets(%get3A_367 : vector<16xi32>) semaphore(%arg9 : memref<!tpu.dma_semaphore, #tpu.memory_space<semaphore_mem>>)
    %get3A_376 = arith.constant 1 : i32
    %get3A_377 = arith.constant 12 : i32
    %get3A_378 = arith.index_cast %get3A_376 : i32 to index
    %get3A_379 = arith.index_cast %get3A_377 : i32 to index
    %get3A_380 = arith.constant 0 : index
    %get3A_381 = tpu.vector_load %arg5[%get3A_378, %get3A_379, %get3A_380] {strides = array<i32>} : memref<128x13x16xi32, #tpu.memory_space<vmem>>, vector<1x1x16xi32>,
    %get3A_382 = vector.shape_cast %get3A_381 : vector<1x1x16xi32> to vector<16xi32>
    %dma_start3A_383 = arith.constant 1 : i32
    %dma_start3A_384 = arith.constant 192 : i32
    %dma_start3A_385 = arith.constant 0 : i32
    %dma_start3A_386 = tpu.memref_slice %arg6[%dma_start3A_383, %dma_start3A_384, %dma_start3A_385] : memref<4x208x64xf32, #tpu.memory_space<vmem>> -> memref<1x16x64xf32, #tpu.memory_space<vmem>>
    %dma_start3A_387 = tpu.memref_squeeze %dma_start3A_386 : memref<1x16x64xf32, #tpu.memory_space<vmem>> -> memref<16x64xf32, #tpu.memory_space<vmem>>
    %dma_start3A_388 = arith.constant 0 : i32
    %dma_start3A_389 = arith.constant 0 : i32
    %dma_start3A_390 = tpu.memref_slice %arg3[%dma_start3A_388, %dma_start3A_389] : memref<1000000x64xf32, #tpu.memory_space<hbm>> -> memref<1000000x64xf32, #tpu.memory_space<hbm>>
    tpu.enqueue_indirect_dma source(%dma_start3A_390 : memref<1000000x64xf32, #tpu.memory_space<hbm>>) target(%dma_start3A_387 : memref<16x64xf32, #tpu.memory_space<vmem>>) offsets(%get3A_382 : vector<16xi32>) semaphore(%arg9 : memref<!tpu.dma_semaphore, #tpu.memory_space<semaphore_mem>>)
    %get3A_391 = arith.constant 2 : i32
    %get3A_392 = arith.constant 0 : i32
    %get3A_393 = arith.index_cast %get3A_391 : i32 to index
    %get3A_394 = arith.index_cast %get3A_392 : i32 to index
    %get3A_395 = arith.constant 0 : index
    %get3A_396 = tpu.vector_load %arg5[%get3A_393, %get3A_394, %get3A_395] {strides = array<i32>} : memref<128x13x16xi32, #tpu.memory_space<vmem>>, vector<1x1x16xi32>,
    %get3A_397 = vector.shape_cast %get3A_396 : vector<1x1x16xi32> to vector<16xi32>
    %dma_start3A_398 = arith.constant 2 : i32
    %dma_start3A_399 = arith.constant 0 : i32
    %dma_start3A_400 = arith.constant 0 : i32
    %dma_start3A_401 = tpu.memref_slice %arg6[%dma_start3A_398, %dma_start3A_399, %dma_start3A_400] : memref<4x208x64xf32, #tpu.memory_space<vmem>> -> memref<1x16x64xf32, #tpu.memory_space<vmem>>
    %dma_start3A_402 = tpu.memref_squeeze %dma_start3A_401 : memref<1x16x64xf32, #tpu.memory_space<vmem>> -> memref<16x64xf32, #tpu.memory_space<vmem>>
    %dma_start3A_403 = arith.constant 0 : i32
    %dma_start3A_404 = arith.constant 0 : i32
    %dma_start3A_405 = tpu.memref_slice %arg3[%dma_start3A_403, %dma_start3A_404] : memref<1000000x64xf32, #tpu.memory_space<hbm>> -> memref<1000000x64xf32, #tpu.memory_space<hbm>>
    tpu.enqueue_indirect_dma source(%dma_start3A_405 : memref<1000000x64xf32, #tpu.memory_space<hbm>>) target(%dma_start3A_402 : memref<16x64xf32, #tpu.memory_space<vmem>>) offsets(%get3A_397 : vector<16xi32>) semaphore(%arg10 : memref<!tpu.dma_semaphore, #tpu.memory_space<semaphore_mem>>)
    %get3A_406 = arith.constant 2 : i32
    %get3A_407 = arith.constant 1 : i32
    %get3A_408 = arith.index_cast %get3A_406 : i32 to index
    %get3A_409 = arith.index_cast %get3A_407 : i32 to index
    %get3A_410 = arith.constant 0 : index
    %get3A_411 = tpu.vector_load %arg5[%get3A_408, %get3A_409, %get3A_410] {strides = array<i32>} : memref<128x13x16xi32, #tpu.memory_space<vmem>>, vector<1x1x16xi32>,
    %get3A_412 = vector.shape_cast %get3A_411 : vector<1x1x16xi32> to vector<16xi32>
    %dma_start3A_413 = arith.constant 2 : i32
    %dma_start3A_414 = arith.constant 16 : i32
    %dma_start3A_415 = arith.constant 0 : i32
    %dma_start3A_416 = tpu.memref_slice %arg6[%dma_start3A_413, %dma_start3A_414, %dma_start3A_415] : memref<4x208x64xf32, #tpu.memory_space<vmem>> -> memref<1x16x64xf32, #tpu.memory_space<vmem>>
    %dma_start3A_417 = tpu.memref_squeeze %dma_start3A_416 : memref<1x16x64xf32, #tpu.memory_space<vmem>> -> memref<16x64xf32, #tpu.memory_space<vmem>>
    %dma_start3A_418 = arith.constant 0 : i32
    %dma_start3A_419 = arith.constant 0 : i32
    %dma_start3A_420 = tpu.memref_slice %arg3[%dma_start3A_418, %dma_start3A_419] : memref<1000000x64xf32, #tpu.memory_space<hbm>> -> memref<1000000x64xf32, #tpu.memory_space<hbm>>
    tpu.enqueue_indirect_dma source(%dma_start3A_420 : memref<1000000x64xf32, #tpu.memory_space<hbm>>) target(%dma_start3A_417 : memref<16x64xf32, #tpu.memory_space<vmem>>) offsets(%get3A_412 : vector<16xi32>) semaphore(%arg10 : memref<!tpu.dma_semaphore, #tpu.memory_space<semaphore_mem>>)
    %get3A_421 = arith.constant 2 : i32
    %get3A_422 = arith.constant 2 : i32
    %get3A_423 = arith.index_cast %get3A_421 : i32 to index
    %get3A_424 = arith.index_cast %get3A_422 : i32 to index
    %get3A_425 = arith.constant 0 : index
    %get3A_426 = tpu.vector_load %arg5[%get3A_423, %get3A_424, %get3A_425] {strides = array<i32>} : memref<128x13x16xi32, #tpu.memory_space<vmem>>, vector<1x1x16xi32>,
    %get3A_427 = vector.shape_cast %get3A_426 : vector<1x1x16xi32> to vector<16xi32>
    %dma_start3A_428 = arith.constant 2 : i32
    %dma_start3A_429 = arith.constant 32 : i32
    %dma_start3A_430 = arith.constant 0 : i32
    %dma_start3A_431 = tpu.memref_slice %arg6[%dma_start3A_428, %dma_start3A_429, %dma_start3A_430] : memref<4x208x64xf32, #tpu.memory_space<vmem>> -> memref<1x16x64xf32, #tpu.memory_space<vmem>>
    %dma_start3A_432 = tpu.memref_squeeze %dma_start3A_431 : memref<1x16x64xf32, #tpu.memory_space<vmem>> -> memref<16x64xf32, #tpu.memory_space<vmem>>
    %dma_start3A_433 = arith.constant 0 : i32
    %dma_start3A_434 = arith.constant 0 : i32
    %dma_start3A_435 = tpu.memref_slice %arg3[%dma_start3A_433, %dma_start3A_434] : memref<1000000x64xf32, #tpu.memory_space<hbm>> -> memref<1000000x64xf32, #tpu.memory_space<hbm>>
    tpu.enqueue_indirect_dma source(%dma_start3A_435 : memref<1000000x64xf32, #tpu.memory_space<hbm>>) target(%dma_start3A_432 : memref<16x64xf32, #tpu.memory_space<vmem>>) offsets(%get3A_427 : vector<16xi32>) semaphore(%arg10 : memref<!tpu.dma_semaphore, #tpu.memory_space<semaphore_mem>>)
    %get3A_436 = arith.constant 2 : i32
    %get3A_437 = arith.constant 3 : i32
    %get3A_438 = arith.index_cast %get3A_436 : i32 to index
    %get3A_439 = arith.index_cast %get3A_437 : i32 to index
    %get3A_440 = arith.constant 0 : index
    %get3A_441 = tpu.vector_load %arg5[%get3A_438, %get3A_439, %get3A_440] {strides = array<i32>} : memref<128x13x16xi32, #tpu.memory_space<vmem>>, vector<1x1x16xi32>,
    %get3A_442 = vector.shape_cast %get3A_441 : vector<1x1x16xi32> to vector<16xi32>
    %dma_start3A_443 = arith.constant 2 : i32
    %dma_start3A_444 = arith.constant 48 : i32
    %dma_start3A_445 = arith.constant 0 : i32
    %dma_start3A_446 = tpu.memref_slice %arg6[%dma_start3A_443, %dma_start3A_444, %dma_start3A_445] : memref<4x208x64xf32, #tpu.memory_space<vmem>> -> memref<1x16x64xf32, #tpu.memory_space<vmem>>
    %dma_start3A_447 = tpu.memref_squeeze %dma_start3A_446 : memref<1x16x64xf32, #tpu.memory_space<vmem>> -> memref<16x64xf32, #tpu.memory_space<vmem>>
    %dma_start3A_448 = arith.constant 0 : i32
    %dma_start3A_449 = arith.constant 0 : i32
    %dma_start3A_450 = tpu.memref_slice %arg3[%dma_start3A_448, %dma_start3A_449] : memref<1000000x64xf32, #tpu.memory_space<hbm>> -> memref<1000000x64xf32, #tpu.memory_space<hbm>>
    tpu.enqueue_indirect_dma source(%dma_start3A_450 : memref<1000000x64xf32, #tpu.memory_space<hbm>>) target(%dma_start3A_447 : memref<16x64xf32, #tpu.memory_space<vmem>>) offsets(%get3A_442 : vector<16xi32>) semaphore(%arg10 : memref<!tpu.dma_semaphore, #tpu.memory_space<semaphore_mem>>)
    %get3A_451 = arith.constant 2 : i32
    %get3A_452 = arith.constant 4 : i32
    %get3A_453 = arith.index_cast %get3A_451 : i32 to index
    %get3A_454 = arith.index_cast %get3A_452 : i32 to index
    %get3A_455 = arith.constant 0 : index
    %get3A_456 = tpu.vector_load %arg5[%get3A_453, %get3A_454, %get3A_455] {strides = array<i32>} : memref<128x13x16xi32, #tpu.memory_space<vmem>>, vector<1x1x16xi32>,
    %get3A_457 = vector.shape_cast %get3A_456 : vector<1x1x16xi32> to vector<16xi32>
    %dma_start3A_458 = arith.constant 2 : i32
    %dma_start3A_459 = arith.constant 64 : i32
    %dma_start3A_460 = arith.constant 0 : i32
    %dma_start3A_461 = tpu.memref_slice %arg6[%dma_start3A_458, %dma_start3A_459, %dma_start3A_460] : memref<4x208x64xf32, #tpu.memory_space<vmem>> -> memref<1x16x64xf32, #tpu.memory_space<vmem>>
    %dma_start3A_462 = tpu.memref_squeeze %dma_start3A_461 : memref<1x16x64xf32, #tpu.memory_space<vmem>> -> memref<16x64xf32, #tpu.memory_space<vmem>>
    %dma_start3A_463 = arith.constant 0 : i32
    %dma_start3A_464 = arith.constant 0 : i32
    %dma_start3A_465 = tpu.memref_slice %arg3[%dma_start3A_463, %dma_start3A_464] : memref<1000000x64xf32, #tpu.memory_space<hbm>> -> memref<1000000x64xf32, #tpu.memory_space<hbm>>
    tpu.enqueue_indirect_dma source(%dma_start3A_465 : memref<1000000x64xf32, #tpu.memory_space<hbm>>) target(%dma_start3A_462 : memref<16x64xf32, #tpu.memory_space<vmem>>) offsets(%get3A_457 : vector<16xi32>) semaphore(%arg10 : memref<!tpu.dma_semaphore, #tpu.memory_space<semaphore_mem>>)
    %get3A_466 = arith.constant 2 : i32
    %get3A_467 = arith.constant 5 : i32
    %get3A_468 = arith.index_cast %get3A_466 : i32 to index
    %get3A_469 = arith.index_cast %get3A_467 : i32 to index
    %get3A_470 = arith.constant 0 : index
    %get3A_471 = tpu.vector_load %arg5[%get3A_468, %get3A_469, %get3A_470] {strides = array<i32>} : memref<128x13x16xi32, #tpu.memory_space<vmem>>, vector<1x1x16xi32>,
    %get3A_472 = vector.shape_cast %get3A_471 : vector<1x1x16xi32> to vector<16xi32>
    %dma_start3A_473 = arith.constant 2 : i32
    %dma_start3A_474 = arith.constant 80 : i32
    %dma_start3A_475 = arith.constant 0 : i32
    %dma_start3A_476 = tpu.memref_slice %arg6[%dma_start3A_473, %dma_start3A_474, %dma_start3A_475] : memref<4x208x64xf32, #tpu.memory_space<vmem>> -> memref<1x16x64xf32, #tpu.memory_space<vmem>>
    %dma_start3A_477 = tpu.memref_squeeze %dma_start3A_476 : memref<1x16x64xf32, #tpu.memory_space<vmem>> -> memref<16x64xf32, #tpu.memory_space<vmem>>
    %dma_start3A_478 = arith.constant 0 : i32
    %dma_start3A_479 = arith.constant 0 : i32
    %dma_start3A_480 = tpu.memref_slice %arg3[%dma_start3A_478, %dma_start3A_479] : memref<1000000x64xf32, #tpu.memory_space<hbm>> -> memref<1000000x64xf32, #tpu.memory_space<hbm>>
    tpu.enqueue_indirect_dma source(%dma_start3A_480 : memref<1000000x64xf32, #tpu.memory_space<hbm>>) target(%dma_start3A_477 : memref<16x64xf32, #tpu.memory_space<vmem>>) offsets(%get3A_472 : vector<16xi32>) semaphore(%arg10 : memref<!tpu.dma_semaphore, #tpu.memory_space<semaphore_mem>>)
    %get3A_481 = arith.constant 2 : i32
    %get3A_482 = arith.constant 6 : i32
    %get3A_483 = arith.index_cast %get3A_481 : i32 to index
    %get3A_484 = arith.index_cast %get3A_482 : i32 to index
    %get3A_485 = arith.constant 0 : index
    %get3A_486 = tpu.vector_load %arg5[%get3A_483, %get3A_484, %get3A_485] {strides = array<i32>} : memref<128x13x16xi32, #tpu.memory_space<vmem>>, vector<1x1x16xi32>,
    %get3A_487 = vector.shape_cast %get3A_486 : vector<1x1x16xi32> to vector<16xi32>
    %dma_start3A_488 = arith.constant 2 : i32
    %dma_start3A_489 = arith.constant 96 : i32
    %dma_start3A_490 = arith.constant 0 : i32
    %dma_start3A_491 = tpu.memref_slice %arg6[%dma_start3A_488, %dma_start3A_489, %dma_start3A_490] : memref<4x208x64xf32, #tpu.memory_space<vmem>> -> memref<1x16x64xf32, #tpu.memory_space<vmem>>
    %dma_start3A_492 = tpu.memref_squeeze %dma_start3A_491 : memref<1x16x64xf32, #tpu.memory_space<vmem>> -> memref<16x64xf32, #tpu.memory_space<vmem>>
    %dma_start3A_493 = arith.constant 0 : i32
    %dma_start3A_494 = arith.constant 0 : i32
    %dma_start3A_495 = tpu.memref_slice %arg3[%dma_start3A_493, %dma_start3A_494] : memref<1000000x64xf32, #tpu.memory_space<hbm>> -> memref<1000000x64xf32, #tpu.memory_space<hbm>>
    tpu.enqueue_indirect_dma source(%dma_start3A_495 : memref<1000000x64xf32, #tpu.memory_space<hbm>>) target(%dma_start3A_492 : memref<16x64xf32, #tpu.memory_space<vmem>>) offsets(%get3A_487 : vector<16xi32>) semaphore(%arg10 : memref<!tpu.dma_semaphore, #tpu.memory_space<semaphore_mem>>)
    %get3A_496 = arith.constant 2 : i32
    %get3A_497 = arith.constant 7 : i32
    %get3A_498 = arith.index_cast %get3A_496 : i32 to index
    %get3A_499 = arith.index_cast %get3A_497 : i32 to index
    %get3A_500 = arith.constant 0 : index
    %get3A_501 = tpu.vector_load %arg5[%get3A_498, %get3A_499, %get3A_500] {strides = array<i32>} : memref<128x13x16xi32, #tpu.memory_space<vmem>>, vector<1x1x16xi32>,
    %get3A_502 = vector.shape_cast %get3A_501 : vector<1x1x16xi32> to vector<16xi32>
    %dma_start3A_503 = arith.constant 2 : i32
    %dma_start3A_504 = arith.constant 112 : i32
    %dma_start3A_505 = arith.constant 0 : i32
    %dma_start3A_506 = tpu.memref_slice %arg6[%dma_start3A_503, %dma_start3A_504, %dma_start3A_505] : memref<4x208x64xf32, #tpu.memory_space<vmem>> -> memref<1x16x64xf32, #tpu.memory_space<vmem>>
    %dma_start3A_507 = tpu.memref_squeeze %dma_start3A_506 : memref<1x16x64xf32, #tpu.memory_space<vmem>> -> memref<16x64xf32, #tpu.memory_space<vmem>>
    %dma_start3A_508 = arith.constant 0 : i32
    %dma_start3A_509 = arith.constant 0 : i32
    %dma_start3A_510 = tpu.memref_slice %arg3[%dma_start3A_508, %dma_start3A_509] : memref<1000000x64xf32, #tpu.memory_space<hbm>> -> memref<1000000x64xf32, #tpu.memory_space<hbm>>
    tpu.enqueue_indirect_dma source(%dma_start3A_510 : memref<1000000x64xf32, #tpu.memory_space<hbm>>) target(%dma_start3A_507 : memref<16x64xf32, #tpu.memory_space<vmem>>) offsets(%get3A_502 : vector<16xi32>) semaphore(%arg10 : memref<!tpu.dma_semaphore, #tpu.memory_space<semaphore_mem>>)
    %get3A_511 = arith.constant 2 : i32
    %get3A_512 = arith.constant 8 : i32
    %get3A_513 = arith.index_cast %get3A_511 : i32 to index
    %get3A_514 = arith.index_cast %get3A_512 : i32 to index
    %get3A_515 = arith.constant 0 : index
    %get3A_516 = tpu.vector_load %arg5[%get3A_513, %get3A_514, %get3A_515] {strides = array<i32>} : memref<128x13x16xi32, #tpu.memory_space<vmem>>, vector<1x1x16xi32>,
    %get3A_517 = vector.shape_cast %get3A_516 : vector<1x1x16xi32> to vector<16xi32>
    %dma_start3A_518 = arith.constant 2 : i32
    %dma_start3A_519 = arith.constant 128 : i32
    %dma_start3A_520 = arith.constant 0 : i32
    %dma_start3A_521 = tpu.memref_slice %arg6[%dma_start3A_518, %dma_start3A_519, %dma_start3A_520] : memref<4x208x64xf32, #tpu.memory_space<vmem>> -> memref<1x16x64xf32, #tpu.memory_space<vmem>>
    %dma_start3A_522 = tpu.memref_squeeze %dma_start3A_521 : memref<1x16x64xf32, #tpu.memory_space<vmem>> -> memref<16x64xf32, #tpu.memory_space<vmem>>
    %dma_start3A_523 = arith.constant 0 : i32
    %dma_start3A_524 = arith.constant 0 : i32
    %dma_start3A_525 = tpu.memref_slice %arg3[%dma_start3A_523, %dma_start3A_524] : memref<1000000x64xf32, #tpu.memory_space<hbm>> -> memref<1000000x64xf32, #tpu.memory_space<hbm>>
    tpu.enqueue_indirect_dma source(%dma_start3A_525 : memref<1000000x64xf32, #tpu.memory_space<hbm>>) target(%dma_start3A_522 : memref<16x64xf32, #tpu.memory_space<vmem>>) offsets(%get3A_517 : vector<16xi32>) semaphore(%arg10 : memref<!tpu.dma_semaphore, #tpu.memory_space<semaphore_mem>>)
    %get3A_526 = arith.constant 2 : i32
    %get3A_527 = arith.constant 9 : i32
    %get3A_528 = arith.index_cast %get3A_526 : i32 to index
    %get3A_529 = arith.index_cast %get3A_527 : i32 to index
    %get3A_530 = arith.constant 0 : index
    %get3A_531 = tpu.vector_load %arg5[%get3A_528, %get3A_529, %get3A_530] {strides = array<i32>} : memref<128x13x16xi32, #tpu.memory_space<vmem>>, vector<1x1x16xi32>,
    %get3A_532 = vector.shape_cast %get3A_531 : vector<1x1x16xi32> to vector<16xi32>
    %dma_start3A_533 = arith.constant 2 : i32
    %dma_start3A_534 = arith.constant 144 : i32
    %dma_start3A_535 = arith.constant 0 : i32
    %dma_start3A_536 = tpu.memref_slice %arg6[%dma_start3A_533, %dma_start3A_534, %dma_start3A_535] : memref<4x208x64xf32, #tpu.memory_space<vmem>> -> memref<1x16x64xf32, #tpu.memory_space<vmem>>
    %dma_start3A_537 = tpu.memref_squeeze %dma_start3A_536 : memref<1x16x64xf32, #tpu.memory_space<vmem>> -> memref<16x64xf32, #tpu.memory_space<vmem>>
    %dma_start3A_538 = arith.constant 0 : i32
    %dma_start3A_539 = arith.constant 0 : i32
    %dma_start3A_540 = tpu.memref_slice %arg3[%dma_start3A_538, %dma_start3A_539] : memref<1000000x64xf32, #tpu.memory_space<hbm>> -> memref<1000000x64xf32, #tpu.memory_space<hbm>>
    tpu.enqueue_indirect_dma source(%dma_start3A_540 : memref<1000000x64xf32, #tpu.memory_space<hbm>>) target(%dma_start3A_537 : memref<16x64xf32, #tpu.memory_space<vmem>>) offsets(%get3A_532 : vector<16xi32>) semaphore(%arg10 : memref<!tpu.dma_semaphore, #tpu.memory_space<semaphore_mem>>)
    %get3A_541 = arith.constant 2 : i32
    %get3A_542 = arith.constant 10 : i32
    %get3A_543 = arith.index_cast %get3A_541 : i32 to index
    %get3A_544 = arith.index_cast %get3A_542 : i32 to index
    %get3A_545 = arith.constant 0 : index
    %get3A_546 = tpu.vector_load %arg5[%get3A_543, %get3A_544, %get3A_545] {strides = array<i32>} : memref<128x13x16xi32, #tpu.memory_space<vmem>>, vector<1x1x16xi32>,
    %get3A_547 = vector.shape_cast %get3A_546 : vector<1x1x16xi32> to vector<16xi32>
    %dma_start3A_548 = arith.constant 2 : i32
    %dma_start3A_549 = arith.constant 160 : i32
    %dma_start3A_550 = arith.constant 0 : i32
    %dma_start3A_551 = tpu.memref_slice %arg6[%dma_start3A_548, %dma_start3A_549, %dma_start3A_550] : memref<4x208x64xf32, #tpu.memory_space<vmem>> -> memref<1x16x64xf32, #tpu.memory_space<vmem>>
    %dma_start3A_552 = tpu.memref_squeeze %dma_start3A_551 : memref<1x16x64xf32, #tpu.memory_space<vmem>> -> memref<16x64xf32, #tpu.memory_space<vmem>>
    %dma_start3A_553 = arith.constant 0 : i32
    %dma_start3A_554 = arith.constant 0 : i32
    %dma_start3A_555 = tpu.memref_slice %arg3[%dma_start3A_553, %dma_start3A_554] : memref<1000000x64xf32, #tpu.memory_space<hbm>> -> memref<1000000x64xf32, #tpu.memory_space<hbm>>
    tpu.enqueue_indirect_dma source(%dma_start3A_555 : memref<1000000x64xf32, #tpu.memory_space<hbm>>) target(%dma_start3A_552 : memref<16x64xf32, #tpu.memory_space<vmem>>) offsets(%get3A_547 : vector<16xi32>) semaphore(%arg10 : memref<!tpu.dma_semaphore, #tpu.memory_space<semaphore_mem>>)
    %get3A_556 = arith.constant 2 : i32
    %get3A_557 = arith.constant 11 : i32
    %get3A_558 = arith.index_cast %get3A_556 : i32 to index
    %get3A_559 = arith.index_cast %get3A_557 : i32 to index
    %get3A_560 = arith.constant 0 : index
    %get3A_561 = tpu.vector_load %arg5[%get3A_558, %get3A_559, %get3A_560] {strides = array<i32>} : memref<128x13x16xi32, #tpu.memory_space<vmem>>, vector<1x1x16xi32>,
    %get3A_562 = vector.shape_cast %get3A_561 : vector<1x1x16xi32> to vector<16xi32>
    %dma_start3A_563 = arith.constant 2 : i32
    %dma_start3A_564 = arith.constant 176 : i32
    %dma_start3A_565 = arith.constant 0 : i32
    %dma_start3A_566 = tpu.memref_slice %arg6[%dma_start3A_563, %dma_start3A_564, %dma_start3A_565] : memref<4x208x64xf32, #tpu.memory_space<vmem>> -> memref<1x16x64xf32, #tpu.memory_space<vmem>>
    %dma_start3A_567 = tpu.memref_squeeze %dma_start3A_566 : memref<1x16x64xf32, #tpu.memory_space<vmem>> -> memref<16x64xf32, #tpu.memory_space<vmem>>
    %dma_start3A_568 = arith.constant 0 : i32
    %dma_start3A_569 = arith.constant 0 : i32
    %dma_start3A_570 = tpu.memref_slice %arg3[%dma_start3A_568, %dma_start3A_569] : memref<1000000x64xf32, #tpu.memory_space<hbm>> -> memref<1000000x64xf32, #tpu.memory_space<hbm>>
    tpu.enqueue_indirect_dma source(%dma_start3A_570 : memref<1000000x64xf32, #tpu.memory_space<hbm>>) target(%dma_start3A_567 : memref<16x64xf32, #tpu.memory_space<vmem>>) offsets(%get3A_562 : vector<16xi32>) semaphore(%arg10 : memref<!tpu.dma_semaphore, #tpu.memory_space<semaphore_mem>>)
    %get3A_571 = arith.constant 2 : i32
    %get3A_572 = arith.constant 12 : i32
    %get3A_573 = arith.index_cast %get3A_571 : i32 to index
    %get3A_574 = arith.index_cast %get3A_572 : i32 to index
    %get3A_575 = arith.constant 0 : index
    %get3A_576 = tpu.vector_load %arg5[%get3A_573, %get3A_574, %get3A_575] {strides = array<i32>} : memref<128x13x16xi32, #tpu.memory_space<vmem>>, vector<1x1x16xi32>,
    %get3A_577 = vector.shape_cast %get3A_576 : vector<1x1x16xi32> to vector<16xi32>
    %dma_start3A_578 = arith.constant 2 : i32
    %dma_start3A_579 = arith.constant 192 : i32
    %dma_start3A_580 = arith.constant 0 : i32
    %dma_start3A_581 = tpu.memref_slice %arg6[%dma_start3A_578, %dma_start3A_579, %dma_start3A_580] : memref<4x208x64xf32, #tpu.memory_space<vmem>> -> memref<1x16x64xf32, #tpu.memory_space<vmem>>
    %dma_start3A_582 = tpu.memref_squeeze %dma_start3A_581 : memref<1x16x64xf32, #tpu.memory_space<vmem>> -> memref<16x64xf32, #tpu.memory_space<vmem>>
    %dma_start3A_583 = arith.constant 0 : i32
    %dma_start3A_584 = arith.constant 0 : i32
    %dma_start3A_585 = tpu.memref_slice %arg3[%dma_start3A_583, %dma_start3A_584] : memref<1000000x64xf32, #tpu.memory_space<hbm>> -> memref<1000000x64xf32, #tpu.memory_space<hbm>>
    tpu.enqueue_indirect_dma source(%dma_start3A_585 : memref<1000000x64xf32, #tpu.memory_space<hbm>>) target(%dma_start3A_582 : memref<16x64xf32, #tpu.memory_space<vmem>>) offsets(%get3A_577 : vector<16xi32>) semaphore(%arg10 : memref<!tpu.dma_semaphore, #tpu.memory_space<semaphore_mem>>)
    %get3A_586 = arith.constant 3 : i32
    %get3A_587 = arith.constant 0 : i32
    %get3A_588 = arith.index_cast %get3A_586 : i32 to index
    %get3A_589 = arith.index_cast %get3A_587 : i32 to index
    %get3A_590 = arith.constant 0 : index
    %get3A_591 = tpu.vector_load %arg5[%get3A_588, %get3A_589, %get3A_590] {strides = array<i32>} : memref<128x13x16xi32, #tpu.memory_space<vmem>>, vector<1x1x16xi32>,
    %get3A_592 = vector.shape_cast %get3A_591 : vector<1x1x16xi32> to vector<16xi32>
    %dma_start3A_593 = arith.constant 3 : i32
    %dma_start3A_594 = arith.constant 0 : i32
    %dma_start3A_595 = arith.constant 0 : i32
    %dma_start3A_596 = tpu.memref_slice %arg6[%dma_start3A_593, %dma_start3A_594, %dma_start3A_595] : memref<4x208x64xf32, #tpu.memory_space<vmem>> -> memref<1x16x64xf32, #tpu.memory_space<vmem>>
    %dma_start3A_597 = tpu.memref_squeeze %dma_start3A_596 : memref<1x16x64xf32, #tpu.memory_space<vmem>> -> memref<16x64xf32, #tpu.memory_space<vmem>>
    %dma_start3A_598 = arith.constant 0 : i32
    %dma_start3A_599 = arith.constant 0 : i32
    %dma_start3A_600 = tpu.memref_slice %arg3[%dma_start3A_598, %dma_start3A_599] : memref<1000000x64xf32, #tpu.memory_space<hbm>> -> memref<1000000x64xf32, #tpu.memory_space<hbm>>
    tpu.enqueue_indirect_dma source(%dma_start3A_600 : memref<1000000x64xf32, #tpu.memory_space<hbm>>) target(%dma_start3A_597 : memref<16x64xf32, #tpu.memory_space<vmem>>) offsets(%get3A_592 : vector<16xi32>) semaphore(%arg11 : memref<!tpu.dma_semaphore, #tpu.memory_space<semaphore_mem>>)
    %get3A_601 = arith.constant 3 : i32
    %get3A_602 = arith.constant 1 : i32
    %get3A_603 = arith.index_cast %get3A_601 : i32 to index
    %get3A_604 = arith.index_cast %get3A_602 : i32 to index
    %get3A_605 = arith.constant 0 : index
    %get3A_606 = tpu.vector_load %arg5[%get3A_603, %get3A_604, %get3A_605] {strides = array<i32>} : memref<128x13x16xi32, #tpu.memory_space<vmem>>, vector<1x1x16xi32>,
    %get3A_607 = vector.shape_cast %get3A_606 : vector<1x1x16xi32> to vector<16xi32>
    %dma_start3A_608 = arith.constant 3 : i32
    %dma_start3A_609 = arith.constant 16 : i32
    %dma_start3A_610 = arith.constant 0 : i32
    %dma_start3A_611 = tpu.memref_slice %arg6[%dma_start3A_608, %dma_start3A_609, %dma_start3A_610] : memref<4x208x64xf32, #tpu.memory_space<vmem>> -> memref<1x16x64xf32, #tpu.memory_space<vmem>>
    %dma_start3A_612 = tpu.memref_squeeze %dma_start3A_611 : memref<1x16x64xf32, #tpu.memory_space<vmem>> -> memref<16x64xf32, #tpu.memory_space<vmem>>
    %dma_start3A_613 = arith.constant 0 : i32
    %dma_start3A_614 = arith.constant 0 : i32
    %dma_start3A_615 = tpu.memref_slice %arg3[%dma_start3A_613, %dma_start3A_614] : memref<1000000x64xf32, #tpu.memory_space<hbm>> -> memref<1000000x64xf32, #tpu.memory_space<hbm>>
    tpu.enqueue_indirect_dma source(%dma_start3A_615 : memref<1000000x64xf32, #tpu.memory_space<hbm>>) target(%dma_start3A_612 : memref<16x64xf32, #tpu.memory_space<vmem>>) offsets(%get3A_607 : vector<16xi32>) semaphore(%arg11 : memref<!tpu.dma_semaphore, #tpu.memory_space<semaphore_mem>>)
    %get3A_616 = arith.constant 3 : i32
    %get3A_617 = arith.constant 2 : i32
    %get3A_618 = arith.index_cast %get3A_616 : i32 to index
    %get3A_619 = arith.index_cast %get3A_617 : i32 to index
    %get3A_620 = arith.constant 0 : index
    %get3A_621 = tpu.vector_load %arg5[%get3A_618, %get3A_619, %get3A_620] {strides = array<i32>} : memref<128x13x16xi32, #tpu.memory_space<vmem>>, vector<1x1x16xi32>,
    %get3A_622 = vector.shape_cast %get3A_621 : vector<1x1x16xi32> to vector<16xi32>
    %dma_start3A_623 = arith.constant 3 : i32
    %dma_start3A_624 = arith.constant 32 : i32
    %dma_start3A_625 = arith.constant 0 : i32
    %dma_start3A_626 = tpu.memref_slice %arg6[%dma_start3A_623, %dma_start3A_624, %dma_start3A_625] : memref<4x208x64xf32, #tpu.memory_space<vmem>> -> memref<1x16x64xf32, #tpu.memory_space<vmem>>
    %dma_start3A_627 = tpu.memref_squeeze %dma_start3A_626 : memref<1x16x64xf32, #tpu.memory_space<vmem>> -> memref<16x64xf32, #tpu.memory_space<vmem>>
    %dma_start3A_628 = arith.constant 0 : i32
    %dma_start3A_629 = arith.constant 0 : i32
    %dma_start3A_630 = tpu.memref_slice %arg3[%dma_start3A_628, %dma_start3A_629] : memref<1000000x64xf32, #tpu.memory_space<hbm>> -> memref<1000000x64xf32, #tpu.memory_space<hbm>>
    tpu.enqueue_indirect_dma source(%dma_start3A_630 : memref<1000000x64xf32, #tpu.memory_space<hbm>>) target(%dma_start3A_627 : memref<16x64xf32, #tpu.memory_space<vmem>>) offsets(%get3A_622 : vector<16xi32>) semaphore(%arg11 : memref<!tpu.dma_semaphore, #tpu.memory_space<semaphore_mem>>)
    %get3A_631 = arith.constant 3 : i32
    %get3A_632 = arith.constant 3 : i32
    %get3A_633 = arith.index_cast %get3A_631 : i32 to index
    %get3A_634 = arith.index_cast %get3A_632 : i32 to index
    %get3A_635 = arith.constant 0 : index
    %get3A_636 = tpu.vector_load %arg5[%get3A_633, %get3A_634, %get3A_635] {strides = array<i32>} : memref<128x13x16xi32, #tpu.memory_space<vmem>>, vector<1x1x16xi32>,
    %get3A_637 = vector.shape_cast %get3A_636 : vector<1x1x16xi32> to vector<16xi32>
    %dma_start3A_638 = arith.constant 3 : i32
    %dma_start3A_639 = arith.constant 48 : i32
    %dma_start3A_640 = arith.constant 0 : i32
    %dma_start3A_641 = tpu.memref_slice %arg6[%dma_start3A_638, %dma_start3A_639, %dma_start3A_640] : memref<4x208x64xf32, #tpu.memory_space<vmem>> -> memref<1x16x64xf32, #tpu.memory_space<vmem>>
    %dma_start3A_642 = tpu.memref_squeeze %dma_start3A_641 : memref<1x16x64xf32, #tpu.memory_space<vmem>> -> memref<16x64xf32, #tpu.memory_space<vmem>>
    %dma_start3A_643 = arith.constant 0 : i32
    %dma_start3A_644 = arith.constant 0 : i32
    %dma_start3A_645 = tpu.memref_slice %arg3[%dma_start3A_643, %dma_start3A_644] : memref<1000000x64xf32, #tpu.memory_space<hbm>> -> memref<1000000x64xf32, #tpu.memory_space<hbm>>
    tpu.enqueue_indirect_dma source(%dma_start3A_645 : memref<1000000x64xf32, #tpu.memory_space<hbm>>) target(%dma_start3A_642 : memref<16x64xf32, #tpu.memory_space<vmem>>) offsets(%get3A_637 : vector<16xi32>) semaphore(%arg11 : memref<!tpu.dma_semaphore, #tpu.memory_space<semaphore_mem>>)
    %get3A_646 = arith.constant 3 : i32
    %get3A_647 = arith.constant 4 : i32
    %get3A_648 = arith.index_cast %get3A_646 : i32 to index
    %get3A_649 = arith.index_cast %get3A_647 : i32 to index
    %get3A_650 = arith.constant 0 : index
    %get3A_651 = tpu.vector_load %arg5[%get3A_648, %get3A_649, %get3A_650] {strides = array<i32>} : memref<128x13x16xi32, #tpu.memory_space<vmem>>, vector<1x1x16xi32>,
    %get3A_652 = vector.shape_cast %get3A_651 : vector<1x1x16xi32> to vector<16xi32>
    %dma_start3A_653 = arith.constant 3 : i32
    %dma_start3A_654 = arith.constant 64 : i32
    %dma_start3A_655 = arith.constant 0 : i32
    %dma_start3A_656 = tpu.memref_slice %arg6[%dma_start3A_653, %dma_start3A_654, %dma_start3A_655] : memref<4x208x64xf32, #tpu.memory_space<vmem>> -> memref<1x16x64xf32, #tpu.memory_space<vmem>>
    %dma_start3A_657 = tpu.memref_squeeze %dma_start3A_656 : memref<1x16x64xf32, #tpu.memory_space<vmem>> -> memref<16x64xf32, #tpu.memory_space<vmem>>
    %dma_start3A_658 = arith.constant 0 : i32
    %dma_start3A_659 = arith.constant 0 : i32
    %dma_start3A_660 = tpu.memref_slice %arg3[%dma_start3A_658, %dma_start3A_659] : memref<1000000x64xf32, #tpu.memory_space<hbm>> -> memref<1000000x64xf32, #tpu.memory_space<hbm>>
    tpu.enqueue_indirect_dma source(%dma_start3A_660 : memref<1000000x64xf32, #tpu.memory_space<hbm>>) target(%dma_start3A_657 : memref<16x64xf32, #tpu.memory_space<vmem>>) offsets(%get3A_652 : vector<16xi32>) semaphore(%arg11 : memref<!tpu.dma_semaphore, #tpu.memory_space<semaphore_mem>>)
    %get3A_661 = arith.constant 3 : i32
    %get3A_662 = arith.constant 5 : i32
    %get3A_663 = arith.index_cast %get3A_661 : i32 to index
    %get3A_664 = arith.index_cast %get3A_662 : i32 to index
    %get3A_665 = arith.constant 0 : index
    %get3A_666 = tpu.vector_load %arg5[%get3A_663, %get3A_664, %get3A_665] {strides = array<i32>} : memref<128x13x16xi32, #tpu.memory_space<vmem>>, vector<1x1x16xi32>,
    %get3A_667 = vector.shape_cast %get3A_666 : vector<1x1x16xi32> to vector<16xi32>
    %dma_start3A_668 = arith.constant 3 : i32
    %dma_start3A_669 = arith.constant 80 : i32
    %dma_start3A_670 = arith.constant 0 : i32
    %dma_start3A_671 = tpu.memref_slice %arg6[%dma_start3A_668, %dma_start3A_669, %dma_start3A_670] : memref<4x208x64xf32, #tpu.memory_space<vmem>> -> memref<1x16x64xf32, #tpu.memory_space<vmem>>
    %dma_start3A_672 = tpu.memref_squeeze %dma_start3A_671 : memref<1x16x64xf32, #tpu.memory_space<vmem>> -> memref<16x64xf32, #tpu.memory_space<vmem>>
    %dma_start3A_673 = arith.constant 0 : i32
    %dma_start3A_674 = arith.constant 0 : i32
    %dma_start3A_675 = tpu.memref_slice %arg3[%dma_start3A_673, %dma_start3A_674] : memref<1000000x64xf32, #tpu.memory_space<hbm>> -> memref<1000000x64xf32, #tpu.memory_space<hbm>>
    tpu.enqueue_indirect_dma source(%dma_start3A_675 : memref<1000000x64xf32, #tpu.memory_space<hbm>>) target(%dma_start3A_672 : memref<16x64xf32, #tpu.memory_space<vmem>>) offsets(%get3A_667 : vector<16xi32>) semaphore(%arg11 : memref<!tpu.dma_semaphore, #tpu.memory_space<semaphore_mem>>)
    %get3A_676 = arith.constant 3 : i32
    %get3A_677 = arith.constant 6 : i32
    %get3A_678 = arith.index_cast %get3A_676 : i32 to index
    %get3A_679 = arith.index_cast %get3A_677 : i32 to index
    %get3A_680 = arith.constant 0 : index
    %get3A_681 = tpu.vector_load %arg5[%get3A_678, %get3A_679, %get3A_680] {strides = array<i32>} : memref<128x13x16xi32, #tpu.memory_space<vmem>>, vector<1x1x16xi32>,
    %get3A_682 = vector.shape_cast %get3A_681 : vector<1x1x16xi32> to vector<16xi32>
    %dma_start3A_683 = arith.constant 3 : i32
    %dma_start3A_684 = arith.constant 96 : i32
    %dma_start3A_685 = arith.constant 0 : i32
    %dma_start3A_686 = tpu.memref_slice %arg6[%dma_start3A_683, %dma_start3A_684, %dma_start3A_685] : memref<4x208x64xf32, #tpu.memory_space<vmem>> -> memref<1x16x64xf32, #tpu.memory_space<vmem>>
    %dma_start3A_687 = tpu.memref_squeeze %dma_start3A_686 : memref<1x16x64xf32, #tpu.memory_space<vmem>> -> memref<16x64xf32, #tpu.memory_space<vmem>>
    %dma_start3A_688 = arith.constant 0 : i32
    %dma_start3A_689 = arith.constant 0 : i32
    %dma_start3A_690 = tpu.memref_slice %arg3[%dma_start3A_688, %dma_start3A_689] : memref<1000000x64xf32, #tpu.memory_space<hbm>> -> memref<1000000x64xf32, #tpu.memory_space<hbm>>
    tpu.enqueue_indirect_dma source(%dma_start3A_690 : memref<1000000x64xf32, #tpu.memory_space<hbm>>) target(%dma_start3A_687 : memref<16x64xf32, #tpu.memory_space<vmem>>) offsets(%get3A_682 : vector<16xi32>) semaphore(%arg11 : memref<!tpu.dma_semaphore, #tpu.memory_space<semaphore_mem>>)
    %get3A_691 = arith.constant 3 : i32
    %get3A_692 = arith.constant 7 : i32
    %get3A_693 = arith.index_cast %get3A_691 : i32 to index
    %get3A_694 = arith.index_cast %get3A_692 : i32 to index
    %get3A_695 = arith.constant 0 : index
    %get3A_696 = tpu.vector_load %arg5[%get3A_693, %get3A_694, %get3A_695] {strides = array<i32>} : memref<128x13x16xi32, #tpu.memory_space<vmem>>, vector<1x1x16xi32>,
    %get3A_697 = vector.shape_cast %get3A_696 : vector<1x1x16xi32> to vector<16xi32>
    %dma_start3A_698 = arith.constant 3 : i32
    %dma_start3A_699 = arith.constant 112 : i32
    %dma_start3A_700 = arith.constant 0 : i32
    %dma_start3A_701 = tpu.memref_slice %arg6[%dma_start3A_698, %dma_start3A_699, %dma_start3A_700] : memref<4x208x64xf32, #tpu.memory_space<vmem>> -> memref<1x16x64xf32, #tpu.memory_space<vmem>>
    %dma_start3A_702 = tpu.memref_squeeze %dma_start3A_701 : memref<1x16x64xf32, #tpu.memory_space<vmem>> -> memref<16x64xf32, #tpu.memory_space<vmem>>
    %dma_start3A_703 = arith.constant 0 : i32
    %dma_start3A_704 = arith.constant 0 : i32
    %dma_start3A_705 = tpu.memref_slice %arg3[%dma_start3A_703, %dma_start3A_704] : memref<1000000x64xf32, #tpu.memory_space<hbm>> -> memref<1000000x64xf32, #tpu.memory_space<hbm>>
    tpu.enqueue_indirect_dma source(%dma_start3A_705 : memref<1000000x64xf32, #tpu.memory_space<hbm>>) target(%dma_start3A_702 : memref<16x64xf32, #tpu.memory_space<vmem>>) offsets(%get3A_697 : vector<16xi32>) semaphore(%arg11 : memref<!tpu.dma_semaphore, #tpu.memory_space<semaphore_mem>>)
    %get3A_706 = arith.constant 3 : i32
    %get3A_707 = arith.constant 8 : i32
    %get3A_708 = arith.index_cast %get3A_706 : i32 to index
    %get3A_709 = arith.index_cast %get3A_707 : i32 to index
    %get3A_710 = arith.constant 0 : index
    %get3A_711 = tpu.vector_load %arg5[%get3A_708, %get3A_709, %get3A_710] {strides = array<i32>} : memref<128x13x16xi32, #tpu.memory_space<vmem>>, vector<1x1x16xi32>,
    %get3A_712 = vector.shape_cast %get3A_711 : vector<1x1x16xi32> to vector<16xi32>
    %dma_start3A_713 = arith.constant 3 : i32
    %dma_start3A_714 = arith.constant 128 : i32
    %dma_start3A_715 = arith.constant 0 : i32
    %dma_start3A_716 = tpu.memref_slice %arg6[%dma_start3A_713, %dma_start3A_714, %dma_start3A_715] : memref<4x208x64xf32, #tpu.memory_space<vmem>> -> memref<1x16x64xf32, #tpu.memory_space<vmem>>
    %dma_start3A_717 = tpu.memref_squeeze %dma_start3A_716 : memref<1x16x64xf32, #tpu.memory_space<vmem>> -> memref<16x64xf32, #tpu.memory_space<vmem>>
    %dma_start3A_718 = arith.constant 0 : i32
    %dma_start3A_719 = arith.constant 0 : i32
    %dma_start3A_720 = tpu.memref_slice %arg3[%dma_start3A_718, %dma_start3A_719] : memref<1000000x64xf32, #tpu.memory_space<hbm>> -> memref<1000000x64xf32, #tpu.memory_space<hbm>>
    tpu.enqueue_indirect_dma source(%dma_start3A_720 : memref<1000000x64xf32, #tpu.memory_space<hbm>>) target(%dma_start3A_717 : memref<16x64xf32, #tpu.memory_space<vmem>>) offsets(%get3A_712 : vector<16xi32>) semaphore(%arg11 : memref<!tpu.dma_semaphore, #tpu.memory_space<semaphore_mem>>)
    %get3A_721 = arith.constant 3 : i32
    %get3A_722 = arith.constant 9 : i32
    %get3A_723 = arith.index_cast %get3A_721 : i32 to index
    %get3A_724 = arith.index_cast %get3A_722 : i32 to index
    %get3A_725 = arith.constant 0 : index
    %get3A_726 = tpu.vector_load %arg5[%get3A_723, %get3A_724, %get3A_725] {strides = array<i32>} : memref<128x13x16xi32, #tpu.memory_space<vmem>>, vector<1x1x16xi32>,
    %get3A_727 = vector.shape_cast %get3A_726 : vector<1x1x16xi32> to vector<16xi32>
    %dma_start3A_728 = arith.constant 3 : i32
    %dma_start3A_729 = arith.constant 144 : i32
    %dma_start3A_730 = arith.constant 0 : i32
    %dma_start3A_731 = tpu.memref_slice %arg6[%dma_start3A_728, %dma_start3A_729, %dma_start3A_730] : memref<4x208x64xf32, #tpu.memory_space<vmem>> -> memref<1x16x64xf32, #tpu.memory_space<vmem>>
    %dma_start3A_732 = tpu.memref_squeeze %dma_start3A_731 : memref<1x16x64xf32, #tpu.memory_space<vmem>> -> memref<16x64xf32, #tpu.memory_space<vmem>>
    %dma_start3A_733 = arith.constant 0 : i32
    %dma_start3A_734 = arith.constant 0 : i32
    %dma_start3A_735 = tpu.memref_slice %arg3[%dma_start3A_733, %dma_start3A_734] : memref<1000000x64xf32, #tpu.memory_space<hbm>> -> memref<1000000x64xf32, #tpu.memory_space<hbm>>
    tpu.enqueue_indirect_dma source(%dma_start3A_735 : memref<1000000x64xf32, #tpu.memory_space<hbm>>) target(%dma_start3A_732 : memref<16x64xf32, #tpu.memory_space<vmem>>) offsets(%get3A_727 : vector<16xi32>) semaphore(%arg11 : memref<!tpu.dma_semaphore, #tpu.memory_space<semaphore_mem>>)
    %get3A_736 = arith.constant 3 : i32
    %get3A_737 = arith.constant 10 : i32
    %get3A_738 = arith.index_cast %get3A_736 : i32 to index
    %get3A_739 = arith.index_cast %get3A_737 : i32 to index
    %get3A_740 = arith.constant 0 : index
    %get3A_741 = tpu.vector_load %arg5[%get3A_738, %get3A_739, %get3A_740] {strides = array<i32>} : memref<128x13x16xi32, #tpu.memory_space<vmem>>, vector<1x1x16xi32>,
    %get3A_742 = vector.shape_cast %get3A_741 : vector<1x1x16xi32> to vector<16xi32>
    %dma_start3A_743 = arith.constant 3 : i32
    %dma_start3A_744 = arith.constant 160 : i32
    %dma_start3A_745 = arith.constant 0 : i32
    %dma_start3A_746 = tpu.memref_slice %arg6[%dma_start3A_743, %dma_start3A_744, %dma_start3A_745] : memref<4x208x64xf32, #tpu.memory_space<vmem>> -> memref<1x16x64xf32, #tpu.memory_space<vmem>>
    %dma_start3A_747 = tpu.memref_squeeze %dma_start3A_746 : memref<1x16x64xf32, #tpu.memory_space<vmem>> -> memref<16x64xf32, #tpu.memory_space<vmem>>
    %dma_start3A_748 = arith.constant 0 : i32
    %dma_start3A_749 = arith.constant 0 : i32
    %dma_start3A_750 = tpu.memref_slice %arg3[%dma_start3A_748, %dma_start3A_749] : memref<1000000x64xf32, #tpu.memory_space<hbm>> -> memref<1000000x64xf32, #tpu.memory_space<hbm>>
    tpu.enqueue_indirect_dma source(%dma_start3A_750 : memref<1000000x64xf32, #tpu.memory_space<hbm>>) target(%dma_start3A_747 : memref<16x64xf32, #tpu.memory_space<vmem>>) offsets(%get3A_742 : vector<16xi32>) semaphore(%arg11 : memref<!tpu.dma_semaphore, #tpu.memory_space<semaphore_mem>>)
    %get3A_751 = arith.constant 3 : i32
    %get3A_752 = arith.constant 11 : i32
    %get3A_753 = arith.index_cast %get3A_751 : i32 to index
    %get3A_754 = arith.index_cast %get3A_752 : i32 to index
    %get3A_755 = arith.constant 0 : index
    %get3A_756 = tpu.vector_load %arg5[%get3A_753, %get3A_754, %get3A_755] {strides = array<i32>} : memref<128x13x16xi32, #tpu.memory_space<vmem>>, vector<1x1x16xi32>,
    %get3A_757 = vector.shape_cast %get3A_756 : vector<1x1x16xi32> to vector<16xi32>
    %dma_start3A_758 = arith.constant 3 : i32
    %dma_start3A_759 = arith.constant 176 : i32
    %dma_start3A_760 = arith.constant 0 : i32
    %dma_start3A_761 = tpu.memref_slice %arg6[%dma_start3A_758, %dma_start3A_759, %dma_start3A_760] : memref<4x208x64xf32, #tpu.memory_space<vmem>> -> memref<1x16x64xf32, #tpu.memory_space<vmem>>
    %dma_start3A_762 = tpu.memref_squeeze %dma_start3A_761 : memref<1x16x64xf32, #tpu.memory_space<vmem>> -> memref<16x64xf32, #tpu.memory_space<vmem>>
    %dma_start3A_763 = arith.constant 0 : i32
    %dma_start3A_764 = arith.constant 0 : i32
    %dma_start3A_765 = tpu.memref_slice %arg3[%dma_start3A_763, %dma_start3A_764] : memref<1000000x64xf32, #tpu.memory_space<hbm>> -> memref<1000000x64xf32, #tpu.memory_space<hbm>>
    tpu.enqueue_indirect_dma source(%dma_start3A_765 : memref<1000000x64xf32, #tpu.memory_space<hbm>>) target(%dma_start3A_762 : memref<16x64xf32, #tpu.memory_space<vmem>>) offsets(%get3A_757 : vector<16xi32>) semaphore(%arg11 : memref<!tpu.dma_semaphore, #tpu.memory_space<semaphore_mem>>)
    %get3A_766 = arith.constant 3 : i32
    %get3A_767 = arith.constant 12 : i32
    %get3A_768 = arith.index_cast %get3A_766 : i32 to index
    %get3A_769 = arith.index_cast %get3A_767 : i32 to index
    %get3A_770 = arith.constant 0 : index
    %get3A_771 = tpu.vector_load %arg5[%get3A_768, %get3A_769, %get3A_770] {strides = array<i32>} : memref<128x13x16xi32, #tpu.memory_space<vmem>>, vector<1x1x16xi32>,
    %get3A_772 = vector.shape_cast %get3A_771 : vector<1x1x16xi32> to vector<16xi32>
    %dma_start3A_773 = arith.constant 3 : i32
    %dma_start3A_774 = arith.constant 192 : i32
    %dma_start3A_775 = arith.constant 0 : i32
    %dma_start3A_776 = tpu.memref_slice %arg6[%dma_start3A_773, %dma_start3A_774, %dma_start3A_775] : memref<4x208x64xf32, #tpu.memory_space<vmem>> -> memref<1x16x64xf32, #tpu.memory_space<vmem>>
    %dma_start3A_777 = tpu.memref_squeeze %dma_start3A_776 : memref<1x16x64xf32, #tpu.memory_space<vmem>> -> memref<16x64xf32, #tpu.memory_space<vmem>>
    %dma_start3A_778 = arith.constant 0 : i32
    %dma_start3A_779 = arith.constant 0 : i32
    %dma_start3A_780 = tpu.memref_slice %arg3[%dma_start3A_778, %dma_start3A_779] : memref<1000000x64xf32, #tpu.memory_space<hbm>> -> memref<1000000x64xf32, #tpu.memory_space<hbm>>
    tpu.enqueue_indirect_dma source(%dma_start3A_780 : memref<1000000x64xf32, #tpu.memory_space<hbm>>) target(%dma_start3A_777 : memref<16x64xf32, #tpu.memory_space<vmem>>) offsets(%get3A_772 : vector<16xi32>) semaphore(%arg11 : memref<!tpu.dma_semaphore, #tpu.memory_space<semaphore_mem>>)
    %scan3A = arith.constant 0 : i32
    %scan3A_781 = arith.constant 0 : i32
    %scan3A_782 = arith.constant 32 : i32
    %scan3A_783 = arith.addi %scan3A_781, %scan3A_782 : i32
    %scan3A_784 = arith.constant 1 : i32
    %scan3A_785 = scf.for %scan3A_787 = %scan3A_781 to %scan3A_783 step %scan3A_784 iter_args(%scan3A_788 = %scan3A) -> (i32)  : i32 {
      %mul3A_789 = arith.constant 4 : i32
      %mul3A_790 = arith.muli %mul3A_789, %scan3A_787 : i32
      %dma_wait3A = arith.constant 0 : i32
      %dma_wait3A_791 = arith.constant 0 : i32
      %dma_wait3A_792 = arith.constant 0 : i32
      %dma_wait3A_793 = tpu.memref_slice %arg6[%dma_wait3A, %dma_wait3A_791, %dma_wait3A_792] : memref<4x208x64xf32, #tpu.memory_space<vmem>> -> memref<1x208x64xf32, #tpu.memory_space<vmem>>
      %dma_wait3A_794 = tpu.memref_squeeze %dma_wait3A_793 : memref<1x208x64xf32, #tpu.memory_space<vmem>> -> memref<208x64xf32, #tpu.memory_space<vmem>>
      %dma_wait3A_795 = arith.constant 0 : i32
      %dma_wait3A_796 = arith.constant 0 : i32
      %dma_wait3A_797 = tpu.memref_slice %arg3[%dma_wait3A_795, %dma_wait3A_796] : memref<1000000x64xf32, #tpu.memory_space<hbm>> -> memref<208x64xf32, #tpu.memory_space<hbm>>
      %dma_wait3A_798 = arith.constant 0 : i32
      %dma_wait3A_799 = arith.constant 0 : i32
      %dma_wait3A_800 = tpu.memref_slice %arg6[%dma_wait3A, %dma_wait3A_798, %dma_wait3A_799] : memref<4x208x64xf32, #tpu.memory_space<vmem>> -> memref<1x208x64xf32, #tpu.memory_space<vmem>>
      %dma_wait3A_801 = tpu.memref_squeeze %dma_wait3A_800 : memref<1x208x64xf32, #tpu.memory_space<vmem>> -> memref<208x64xf32, #tpu.memory_space<vmem>>
      %dma_wait3A_802 = arith.constant 0 : i32
      %dma_wait3A_803 = arith.constant 0 : i32
      %dma_wait3A_804 = tpu.memref_slice %arg3[%dma_wait3A_802, %dma_wait3A_803] : memref<1000000x64xf32, #tpu.memory_space<hbm>> -> memref<208x64xf32, #tpu.memory_space<hbm>>
      tpu.wait_dma2 semaphore(%arg8 : memref<!tpu.dma_semaphore, #tpu.memory_space<semaphore_mem>>) src(%dma_wait3A_804 : memref<208x64xf32, #tpu.memory_space<hbm>>) dst(%dma_wait3A_801 : memref<208x64xf32, #tpu.memory_space<vmem>>)
      %add3A_805 = arith.constant 0 : i32
      %add3A_806 = arith.addi %mul3A_790, %add3A_805 : i32
      %broadcast_in_dim3A = arith.constant 0.000000e+00 : f32
      %broadcast_in_dim3A_807 = vector.broadcast %broadcast_in_dim3A : f32 to vector<16xf32>
      %scan3A_808 = arith.constant 0 : i32
      %scan3A_809 = arith.constant 50 : i32
      %scan3A_810 = arith.addi %scan3A_808, %scan3A_809 : i32
      %scan3A_811 = arith.constant 1 : i32
      %scan3A_812:4 = scf.for %scan3A_1119 = %scan3A_808 to %scan3A_810 step %scan3A_811 iter_args(%scan3A_1120 = %broadcast_in_dim3A_807, %scan3A_1121 = %broadcast_in_dim3A_807, %scan3A_1122 = %broadcast_in_dim3A_807, %scan3A_1123 = %broadcast_in_dim3A_807) -> (vector<16xf32>, vector<16xf32>, vector<16xf32>, vector<16xf32>)  : i32 {
        %mul3A_1124 = arith.constant 4 : i32
        %mul3A_1125 = arith.muli %scan3A_1119, %mul3A_1124 : i32
        %add3A_1126 = arith.constant 0 : i32
        %add3A_1127 = arith.addi %mul3A_1125, %add3A_1126 : i32
        %get3A_1128 = arith.constant 0 : i32
        %get3A_1129 = arith.index_cast %get3A_1128 : i32 to index
        %get3A_1130 = arith.index_cast %add3A_1127 : i32 to index
        %get3A_1131 = arith.constant 0 : index
        %get3A_1132 = tpu.vector_load %arg6[%get3A_1129, %get3A_1130, %get3A_1131] {strides = array<i32>} : memref<4x208x64xf32, #tpu.memory_space<vmem>>, vector<1x1x16xf32>,
        %get3A_1133 = vector.shape_cast %get3A_1132 : vector<1x1x16xf32> to vector<16xf32>
        %add3A_1134 = arith.constant 1 : i32
        %add3A_1135 = arith.addi %mul3A_1125, %add3A_1134 : i32
        %get3A_1136 = arith.constant 0 : i32
        %get3A_1137 = arith.index_cast %get3A_1136 : i32 to index
        %get3A_1138 = arith.index_cast %add3A_1135 : i32 to index
        %get3A_1139 = arith.constant 0 : index
        %get3A_1140 = tpu.vector_load %arg6[%get3A_1137, %get3A_1138, %get3A_1139] {strides = array<i32>} : memref<4x208x64xf32, #tpu.memory_space<vmem>>, vector<1x1x16xf32>,
        %get3A_1141 = vector.shape_cast %get3A_1140 : vector<1x1x16xf32> to vector<16xf32>
        %add3A_1142 = arith.constant 2 : i32
        %add3A_1143 = arith.addi %mul3A_1125, %add3A_1142 : i32
        %get3A_1144 = arith.constant 0 : i32
        %get3A_1145 = arith.index_cast %get3A_1144 : i32 to index
        %get3A_1146 = arith.index_cast %add3A_1143 : i32 to index
        %get3A_1147 = arith.constant 0 : index
        %get3A_1148 = tpu.vector_load %arg6[%get3A_1145, %get3A_1146, %get3A_1147] {strides = array<i32>} : memref<4x208x64xf32, #tpu.memory_space<vmem>>, vector<1x1x16xf32>,
        %get3A_1149 = vector.shape_cast %get3A_1148 : vector<1x1x16xf32> to vector<16xf32>
        %add3A_1150 = arith.constant 3 : i32
        %add3A_1151 = arith.addi %mul3A_1125, %add3A_1150 : i32
        %get3A_1152 = arith.constant 0 : i32
        %get3A_1153 = arith.index_cast %get3A_1152 : i32 to index
        %get3A_1154 = arith.index_cast %add3A_1151 : i32 to index
        %get3A_1155 = arith.constant 0 : index
        %get3A_1156 = tpu.vector_load %arg6[%get3A_1153, %get3A_1154, %get3A_1155] {strides = array<i32>} : memref<4x208x64xf32, #tpu.memory_space<vmem>>, vector<1x1x16xf32>,
        %get3A_1157 = vector.shape_cast %get3A_1156 : vector<1x1x16xf32> to vector<16xf32>
        %add3A_1158 = arith.constant 0 : i32
        %add3A_1159 = arith.addi %mul3A_1125, %add3A_1158 : i32
        %get3A_1160 = arith.constant 0 : i32
        %get3A_1161 = arith.index_cast %get3A_1160 : i32 to index
        %get3A_1162 = arith.index_cast %add3A_1159 : i32 to index
        %get3A_1163 = arith.constant 16 : index
        %get3A_1164 = tpu.vector_load %arg6[%get3A_1161, %get3A_1162, %get3A_1163] {strides = array<i32>} : memref<4x208x64xf32, #tpu.memory_space<vmem>>, vector<1x1x16xf32>,
        %get3A_1165 = vector.shape_cast %get3A_1164 : vector<1x1x16xf32> to vector<16xf32>
        %add3A_1166 = arith.constant 1 : i32
        %add3A_1167 = arith.addi %mul3A_1125, %add3A_1166 : i32
        %get3A_1168 = arith.constant 0 : i32
        %get3A_1169 = arith.index_cast %get3A_1168 : i32 to index
        %get3A_1170 = arith.index_cast %add3A_1167 : i32 to index
        %get3A_1171 = arith.constant 16 : index
        %get3A_1172 = tpu.vector_load %arg6[%get3A_1169, %get3A_1170, %get3A_1171] {strides = array<i32>} : memref<4x208x64xf32, #tpu.memory_space<vmem>>, vector<1x1x16xf32>,
        %get3A_1173 = vector.shape_cast %get3A_1172 : vector<1x1x16xf32> to vector<16xf32>
        %add3A_1174 = arith.constant 2 : i32
        %add3A_1175 = arith.addi %mul3A_1125, %add3A_1174 : i32
        %get3A_1176 = arith.constant 0 : i32
        %get3A_1177 = arith.index_cast %get3A_1176 : i32 to index
        %get3A_1178 = arith.index_cast %add3A_1175 : i32 to index
        %get3A_1179 = arith.constant 16 : index
        %get3A_1180 = tpu.vector_load %arg6[%get3A_1177, %get3A_1178, %get3A_1179] {strides = array<i32>} : memref<4x208x64xf32, #tpu.memory_space<vmem>>, vector<1x1x16xf32>,
        %get3A_1181 = vector.shape_cast %get3A_1180 : vector<1x1x16xf32> to vector<16xf32>
        %add3A_1182 = arith.constant 3 : i32
        %add3A_1183 = arith.addi %mul3A_1125, %add3A_1182 : i32
        %get3A_1184 = arith.constant 0 : i32
        %get3A_1185 = arith.index_cast %get3A_1184 : i32 to index
        %get3A_1186 = arith.index_cast %add3A_1183 : i32 to index
        %get3A_1187 = arith.constant 16 : index
        %get3A_1188 = tpu.vector_load %arg6[%get3A_1185, %get3A_1186, %get3A_1187] {strides = array<i32>} : memref<4x208x64xf32, #tpu.memory_space<vmem>>, vector<1x1x16xf32>,
        %get3A_1189 = vector.shape_cast %get3A_1188 : vector<1x1x16xf32> to vector<16xf32>
        %add3A_1190 = arith.constant 0 : i32
        %add3A_1191 = arith.addi %mul3A_1125, %add3A_1190 : i32
        %get3A_1192 = arith.constant 0 : i32
        %get3A_1193 = arith.index_cast %get3A_1192 : i32 to index
        %get3A_1194 = arith.index_cast %add3A_1191 : i32 to index
        %get3A_1195 = arith.constant 32 : index
        %get3A_1196 = tpu.vector_load %arg6[%get3A_1193, %get3A_1194, %get3A_1195] {strides = array<i32>} : memref<4x208x64xf32, #tpu.memory_space<vmem>>, vector<1x1x16xf32>,
        %get3A_1197 = vector.shape_cast %get3A_1196 : vector<1x1x16xf32> to vector<16xf32>
        %add3A_1198 = arith.constant 1 : i32
        %add3A_1199 = arith.addi %mul3A_1125, %add3A_1198 : i32
        %get3A_1200 = arith.constant 0 : i32
        %get3A_1201 = arith.index_cast %get3A_1200 : i32 to index
        %get3A_1202 = arith.index_cast %add3A_1199 : i32 to index
        %get3A_1203 = arith.constant 32 : index
        %get3A_1204 = tpu.vector_load %arg6[%get3A_1201, %get3A_1202, %get3A_1203] {strides = array<i32>} : memref<4x208x64xf32, #tpu.memory_space<vmem>>, vector<1x1x16xf32>,
        %get3A_1205 = vector.shape_cast %get3A_1204 : vector<1x1x16xf32> to vector<16xf32>
        %add3A_1206 = arith.constant 2 : i32
        %add3A_1207 = arith.addi %mul3A_1125, %add3A_1206 : i32
        %get3A_1208 = arith.constant 0 : i32
        %get3A_1209 = arith.index_cast %get3A_1208 : i32 to index
        %get3A_1210 = arith.index_cast %add3A_1207 : i32 to index
        %get3A_1211 = arith.constant 32 : index
        %get3A_1212 = tpu.vector_load %arg6[%get3A_1209, %get3A_1210, %get3A_1211] {strides = array<i32>} : memref<4x208x64xf32, #tpu.memory_space<vmem>>, vector<1x1x16xf32>,
        %get3A_1213 = vector.shape_cast %get3A_1212 : vector<1x1x16xf32> to vector<16xf32>
        %add3A_1214 = arith.constant 3 : i32
        %add3A_1215 = arith.addi %mul3A_1125, %add3A_1214 : i32
        %get3A_1216 = arith.constant 0 : i32
        %get3A_1217 = arith.index_cast %get3A_1216 : i32 to index
        %get3A_1218 = arith.index_cast %add3A_1215 : i32 to index
        %get3A_1219 = arith.constant 32 : index
        %get3A_1220 = tpu.vector_load %arg6[%get3A_1217, %get3A_1218, %get3A_1219] {strides = array<i32>} : memref<4x208x64xf32, #tpu.memory_space<vmem>>, vector<1x1x16xf32>,
        %get3A_1221 = vector.shape_cast %get3A_1220 : vector<1x1x16xf32> to vector<16xf32>
        %add3A_1222 = arith.constant 0 : i32
        %add3A_1223 = arith.addi %mul3A_1125, %add3A_1222 : i32
        %get3A_1224 = arith.constant 0 : i32
        %get3A_1225 = arith.index_cast %get3A_1224 : i32 to index
        %get3A_1226 = arith.index_cast %add3A_1223 : i32 to index
        %get3A_1227 = arith.constant 48 : index
        %get3A_1228 = tpu.vector_load %arg6[%get3A_1225, %get3A_1226, %get3A_1227] {strides = array<i32>} : memref<4x208x64xf32, #tpu.memory_space<vmem>>, vector<1x1x16xf32>,
        %get3A_1229 = vector.shape_cast %get3A_1228 : vector<1x1x16xf32> to vector<16xf32>
        %add3A_1230 = arith.constant 1 : i32
        %add3A_1231 = arith.addi %mul3A_1125, %add3A_1230 : i32
        %get3A_1232 = arith.constant 0 : i32
        %get3A_1233 = arith.index_cast %get3A_1232 : i32 to index
        %get3A_1234 = arith.index_cast %add3A_1231 : i32 to index
        %get3A_1235 = arith.constant 48 : index
        %get3A_1236 = tpu.vector_load %arg6[%get3A_1233, %get3A_1234, %get3A_1235] {strides = array<i32>} : memref<4x208x64xf32, #tpu.memory_space<vmem>>, vector<1x1x16xf32>,
        %get3A_1237 = vector.shape_cast %get3A_1236 : vector<1x1x16xf32> to vector<16xf32>
        %add3A_1238 = arith.constant 2 : i32
        %add3A_1239 = arith.addi %mul3A_1125, %add3A_1238 : i32
        %get3A_1240 = arith.constant 0 : i32
        %get3A_1241 = arith.index_cast %get3A_1240 : i32 to index
        %get3A_1242 = arith.index_cast %add3A_1239 : i32 to index
        %get3A_1243 = arith.constant 48 : index
        %get3A_1244 = tpu.vector_load %arg6[%get3A_1241, %get3A_1242, %get3A_1243] {strides = array<i32>} : memref<4x208x64xf32, #tpu.memory_space<vmem>>, vector<1x1x16xf32>,
        %get3A_1245 = vector.shape_cast %get3A_1244 : vector<1x1x16xf32> to vector<16xf32>
        %add3A_1246 = arith.constant 3 : i32
        %add3A_1247 = arith.addi %mul3A_1125, %add3A_1246 : i32
        %get3A_1248 = arith.constant 0 : i32
        %get3A_1249 = arith.index_cast %get3A_1248 : i32 to index
        %get3A_1250 = arith.index_cast %add3A_1247 : i32 to index
        %get3A_1251 = arith.constant 48 : index
        %get3A_1252 = tpu.vector_load %arg6[%get3A_1249, %get3A_1250, %get3A_1251] {strides = array<i32>} : memref<4x208x64xf32, #tpu.memory_space<vmem>>, vector<1x1x16xf32>,
        %get3A_1253 = vector.shape_cast %get3A_1252 : vector<1x1x16xf32> to vector<16xf32>
        %add3A_1254 = arith.addf %get3A_1133, %get3A_1141 : vector<16xf32>
        %add3A_1255 = arith.addf %get3A_1149, %get3A_1157 : vector<16xf32>
        %add3A_1256 = arith.addf %add3A_1254, %add3A_1255 : vector<16xf32>
        %add3A_1257 = arith.addf %scan3A_1120, %add3A_1256 : vector<16xf32>
        %add3A_1258 = arith.addf %get3A_1165, %get3A_1173 : vector<16xf32>
        %add3A_1259 = arith.addf %get3A_1181, %get3A_1189 : vector<16xf32>
        %add3A_1260 = arith.addf %add3A_1258, %add3A_1259 : vector<16xf32>
        %add3A_1261 = arith.addf %scan3A_1121, %add3A_1260 : vector<16xf32>
        %add3A_1262 = arith.addf %get3A_1197, %get3A_1205 : vector<16xf32>
        %add3A_1263 = arith.addf %get3A_1213, %get3A_1221 : vector<16xf32>
        %add3A_1264 = arith.addf %add3A_1262, %add3A_1263 : vector<16xf32>
        %add3A_1265 = arith.addf %scan3A_1122, %add3A_1264 : vector<16xf32>
        %add3A_1266 = arith.addf %get3A_1229, %get3A_1237 : vector<16xf32>
        %add3A_1267 = arith.addf %get3A_1245, %get3A_1253 : vector<16xf32>
        %add3A_1268 = arith.addf %add3A_1266, %add3A_1267 : vector<16xf32>
        %add3A_1269 = arith.addf %scan3A_1123, %add3A_1268 : vector<16xf32>
        scf.yield %add3A_1257, %add3A_1261, %add3A_1265, %add3A_1269 : vector<16xf32>, vector<16xf32>, vector<16xf32>, vector<16xf32>
      }
      %scan3A_813 = arith.constant 50 : i32
      %broadcast_in_dim3A_814 = arith.constant 1.000000e+00 : f32
      %broadcast_in_dim3A_815 = vector.broadcast %broadcast_in_dim3A_814 : f32 to vector<16xf32>
      %gt3A = arith.constant 0.000000e+00 : f32
      %gt3A_816 = vector.broadcast %gt3A : f32 to vector<16xf32>
      %gt3A_817 = arith.cmpf ogt, %scan3A_812#0, %gt3A_816 : vector<16xf32>
      %neg3A = arith.constant 0.000000e+00 : f32
      %neg3A_818 = vector.broadcast %neg3A : f32 to vector<16xf32>
      %neg3A_819 = arith.subf %neg3A_818, %broadcast_in_dim3A_815 : vector<16xf32>
      %select_n3A = arith.select %gt3A_817, %broadcast_in_dim3A_815, %neg3A_819 : vector<16xi1>, vector<16xf32>
      %swap3A = arith.index_cast %add3A_806 : i32 to index
      %swap3A_820 = arith.constant 0 : index
      %swap3A_821 = tpu.vector_load %arg7[%swap3A, %swap3A_820] {strides = array<i32>} : memref<128x64xf32, #tpu.memory_space<vmem>>, vector<1x16xf32>,
      %swap3A_822 = vector.shape_cast %swap3A_821 : vector<1x16xf32> to vector<16xf32>
      %swap3A_823 = vector.shape_cast %select_n3A : vector<16xf32> to vector<1x16xf32>
      tpu.vector_store %arg7[%swap3A, %swap3A_820], %swap3A_823 {strides = array<i32>} : memref<128x64xf32, #tpu.memory_space<vmem>>, vector<1x16xf32>,
      %gt3A_824 = arith.constant 0.000000e+00 : f32
      %gt3A_825 = vector.broadcast %gt3A_824 : f32 to vector<16xf32>
      %gt3A_826 = arith.cmpf ogt, %scan3A_812#1, %gt3A_825 : vector<16xf32>
      %neg3A_827 = arith.constant 0.000000e+00 : f32
      %neg3A_828 = vector.broadcast %neg3A_827 : f32 to vector<16xf32>
      %neg3A_829 = arith.subf %neg3A_828, %broadcast_in_dim3A_815 : vector<16xf32>
      %select_n3A_830 = arith.select %gt3A_826, %broadcast_in_dim3A_815, %neg3A_829 : vector<16xi1>, vector<16xf32>
      %swap3A_831 = arith.index_cast %add3A_806 : i32 to index
      %swap3A_832 = arith.constant 16 : index
      %swap3A_833 = tpu.vector_load %arg7[%swap3A_831, %swap3A_832] {strides = array<i32>} : memref<128x64xf32, #tpu.memory_space<vmem>>, vector<1x16xf32>,
      %swap3A_834 = vector.shape_cast %swap3A_833 : vector<1x16xf32> to vector<16xf32>
      %swap3A_835 = vector.shape_cast %select_n3A_830 : vector<16xf32> to vector<1x16xf32>
      tpu.vector_store %arg7[%swap3A_831, %swap3A_832], %swap3A_835 {strides = array<i32>} : memref<128x64xf32, #tpu.memory_space<vmem>>, vector<1x16xf32>,
      %gt3A_836 = arith.constant 0.000000e+00 : f32
      %gt3A_837 = vector.broadcast %gt3A_836 : f32 to vector<16xf32>
      %gt3A_838 = arith.cmpf ogt, %scan3A_812#2, %gt3A_837 : vector<16xf32>
      %neg3A_839 = arith.constant 0.000000e+00 : f32
      %neg3A_840 = vector.broadcast %neg3A_839 : f32 to vector<16xf32>
      %neg3A_841 = arith.subf %neg3A_840, %broadcast_in_dim3A_815 : vector<16xf32>
      %select_n3A_842 = arith.select %gt3A_838, %broadcast_in_dim3A_815, %neg3A_841 : vector<16xi1>, vector<16xf32>
      %swap3A_843 = arith.index_cast %add3A_806 : i32 to index
      %swap3A_844 = arith.constant 32 : index
      %swap3A_845 = tpu.vector_load %arg7[%swap3A_843, %swap3A_844] {strides = array<i32>} : memref<128x64xf32, #tpu.memory_space<vmem>>, vector<1x16xf32>,
      %swap3A_846 = vector.shape_cast %swap3A_845 : vector<1x16xf32> to vector<16xf32>
      %swap3A_847 = vector.shape_cast %select_n3A_842 : vector<16xf32> to vector<1x16xf32>
      tpu.vector_store %arg7[%swap3A_843, %swap3A_844], %swap3A_847 {strides = array<i32>} : memref<128x64xf32, #tpu.memory_space<vmem>>, vector<1x16xf32>,
      %gt3A_848 = arith.constant 0.000000e+00 : f32
      %gt3A_849 = vector.broadcast %gt3A_848 : f32 to vector<16xf32>
      %gt3A_850 = arith.cmpf ogt, %scan3A_812#3, %gt3A_849 : vector<16xf32>
      %neg3A_851 = arith.constant 0.000000e+00 : f32
      %neg3A_852 = vector.broadcast %neg3A_851 : f32 to vector<16xf32>
      %neg3A_853 = arith.subf %neg3A_852, %broadcast_in_dim3A_815 : vector<16xf32>
      %select_n3A_854 = arith.select %gt3A_850, %broadcast_in_dim3A_815, %neg3A_853 : vector<16xi1>, vector<16xf32>
      %swap3A_855 = arith.index_cast %add3A_806 : i32 to index
      %swap3A_856 = arith.constant 48 : index
      %swap3A_857 = tpu.vector_load %arg7[%swap3A_855, %swap3A_856] {strides = array<i32>} : memref<128x64xf32, #tpu.memory_space<vmem>>, vector<1x16xf32>,
      %swap3A_858 = vector.shape_cast %swap3A_857 : vector<1x16xf32> to vector<16xf32>
      %swap3A_859 = vector.shape_cast %select_n3A_854 : vector<16xf32> to vector<1x16xf32>
      tpu.vector_store %arg7[%swap3A_855, %swap3A_856], %swap3A_859 {strides = array<i32>} : memref<128x64xf32, #tpu.memory_space<vmem>>, vector<1x16xf32>,
      %add3A_860 = arith.constant 0 : i32
      %add3A_861 = arith.addi %mul3A_790, %add3A_860 : i32
      %add3A_862 = arith.constant 4 : i32
      %add3A_863 = arith.addi %add3A_861, %add3A_862 : i32
      %lt3A = arith.constant 128 : i32
      %lt3A_864 = arith.cmpi slt, %add3A_863, %lt3A : i32
      %convert_element_type3A = arith.extui %lt3A_864 : i1 to i32
      %cond3A = arith.constant 0 : i32
      %cond3A_865 = arith.cmpi ne, %convert_element_type3A, %cond3A : i32
      scf.if %cond3A_865 {
        %add3A_1119 = arith.constant 0 : i32
        %add3A_1120 = arith.addi %mul3A_790, %add3A_1119 : i32
        %add3A_1121 = arith.constant 4 : i32
        %add3A_1122 = arith.addi %add3A_1120, %add3A_1121 : i32
        %get3A_1123 = arith.constant 0 : i32
        %get3A_1124 = arith.index_cast %add3A_1122 : i32 to index
        %get3A_1125 = arith.index_cast %get3A_1123 : i32 to index
        %get3A_1126 = arith.constant 0 : index
        %get3A_1127 = tpu.vector_load %arg5[%get3A_1124, %get3A_1125, %get3A_1126] {strides = array<i32>} : memref<128x13x16xi32, #tpu.memory_space<vmem>>, vector<1x1x16xi32>,
        %get3A_1128 = vector.shape_cast %get3A_1127 : vector<1x1x16xi32> to vector<16xi32>
        %dma_start3A_1129 = arith.constant 0 : i32
        %dma_start3A_1130 = arith.constant 0 : i32
        %dma_start3A_1131 = arith.constant 0 : i32
        %dma_start3A_1132 = tpu.memref_slice %arg6[%dma_start3A_1129, %dma_start3A_1130, %dma_start3A_1131] : memref<4x208x64xf32, #tpu.memory_space<vmem>> -> memref<1x16x64xf32, #tpu.memory_space<vmem>>
        %dma_start3A_1133 = tpu.memref_squeeze %dma_start3A_1132 : memref<1x16x64xf32, #tpu.memory_space<vmem>> -> memref<16x64xf32, #tpu.memory_space<vmem>>
        %dma_start3A_1134 = arith.constant 0 : i32
        %dma_start3A_1135 = arith.constant 0 : i32
        %dma_start3A_1136 = tpu.memref_slice %arg3[%dma_start3A_1134, %dma_start3A_1135] : memref<1000000x64xf32, #tpu.memory_space<hbm>> -> memref<1000000x64xf32, #tpu.memory_space<hbm>>
        tpu.enqueue_indirect_dma source(%dma_start3A_1136 : memref<1000000x64xf32, #tpu.memory_space<hbm>>) target(%dma_start3A_1133 : memref<16x64xf32, #tpu.memory_space<vmem>>) offsets(%get3A_1128 : vector<16xi32>) semaphore(%arg8 : memref<!tpu.dma_semaphore, #tpu.memory_space<semaphore_mem>>)
        %get3A_1137 = arith.constant 1 : i32
        %get3A_1138 = arith.index_cast %add3A_1122 : i32 to index
        %get3A_1139 = arith.index_cast %get3A_1137 : i32 to index
        %get3A_1140 = arith.constant 0 : index
        %get3A_1141 = tpu.vector_load %arg5[%get3A_1138, %get3A_1139, %get3A_1140] {strides = array<i32>} : memref<128x13x16xi32, #tpu.memory_space<vmem>>, vector<1x1x16xi32>,
        %get3A_1142 = vector.shape_cast %get3A_1141 : vector<1x1x16xi32> to vector<16xi32>
        %dma_start3A_1143 = arith.constant 0 : i32
        %dma_start3A_1144 = arith.constant 16 : i32
        %dma_start3A_1145 = arith.constant 0 : i32
        %dma_start3A_1146 = tpu.memref_slice %arg6[%dma_start3A_1143, %dma_start3A_1144, %dma_start3A_1145] : memref<4x208x64xf32, #tpu.memory_space<vmem>> -> memref<1x16x64xf32, #tpu.memory_space<vmem>>
        %dma_start3A_1147 = tpu.memref_squeeze %dma_start3A_1146 : memref<1x16x64xf32, #tpu.memory_space<vmem>> -> memref<16x64xf32, #tpu.memory_space<vmem>>
        %dma_start3A_1148 = arith.constant 0 : i32
        %dma_start3A_1149 = arith.constant 0 : i32
        %dma_start3A_1150 = tpu.memref_slice %arg3[%dma_start3A_1148, %dma_start3A_1149] : memref<1000000x64xf32, #tpu.memory_space<hbm>> -> memref<1000000x64xf32, #tpu.memory_space<hbm>>
        tpu.enqueue_indirect_dma source(%dma_start3A_1150 : memref<1000000x64xf32, #tpu.memory_space<hbm>>) target(%dma_start3A_1147 : memref<16x64xf32, #tpu.memory_space<vmem>>) offsets(%get3A_1142 : vector<16xi32>) semaphore(%arg8 : memref<!tpu.dma_semaphore, #tpu.memory_space<semaphore_mem>>)
        %get3A_1151 = arith.constant 2 : i32
        %get3A_1152 = arith.index_cast %add3A_1122 : i32 to index
        %get3A_1153 = arith.index_cast %get3A_1151 : i32 to index
        %get3A_1154 = arith.constant 0 : index
        %get3A_1155 = tpu.vector_load %arg5[%get3A_1152, %get3A_1153, %get3A_1154] {strides = array<i32>} : memref<128x13x16xi32, #tpu.memory_space<vmem>>, vector<1x1x16xi32>,
        %get3A_1156 = vector.shape_cast %get3A_1155 : vector<1x1x16xi32> to vector<16xi32>
        %dma_start3A_1157 = arith.constant 0 : i32
        %dma_start3A_1158 = arith.constant 32 : i32
        %dma_start3A_1159 = arith.constant 0 : i32
        %dma_start3A_1160 = tpu.memref_slice %arg6[%dma_start3A_1157, %dma_start3A_1158, %dma_start3A_1159] : memref<4x208x64xf32, #tpu.memory_space<vmem>> -> memref<1x16x64xf32, #tpu.memory_space<vmem>>
        %dma_start3A_1161 = tpu.memref_squeeze %dma_start3A_1160 : memref<1x16x64xf32, #tpu.memory_space<vmem>> -> memref<16x64xf32, #tpu.memory_space<vmem>>
        %dma_start3A_1162 = arith.constant 0 : i32
        %dma_start3A_1163 = arith.constant 0 : i32
        %dma_start3A_1164 = tpu.memref_slice %arg3[%dma_start3A_1162, %dma_start3A_1163] : memref<1000000x64xf32, #tpu.memory_space<hbm>> -> memref<1000000x64xf32, #tpu.memory_space<hbm>>
        tpu.enqueue_indirect_dma source(%dma_start3A_1164 : memref<1000000x64xf32, #tpu.memory_space<hbm>>) target(%dma_start3A_1161 : memref<16x64xf32, #tpu.memory_space<vmem>>) offsets(%get3A_1156 : vector<16xi32>) semaphore(%arg8 : memref<!tpu.dma_semaphore, #tpu.memory_space<semaphore_mem>>)
        %get3A_1165 = arith.constant 3 : i32
        %get3A_1166 = arith.index_cast %add3A_1122 : i32 to index
        %get3A_1167 = arith.index_cast %get3A_1165 : i32 to index
        %get3A_1168 = arith.constant 0 : index
        %get3A_1169 = tpu.vector_load %arg5[%get3A_1166, %get3A_1167, %get3A_1168] {strides = array<i32>} : memref<128x13x16xi32, #tpu.memory_space<vmem>>, vector<1x1x16xi32>,
        %get3A_1170 = vector.shape_cast %get3A_1169 : vector<1x1x16xi32> to vector<16xi32>
        %dma_start3A_1171 = arith.constant 0 : i32
        %dma_start3A_1172 = arith.constant 48 : i32
        %dma_start3A_1173 = arith.constant 0 : i32
        %dma_start3A_1174 = tpu.memref_slice %arg6[%dma_start3A_1171, %dma_start3A_1172, %dma_start3A_1173] : memref<4x208x64xf32, #tpu.memory_space<vmem>> -> memref<1x16x64xf32, #tpu.memory_space<vmem>>
        %dma_start3A_1175 = tpu.memref_squeeze %dma_start3A_1174 : memref<1x16x64xf32, #tpu.memory_space<vmem>> -> memref<16x64xf32, #tpu.memory_space<vmem>>
        %dma_start3A_1176 = arith.constant 0 : i32
        %dma_start3A_1177 = arith.constant 0 : i32
        %dma_start3A_1178 = tpu.memref_slice %arg3[%dma_start3A_1176, %dma_start3A_1177] : memref<1000000x64xf32, #tpu.memory_space<hbm>> -> memref<1000000x64xf32, #tpu.memory_space<hbm>>
        tpu.enqueue_indirect_dma source(%dma_start3A_1178 : memref<1000000x64xf32, #tpu.memory_space<hbm>>) target(%dma_start3A_1175 : memref<16x64xf32, #tpu.memory_space<vmem>>) offsets(%get3A_1170 : vector<16xi32>) semaphore(%arg8 : memref<!tpu.dma_semaphore, #tpu.memory_space<semaphore_mem>>)
        %get3A_1179 = arith.constant 4 : i32
        %get3A_1180 = arith.index_cast %add3A_1122 : i32 to index
        %get3A_1181 = arith.index_cast %get3A_1179 : i32 to index
        %get3A_1182 = arith.constant 0 : index
        %get3A_1183 = tpu.vector_load %arg5[%get3A_1180, %get3A_1181, %get3A_1182] {strides = array<i32>} : memref<128x13x16xi32, #tpu.memory_space<vmem>>, vector<1x1x16xi32>,
        %get3A_1184 = vector.shape_cast %get3A_1183 : vector<1x1x16xi32> to vector<16xi32>
        %dma_start3A_1185 = arith.constant 0 : i32
        %dma_start3A_1186 = arith.constant 64 : i32
        %dma_start3A_1187 = arith.constant 0 : i32
        %dma_start3A_1188 = tpu.memref_slice %arg6[%dma_start3A_1185, %dma_start3A_1186, %dma_start3A_1187] : memref<4x208x64xf32, #tpu.memory_space<vmem>> -> memref<1x16x64xf32, #tpu.memory_space<vmem>>
        %dma_start3A_1189 = tpu.memref_squeeze %dma_start3A_1188 : memref<1x16x64xf32, #tpu.memory_space<vmem>> -> memref<16x64xf32, #tpu.memory_space<vmem>>
        %dma_start3A_1190 = arith.constant 0 : i32
        %dma_start3A_1191 = arith.constant 0 : i32
        %dma_start3A_1192 = tpu.memref_slice %arg3[%dma_start3A_1190, %dma_start3A_1191] : memref<1000000x64xf32, #tpu.memory_space<hbm>> -> memref<1000000x64xf32, #tpu.memory_space<hbm>>
        tpu.enqueue_indirect_dma source(%dma_start3A_1192 : memref<1000000x64xf32, #tpu.memory_space<hbm>>) target(%dma_start3A_1189 : memref<16x64xf32, #tpu.memory_space<vmem>>) offsets(%get3A_1184 : vector<16xi32>) semaphore(%arg8 : memref<!tpu.dma_semaphore, #tpu.memory_space<semaphore_mem>>)
        %get3A_1193 = arith.constant 5 : i32
        %get3A_1194 = arith.index_cast %add3A_1122 : i32 to index
        %get3A_1195 = arith.index_cast %get3A_1193 : i32 to index
        %get3A_1196 = arith.constant 0 : index
        %get3A_1197 = tpu.vector_load %arg5[%get3A_1194, %get3A_1195, %get3A_1196] {strides = array<i32>} : memref<128x13x16xi32, #tpu.memory_space<vmem>>, vector<1x1x16xi32>,
        %get3A_1198 = vector.shape_cast %get3A_1197 : vector<1x1x16xi32> to vector<16xi32>
        %dma_start3A_1199 = arith.constant 0 : i32
        %dma_start3A_1200 = arith.constant 80 : i32
        %dma_start3A_1201 = arith.constant 0 : i32
        %dma_start3A_1202 = tpu.memref_slice %arg6[%dma_start3A_1199, %dma_start3A_1200, %dma_start3A_1201] : memref<4x208x64xf32, #tpu.memory_space<vmem>> -> memref<1x16x64xf32, #tpu.memory_space<vmem>>
        %dma_start3A_1203 = tpu.memref_squeeze %dma_start3A_1202 : memref<1x16x64xf32, #tpu.memory_space<vmem>> -> memref<16x64xf32, #tpu.memory_space<vmem>>
        %dma_start3A_1204 = arith.constant 0 : i32
        %dma_start3A_1205 = arith.constant 0 : i32
        %dma_start3A_1206 = tpu.memref_slice %arg3[%dma_start3A_1204, %dma_start3A_1205] : memref<1000000x64xf32, #tpu.memory_space<hbm>> -> memref<1000000x64xf32, #tpu.memory_space<hbm>>
        tpu.enqueue_indirect_dma source(%dma_start3A_1206 : memref<1000000x64xf32, #tpu.memory_space<hbm>>) target(%dma_start3A_1203 : memref<16x64xf32, #tpu.memory_space<vmem>>) offsets(%get3A_1198 : vector<16xi32>) semaphore(%arg8 : memref<!tpu.dma_semaphore, #tpu.memory_space<semaphore_mem>>)
        %get3A_1207 = arith.constant 6 : i32
        %get3A_1208 = arith.index_cast %add3A_1122 : i32 to index
        %get3A_1209 = arith.index_cast %get3A_1207 : i32 to index
        %get3A_1210 = arith.constant 0 : index
        %get3A_1211 = tpu.vector_load %arg5[%get3A_1208, %get3A_1209, %get3A_1210] {strides = array<i32>} : memref<128x13x16xi32, #tpu.memory_space<vmem>>, vector<1x1x16xi32>,
        %get3A_1212 = vector.shape_cast %get3A_1211 : vector<1x1x16xi32> to vector<16xi32>
        %dma_start3A_1213 = arith.constant 0 : i32
        %dma_start3A_1214 = arith.constant 96 : i32
        %dma_start3A_1215 = arith.constant 0 : i32
        %dma_start3A_1216 = tpu.memref_slice %arg6[%dma_start3A_1213, %dma_start3A_1214, %dma_start3A_1215] : memref<4x208x64xf32, #tpu.memory_space<vmem>> -> memref<1x16x64xf32, #tpu.memory_space<vmem>>
        %dma_start3A_1217 = tpu.memref_squeeze %dma_start3A_1216 : memref<1x16x64xf32, #tpu.memory_space<vmem>> -> memref<16x64xf32, #tpu.memory_space<vmem>>
        %dma_start3A_1218 = arith.constant 0 : i32
        %dma_start3A_1219 = arith.constant 0 : i32
        %dma_start3A_1220 = tpu.memref_slice %arg3[%dma_start3A_1218, %dma_start3A_1219] : memref<1000000x64xf32, #tpu.memory_space<hbm>> -> memref<1000000x64xf32, #tpu.memory_space<hbm>>
        tpu.enqueue_indirect_dma source(%dma_start3A_1220 : memref<1000000x64xf32, #tpu.memory_space<hbm>>) target(%dma_start3A_1217 : memref<16x64xf32, #tpu.memory_space<vmem>>) offsets(%get3A_1212 : vector<16xi32>) semaphore(%arg8 : memref<!tpu.dma_semaphore, #tpu.memory_space<semaphore_mem>>)
        %get3A_1221 = arith.constant 7 : i32
        %get3A_1222 = arith.index_cast %add3A_1122 : i32 to index
        %get3A_1223 = arith.index_cast %get3A_1221 : i32 to index
        %get3A_1224 = arith.constant 0 : index
        %get3A_1225 = tpu.vector_load %arg5[%get3A_1222, %get3A_1223, %get3A_1224] {strides = array<i32>} : memref<128x13x16xi32, #tpu.memory_space<vmem>>, vector<1x1x16xi32>,
        %get3A_1226 = vector.shape_cast %get3A_1225 : vector<1x1x16xi32> to vector<16xi32>
        %dma_start3A_1227 = arith.constant 0 : i32
        %dma_start3A_1228 = arith.constant 112 : i32
        %dma_start3A_1229 = arith.constant 0 : i32
        %dma_start3A_1230 = tpu.memref_slice %arg6[%dma_start3A_1227, %dma_start3A_1228, %dma_start3A_1229] : memref<4x208x64xf32, #tpu.memory_space<vmem>> -> memref<1x16x64xf32, #tpu.memory_space<vmem>>
        %dma_start3A_1231 = tpu.memref_squeeze %dma_start3A_1230 : memref<1x16x64xf32, #tpu.memory_space<vmem>> -> memref<16x64xf32, #tpu.memory_space<vmem>>
        %dma_start3A_1232 = arith.constant 0 : i32
        %dma_start3A_1233 = arith.constant 0 : i32
        %dma_start3A_1234 = tpu.memref_slice %arg3[%dma_start3A_1232, %dma_start3A_1233] : memref<1000000x64xf32, #tpu.memory_space<hbm>> -> memref<1000000x64xf32, #tpu.memory_space<hbm>>
        tpu.enqueue_indirect_dma source(%dma_start3A_1234 : memref<1000000x64xf32, #tpu.memory_space<hbm>>) target(%dma_start3A_1231 : memref<16x64xf32, #tpu.memory_space<vmem>>) offsets(%get3A_1226 : vector<16xi32>) semaphore(%arg8 : memref<!tpu.dma_semaphore, #tpu.memory_space<semaphore_mem>>)
        %get3A_1235 = arith.constant 8 : i32
        %get3A_1236 = arith.index_cast %add3A_1122 : i32 to index
        %get3A_1237 = arith.index_cast %get3A_1235 : i32 to index
        %get3A_1238 = arith.constant 0 : index
        %get3A_1239 = tpu.vector_load %arg5[%get3A_1236, %get3A_1237, %get3A_1238] {strides = array<i32>} : memref<128x13x16xi32, #tpu.memory_space<vmem>>, vector<1x1x16xi32>,
        %get3A_1240 = vector.shape_cast %get3A_1239 : vector<1x1x16xi32> to vector<16xi32>
        %dma_start3A_1241 = arith.constant 0 : i32
        %dma_start3A_1242 = arith.constant 128 : i32
        %dma_start3A_1243 = arith.constant 0 : i32
        %dma_start3A_1244 = tpu.memref_slice %arg6[%dma_start3A_1241, %dma_start3A_1242, %dma_start3A_1243] : memref<4x208x64xf32, #tpu.memory_space<vmem>> -> memref<1x16x64xf32, #tpu.memory_space<vmem>>
        %dma_start3A_1245 = tpu.memref_squeeze %dma_start3A_1244 : memref<1x16x64xf32, #tpu.memory_space<vmem>> -> memref<16x64xf32, #tpu.memory_space<vmem>>
        %dma_start3A_1246 = arith.constant 0 : i32
        %dma_start3A_1247 = arith.constant 0 : i32
        %dma_start3A_1248 = tpu.memref_slice %arg3[%dma_start3A_1246, %dma_start3A_1247] : memref<1000000x64xf32, #tpu.memory_space<hbm>> -> memref<1000000x64xf32, #tpu.memory_space<hbm>>
        tpu.enqueue_indirect_dma source(%dma_start3A_1248 : memref<1000000x64xf32, #tpu.memory_space<hbm>>) target(%dma_start3A_1245 : memref<16x64xf32, #tpu.memory_space<vmem>>) offsets(%get3A_1240 : vector<16xi32>) semaphore(%arg8 : memref<!tpu.dma_semaphore, #tpu.memory_space<semaphore_mem>>)
        %get3A_1249 = arith.constant 9 : i32
        %get3A_1250 = arith.index_cast %add3A_1122 : i32 to index
        %get3A_1251 = arith.index_cast %get3A_1249 : i32 to index
        %get3A_1252 = arith.constant 0 : index
        %get3A_1253 = tpu.vector_load %arg5[%get3A_1250, %get3A_1251, %get3A_1252] {strides = array<i32>} : memref<128x13x16xi32, #tpu.memory_space<vmem>>, vector<1x1x16xi32>,
        %get3A_1254 = vector.shape_cast %get3A_1253 : vector<1x1x16xi32> to vector<16xi32>
        %dma_start3A_1255 = arith.constant 0 : i32
        %dma_start3A_1256 = arith.constant 144 : i32
        %dma_start3A_1257 = arith.constant 0 : i32
        %dma_start3A_1258 = tpu.memref_slice %arg6[%dma_start3A_1255, %dma_start3A_1256, %dma_start3A_1257] : memref<4x208x64xf32, #tpu.memory_space<vmem>> -> memref<1x16x64xf32, #tpu.memory_space<vmem>>
        %dma_start3A_1259 = tpu.memref_squeeze %dma_start3A_1258 : memref<1x16x64xf32, #tpu.memory_space<vmem>> -> memref<16x64xf32, #tpu.memory_space<vmem>>
        %dma_start3A_1260 = arith.constant 0 : i32
        %dma_start3A_1261 = arith.constant 0 : i32
        %dma_start3A_1262 = tpu.memref_slice %arg3[%dma_start3A_1260, %dma_start3A_1261] : memref<1000000x64xf32, #tpu.memory_space<hbm>> -> memref<1000000x64xf32, #tpu.memory_space<hbm>>
        tpu.enqueue_indirect_dma source(%dma_start3A_1262 : memref<1000000x64xf32, #tpu.memory_space<hbm>>) target(%dma_start3A_1259 : memref<16x64xf32, #tpu.memory_space<vmem>>) offsets(%get3A_1254 : vector<16xi32>) semaphore(%arg8 : memref<!tpu.dma_semaphore, #tpu.memory_space<semaphore_mem>>)
        %get3A_1263 = arith.constant 10 : i32
        %get3A_1264 = arith.index_cast %add3A_1122 : i32 to index
        %get3A_1265 = arith.index_cast %get3A_1263 : i32 to index
        %get3A_1266 = arith.constant 0 : index
        %get3A_1267 = tpu.vector_load %arg5[%get3A_1264, %get3A_1265, %get3A_1266] {strides = array<i32>} : memref<128x13x16xi32, #tpu.memory_space<vmem>>, vector<1x1x16xi32>,
        %get3A_1268 = vector.shape_cast %get3A_1267 : vector<1x1x16xi32> to vector<16xi32>
        %dma_start3A_1269 = arith.constant 0 : i32
        %dma_start3A_1270 = arith.constant 160 : i32
        %dma_start3A_1271 = arith.constant 0 : i32
        %dma_start3A_1272 = tpu.memref_slice %arg6[%dma_start3A_1269, %dma_start3A_1270, %dma_start3A_1271] : memref<4x208x64xf32, #tpu.memory_space<vmem>> -> memref<1x16x64xf32, #tpu.memory_space<vmem>>
        %dma_start3A_1273 = tpu.memref_squeeze %dma_start3A_1272 : memref<1x16x64xf32, #tpu.memory_space<vmem>> -> memref<16x64xf32, #tpu.memory_space<vmem>>
        %dma_start3A_1274 = arith.constant 0 : i32
        %dma_start3A_1275 = arith.constant 0 : i32
        %dma_start3A_1276 = tpu.memref_slice %arg3[%dma_start3A_1274, %dma_start3A_1275] : memref<1000000x64xf32, #tpu.memory_space<hbm>> -> memref<1000000x64xf32, #tpu.memory_space<hbm>>
        tpu.enqueue_indirect_dma source(%dma_start3A_1276 : memref<1000000x64xf32, #tpu.memory_space<hbm>>) target(%dma_start3A_1273 : memref<16x64xf32, #tpu.memory_space<vmem>>) offsets(%get3A_1268 : vector<16xi32>) semaphore(%arg8 : memref<!tpu.dma_semaphore, #tpu.memory_space<semaphore_mem>>)
        %get3A_1277 = arith.constant 11 : i32
        %get3A_1278 = arith.index_cast %add3A_1122 : i32 to index
        %get3A_1279 = arith.index_cast %get3A_1277 : i32 to index
        %get3A_1280 = arith.constant 0 : index
        %get3A_1281 = tpu.vector_load %arg5[%get3A_1278, %get3A_1279, %get3A_1280] {strides = array<i32>} : memref<128x13x16xi32, #tpu.memory_space<vmem>>, vector<1x1x16xi32>,
        %get3A_1282 = vector.shape_cast %get3A_1281 : vector<1x1x16xi32> to vector<16xi32>
        %dma_start3A_1283 = arith.constant 0 : i32
        %dma_start3A_1284 = arith.constant 176 : i32
        %dma_start3A_1285 = arith.constant 0 : i32
        %dma_start3A_1286 = tpu.memref_slice %arg6[%dma_start3A_1283, %dma_start3A_1284, %dma_start3A_1285] : memref<4x208x64xf32, #tpu.memory_space<vmem>> -> memref<1x16x64xf32, #tpu.memory_space<vmem>>
        %dma_start3A_1287 = tpu.memref_squeeze %dma_start3A_1286 : memref<1x16x64xf32, #tpu.memory_space<vmem>> -> memref<16x64xf32, #tpu.memory_space<vmem>>
        %dma_start3A_1288 = arith.constant 0 : i32
        %dma_start3A_1289 = arith.constant 0 : i32
        %dma_start3A_1290 = tpu.memref_slice %arg3[%dma_start3A_1288, %dma_start3A_1289] : memref<1000000x64xf32, #tpu.memory_space<hbm>> -> memref<1000000x64xf32, #tpu.memory_space<hbm>>
        tpu.enqueue_indirect_dma source(%dma_start3A_1290 : memref<1000000x64xf32, #tpu.memory_space<hbm>>) target(%dma_start3A_1287 : memref<16x64xf32, #tpu.memory_space<vmem>>) offsets(%get3A_1282 : vector<16xi32>) semaphore(%arg8 : memref<!tpu.dma_semaphore, #tpu.memory_space<semaphore_mem>>)
        %get3A_1291 = arith.constant 12 : i32
        %get3A_1292 = arith.index_cast %add3A_1122 : i32 to index
        %get3A_1293 = arith.index_cast %get3A_1291 : i32 to index
        %get3A_1294 = arith.constant 0 : index
        %get3A_1295 = tpu.vector_load %arg5[%get3A_1292, %get3A_1293, %get3A_1294] {strides = array<i32>} : memref<128x13x16xi32, #tpu.memory_space<vmem>>, vector<1x1x16xi32>,
        %get3A_1296 = vector.shape_cast %get3A_1295 : vector<1x1x16xi32> to vector<16xi32>
        %dma_start3A_1297 = arith.constant 0 : i32
        %dma_start3A_1298 = arith.constant 192 : i32
        %dma_start3A_1299 = arith.constant 0 : i32
        %dma_start3A_1300 = tpu.memref_slice %arg6[%dma_start3A_1297, %dma_start3A_1298, %dma_start3A_1299] : memref<4x208x64xf32, #tpu.memory_space<vmem>> -> memref<1x16x64xf32, #tpu.memory_space<vmem>>
        %dma_start3A_1301 = tpu.memref_squeeze %dma_start3A_1300 : memref<1x16x64xf32, #tpu.memory_space<vmem>> -> memref<16x64xf32, #tpu.memory_space<vmem>>
        %dma_start3A_1302 = arith.constant 0 : i32
        %dma_start3A_1303 = arith.constant 0 : i32
        %dma_start3A_1304 = tpu.memref_slice %arg3[%dma_start3A_1302, %dma_start3A_1303] : memref<1000000x64xf32, #tpu.memory_space<hbm>> -> memref<1000000x64xf32, #tpu.memory_space<hbm>>
        tpu.enqueue_indirect_dma source(%dma_start3A_1304 : memref<1000000x64xf32, #tpu.memory_space<hbm>>) target(%dma_start3A_1301 : memref<16x64xf32, #tpu.memory_space<vmem>>) offsets(%get3A_1296 : vector<16xi32>) semaphore(%arg8 : memref<!tpu.dma_semaphore, #tpu.memory_space<semaphore_mem>>)
      } else {
      }
      %dma_wait3A_866 = arith.constant 1 : i32
      %dma_wait3A_867 = arith.constant 0 : i32
      %dma_wait3A_868 = arith.constant 0 : i32
      %dma_wait3A_869 = tpu.memref_slice %arg6[%dma_wait3A_866, %dma_wait3A_867, %dma_wait3A_868] : memref<4x208x64xf32, #tpu.memory_space<vmem>> -> memref<1x208x64xf32, #tpu.memory_space<vmem>>
      %dma_wait3A_870 = tpu.memref_squeeze %dma_wait3A_869 : memref<1x208x64xf32, #tpu.memory_space<vmem>> -> memref<208x64xf32, #tpu.memory_space<vmem>>
      %dma_wait3A_871 = arith.constant 0 : i32
      %dma_wait3A_872 = arith.constant 0 : i32
      %dma_wait3A_873 = tpu.memref_slice %arg3[%dma_wait3A_871, %dma_wait3A_872] : memref<1000000x64xf32, #tpu.memory_space<hbm>> -> memref<208x64xf32, #tpu.memory_space<hbm>>
      %dma_wait3A_874 = arith.constant 0 : i32
      %dma_wait3A_875 = arith.constant 0 : i32
      %dma_wait3A_876 = tpu.memref_slice %arg6[%dma_wait3A_866, %dma_wait3A_874, %dma_wait3A_875] : memref<4x208x64xf32, #tpu.memory_space<vmem>> -> memref<1x208x64xf32, #tpu.memory_space<vmem>>
      %dma_wait3A_877 = tpu.memref_squeeze %dma_wait3A_876 : memref<1x208x64xf32, #tpu.memory_space<vmem>> -> memref<208x64xf32, #tpu.memory_space<vmem>>
      %dma_wait3A_878 = arith.constant 0 : i32
      %dma_wait3A_879 = arith.constant 0 : i32
      %dma_wait3A_880 = tpu.memref_slice %arg3[%dma_wait3A_878, %dma_wait3A_879] : memref<1000000x64xf32, #tpu.memory_space<hbm>> -> memref<208x64xf32, #tpu.memory_space<hbm>>
      tpu.wait_dma2 semaphore(%arg9 : memref<!tpu.dma_semaphore, #tpu.memory_space<semaphore_mem>>) src(%dma_wait3A_880 : memref<208x64xf32, #tpu.memory_space<hbm>>) dst(%dma_wait3A_877 : memref<208x64xf32, #tpu.memory_space<vmem>>)
      %add3A_881 = arith.constant 1 : i32
      %add3A_882 = arith.addi %mul3A_790, %add3A_881 : i32
      %broadcast_in_dim3A_883 = arith.constant 0.000000e+00 : f32
      %broadcast_in_dim3A_884 = vector.broadcast %broadcast_in_dim3A_883 : f32 to vector<16xf32>
      %scan3A_885 = arith.constant 0 : i32
      %scan3A_886 = arith.constant 50 : i32
      %scan3A_887 = arith.addi %scan3A_885, %scan3A_886 : i32
      %scan3A_888 = arith.constant 1 : i32
      %scan3A_889:4 = scf.for %scan3A_1119 = %scan3A_885 to %scan3A_887 step %scan3A_888 iter_args(%scan3A_1120 = %broadcast_in_dim3A_884, %scan3A_1121 = %broadcast_in_dim3A_884, %scan3A_1122 = %broadcast_in_dim3A_884, %scan3A_1123 = %broadcast_in_dim3A_884) -> (vector<16xf32>, vector<16xf32>, vector<16xf32>, vector<16xf32>)  : i32 {
        %mul3A_1124 = arith.constant 4 : i32
        %mul3A_1125 = arith.muli %scan3A_1119, %mul3A_1124 : i32
        %add3A_1126 = arith.constant 0 : i32
        %add3A_1127 = arith.addi %mul3A_1125, %add3A_1126 : i32
        %get3A_1128 = arith.constant 1 : i32
        %get3A_1129 = arith.index_cast %get3A_1128 : i32 to index
        %get3A_1130 = arith.index_cast %add3A_1127 : i32 to index
        %get3A_1131 = arith.constant 0 : index
        %get3A_1132 = tpu.vector_load %arg6[%get3A_1129, %get3A_1130, %get3A_1131] {strides = array<i32>} : memref<4x208x64xf32, #tpu.memory_space<vmem>>, vector<1x1x16xf32>,
        %get3A_1133 = vector.shape_cast %get3A_1132 : vector<1x1x16xf32> to vector<16xf32>
        %add3A_1134 = arith.constant 1 : i32
        %add3A_1135 = arith.addi %mul3A_1125, %add3A_1134 : i32
        %get3A_1136 = arith.constant 1 : i32
        %get3A_1137 = arith.index_cast %get3A_1136 : i32 to index
        %get3A_1138 = arith.index_cast %add3A_1135 : i32 to index
        %get3A_1139 = arith.constant 0 : index
        %get3A_1140 = tpu.vector_load %arg6[%get3A_1137, %get3A_1138, %get3A_1139] {strides = array<i32>} : memref<4x208x64xf32, #tpu.memory_space<vmem>>, vector<1x1x16xf32>,
        %get3A_1141 = vector.shape_cast %get3A_1140 : vector<1x1x16xf32> to vector<16xf32>
        %add3A_1142 = arith.constant 2 : i32
        %add3A_1143 = arith.addi %mul3A_1125, %add3A_1142 : i32
        %get3A_1144 = arith.constant 1 : i32
        %get3A_1145 = arith.index_cast %get3A_1144 : i32 to index
        %get3A_1146 = arith.index_cast %add3A_1143 : i32 to index
        %get3A_1147 = arith.constant 0 : index
        %get3A_1148 = tpu.vector_load %arg6[%get3A_1145, %get3A_1146, %get3A_1147] {strides = array<i32>} : memref<4x208x64xf32, #tpu.memory_space<vmem>>, vector<1x1x16xf32>,
        %get3A_1149 = vector.shape_cast %get3A_1148 : vector<1x1x16xf32> to vector<16xf32>
        %add3A_1150 = arith.constant 3 : i32
        %add3A_1151 = arith.addi %mul3A_1125, %add3A_1150 : i32
        %get3A_1152 = arith.constant 1 : i32
        %get3A_1153 = arith.index_cast %get3A_1152 : i32 to index
        %get3A_1154 = arith.index_cast %add3A_1151 : i32 to index
        %get3A_1155 = arith.constant 0 : index
        %get3A_1156 = tpu.vector_load %arg6[%get3A_1153, %get3A_1154, %get3A_1155] {strides = array<i32>} : memref<4x208x64xf32, #tpu.memory_space<vmem>>, vector<1x1x16xf32>,
        %get3A_1157 = vector.shape_cast %get3A_1156 : vector<1x1x16xf32> to vector<16xf32>
        %add3A_1158 = arith.constant 0 : i32
        %add3A_1159 = arith.addi %mul3A_1125, %add3A_1158 : i32
        %get3A_1160 = arith.constant 1 : i32
        %get3A_1161 = arith.index_cast %get3A_1160 : i32 to index
        %get3A_1162 = arith.index_cast %add3A_1159 : i32 to index
        %get3A_1163 = arith.constant 16 : index
        %get3A_1164 = tpu.vector_load %arg6[%get3A_1161, %get3A_1162, %get3A_1163] {strides = array<i32>} : memref<4x208x64xf32, #tpu.memory_space<vmem>>, vector<1x1x16xf32>,
        %get3A_1165 = vector.shape_cast %get3A_1164 : vector<1x1x16xf32> to vector<16xf32>
        %add3A_1166 = arith.constant 1 : i32
        %add3A_1167 = arith.addi %mul3A_1125, %add3A_1166 : i32
        %get3A_1168 = arith.constant 1 : i32
        %get3A_1169 = arith.index_cast %get3A_1168 : i32 to index
        %get3A_1170 = arith.index_cast %add3A_1167 : i32 to index
        %get3A_1171 = arith.constant 16 : index
        %get3A_1172 = tpu.vector_load %arg6[%get3A_1169, %get3A_1170, %get3A_1171] {strides = array<i32>} : memref<4x208x64xf32, #tpu.memory_space<vmem>>, vector<1x1x16xf32>,
        %get3A_1173 = vector.shape_cast %get3A_1172 : vector<1x1x16xf32> to vector<16xf32>
        %add3A_1174 = arith.constant 2 : i32
        %add3A_1175 = arith.addi %mul3A_1125, %add3A_1174 : i32
        %get3A_1176 = arith.constant 1 : i32
        %get3A_1177 = arith.index_cast %get3A_1176 : i32 to index
        %get3A_1178 = arith.index_cast %add3A_1175 : i32 to index
        %get3A_1179 = arith.constant 16 : index
        %get3A_1180 = tpu.vector_load %arg6[%get3A_1177, %get3A_1178, %get3A_1179] {strides = array<i32>} : memref<4x208x64xf32, #tpu.memory_space<vmem>>, vector<1x1x16xf32>,
        %get3A_1181 = vector.shape_cast %get3A_1180 : vector<1x1x16xf32> to vector<16xf32>
        %add3A_1182 = arith.constant 3 : i32
        %add3A_1183 = arith.addi %mul3A_1125, %add3A_1182 : i32
        %get3A_1184 = arith.constant 1 : i32
        %get3A_1185 = arith.index_cast %get3A_1184 : i32 to index
        %get3A_1186 = arith.index_cast %add3A_1183 : i32 to index
        %get3A_1187 = arith.constant 16 : index
        %get3A_1188 = tpu.vector_load %arg6[%get3A_1185, %get3A_1186, %get3A_1187] {strides = array<i32>} : memref<4x208x64xf32, #tpu.memory_space<vmem>>, vector<1x1x16xf32>,
        %get3A_1189 = vector.shape_cast %get3A_1188 : vector<1x1x16xf32> to vector<16xf32>
        %add3A_1190 = arith.constant 0 : i32
        %add3A_1191 = arith.addi %mul3A_1125, %add3A_1190 : i32
        %get3A_1192 = arith.constant 1 : i32
        %get3A_1193 = arith.index_cast %get3A_1192 : i32 to index
        %get3A_1194 = arith.index_cast %add3A_1191 : i32 to index
        %get3A_1195 = arith.constant 32 : index
        %get3A_1196 = tpu.vector_load %arg6[%get3A_1193, %get3A_1194, %get3A_1195] {strides = array<i32>} : memref<4x208x64xf32, #tpu.memory_space<vmem>>, vector<1x1x16xf32>,
        %get3A_1197 = vector.shape_cast %get3A_1196 : vector<1x1x16xf32> to vector<16xf32>
        %add3A_1198 = arith.constant 1 : i32
        %add3A_1199 = arith.addi %mul3A_1125, %add3A_1198 : i32
        %get3A_1200 = arith.constant 1 : i32
        %get3A_1201 = arith.index_cast %get3A_1200 : i32 to index
        %get3A_1202 = arith.index_cast %add3A_1199 : i32 to index
        %get3A_1203 = arith.constant 32 : index
        %get3A_1204 = tpu.vector_load %arg6[%get3A_1201, %get3A_1202, %get3A_1203] {strides = array<i32>} : memref<4x208x64xf32, #tpu.memory_space<vmem>>, vector<1x1x16xf32>,
        %get3A_1205 = vector.shape_cast %get3A_1204 : vector<1x1x16xf32> to vector<16xf32>
        %add3A_1206 = arith.constant 2 : i32
        %add3A_1207 = arith.addi %mul3A_1125, %add3A_1206 : i32
        %get3A_1208 = arith.constant 1 : i32
        %get3A_1209 = arith.index_cast %get3A_1208 : i32 to index
        %get3A_1210 = arith.index_cast %add3A_1207 : i32 to index
        %get3A_1211 = arith.constant 32 : index
        %get3A_1212 = tpu.vector_load %arg6[%get3A_1209, %get3A_1210, %get3A_1211] {strides = array<i32>} : memref<4x208x64xf32, #tpu.memory_space<vmem>>, vector<1x1x16xf32>,
        %get3A_1213 = vector.shape_cast %get3A_1212 : vector<1x1x16xf32> to vector<16xf32>
        %add3A_1214 = arith.constant 3 : i32
        %add3A_1215 = arith.addi %mul3A_1125, %add3A_1214 : i32
        %get3A_1216 = arith.constant 1 : i32
        %get3A_1217 = arith.index_cast %get3A_1216 : i32 to index
        %get3A_1218 = arith.index_cast %add3A_1215 : i32 to index
        %get3A_1219 = arith.constant 32 : index
        %get3A_1220 = tpu.vector_load %arg6[%get3A_1217, %get3A_1218, %get3A_1219] {strides = array<i32>} : memref<4x208x64xf32, #tpu.memory_space<vmem>>, vector<1x1x16xf32>,
        %get3A_1221 = vector.shape_cast %get3A_1220 : vector<1x1x16xf32> to vector<16xf32>
        %add3A_1222 = arith.constant 0 : i32
        %add3A_1223 = arith.addi %mul3A_1125, %add3A_1222 : i32
        %get3A_1224 = arith.constant 1 : i32
        %get3A_1225 = arith.index_cast %get3A_1224 : i32 to index
        %get3A_1226 = arith.index_cast %add3A_1223 : i32 to index
        %get3A_1227 = arith.constant 48 : index
        %get3A_1228 = tpu.vector_load %arg6[%get3A_1225, %get3A_1226, %get3A_1227] {strides = array<i32>} : memref<4x208x64xf32, #tpu.memory_space<vmem>>, vector<1x1x16xf32>,
        %get3A_1229 = vector.shape_cast %get3A_1228 : vector<1x1x16xf32> to vector<16xf32>
        %add3A_1230 = arith.constant 1 : i32
        %add3A_1231 = arith.addi %mul3A_1125, %add3A_1230 : i32
        %get3A_1232 = arith.constant 1 : i32
        %get3A_1233 = arith.index_cast %get3A_1232 : i32 to index
        %get3A_1234 = arith.index_cast %add3A_1231 : i32 to index
        %get3A_1235 = arith.constant 48 : index
        %get3A_1236 = tpu.vector_load %arg6[%get3A_1233, %get3A_1234, %get3A_1235] {strides = array<i32>} : memref<4x208x64xf32, #tpu.memory_space<vmem>>, vector<1x1x16xf32>,
        %get3A_1237 = vector.shape_cast %get3A_1236 : vector<1x1x16xf32> to vector<16xf32>
        %add3A_1238 = arith.constant 2 : i32
        %add3A_1239 = arith.addi %mul3A_1125, %add3A_1238 : i32
        %get3A_1240 = arith.constant 1 : i32
        %get3A_1241 = arith.index_cast %get3A_1240 : i32 to index
        %get3A_1242 = arith.index_cast %add3A_1239 : i32 to index
        %get3A_1243 = arith.constant 48 : index
        %get3A_1244 = tpu.vector_load %arg6[%get3A_1241, %get3A_1242, %get3A_1243] {strides = array<i32>} : memref<4x208x64xf32, #tpu.memory_space<vmem>>, vector<1x1x16xf32>,
        %get3A_1245 = vector.shape_cast %get3A_1244 : vector<1x1x16xf32> to vector<16xf32>
        %add3A_1246 = arith.constant 3 : i32
        %add3A_1247 = arith.addi %mul3A_1125, %add3A_1246 : i32
        %get3A_1248 = arith.constant 1 : i32
        %get3A_1249 = arith.index_cast %get3A_1248 : i32 to index
        %get3A_1250 = arith.index_cast %add3A_1247 : i32 to index
        %get3A_1251 = arith.constant 48 : index
        %get3A_1252 = tpu.vector_load %arg6[%get3A_1249, %get3A_1250, %get3A_1251] {strides = array<i32>} : memref<4x208x64xf32, #tpu.memory_space<vmem>>, vector<1x1x16xf32>,
        %get3A_1253 = vector.shape_cast %get3A_1252 : vector<1x1x16xf32> to vector<16xf32>
        %add3A_1254 = arith.addf %get3A_1133, %get3A_1141 : vector<16xf32>
        %add3A_1255 = arith.addf %get3A_1149, %get3A_1157 : vector<16xf32>
        %add3A_1256 = arith.addf %add3A_1254, %add3A_1255 : vector<16xf32>
        %add3A_1257 = arith.addf %scan3A_1120, %add3A_1256 : vector<16xf32>
        %add3A_1258 = arith.addf %get3A_1165, %get3A_1173 : vector<16xf32>
        %add3A_1259 = arith.addf %get3A_1181, %get3A_1189 : vector<16xf32>
        %add3A_1260 = arith.addf %add3A_1258, %add3A_1259 : vector<16xf32>
        %add3A_1261 = arith.addf %scan3A_1121, %add3A_1260 : vector<16xf32>
        %add3A_1262 = arith.addf %get3A_1197, %get3A_1205 : vector<16xf32>
        %add3A_1263 = arith.addf %get3A_1213, %get3A_1221 : vector<16xf32>
        %add3A_1264 = arith.addf %add3A_1262, %add3A_1263 : vector<16xf32>
        %add3A_1265 = arith.addf %scan3A_1122, %add3A_1264 : vector<16xf32>
        %add3A_1266 = arith.addf %get3A_1229, %get3A_1237 : vector<16xf32>
        %add3A_1267 = arith.addf %get3A_1245, %get3A_1253 : vector<16xf32>
        %add3A_1268 = arith.addf %add3A_1266, %add3A_1267 : vector<16xf32>
        %add3A_1269 = arith.addf %scan3A_1123, %add3A_1268 : vector<16xf32>
        scf.yield %add3A_1257, %add3A_1261, %add3A_1265, %add3A_1269 : vector<16xf32>, vector<16xf32>, vector<16xf32>, vector<16xf32>
      }
      %scan3A_890 = arith.constant 50 : i32
      %broadcast_in_dim3A_891 = arith.constant 1.000000e+00 : f32
      %broadcast_in_dim3A_892 = vector.broadcast %broadcast_in_dim3A_891 : f32 to vector<16xf32>
      %gt3A_893 = arith.constant 0.000000e+00 : f32
      %gt3A_894 = vector.broadcast %gt3A_893 : f32 to vector<16xf32>
      %gt3A_895 = arith.cmpf ogt, %scan3A_889#0, %gt3A_894 : vector<16xf32>
      %neg3A_896 = arith.constant 0.000000e+00 : f32
      %neg3A_897 = vector.broadcast %neg3A_896 : f32 to vector<16xf32>
      %neg3A_898 = arith.subf %neg3A_897, %broadcast_in_dim3A_892 : vector<16xf32>
      %select_n3A_899 = arith.select %gt3A_895, %broadcast_in_dim3A_892, %neg3A_898 : vector<16xi1>, vector<16xf32>
      %swap3A_900 = arith.index_cast %add3A_882 : i32 to index
      %swap3A_901 = arith.constant 0 : index
      %swap3A_902 = tpu.vector_load %arg7[%swap3A_900, %swap3A_901] {strides = array<i32>} : memref<128x64xf32, #tpu.memory_space<vmem>>, vector<1x16xf32>,
      %swap3A_903 = vector.shape_cast %swap3A_902 : vector<1x16xf32> to vector<16xf32>
      %swap3A_904 = vector.shape_cast %select_n3A_899 : vector<16xf32> to vector<1x16xf32>
      tpu.vector_store %arg7[%swap3A_900, %swap3A_901], %swap3A_904 {strides = array<i32>} : memref<128x64xf32, #tpu.memory_space<vmem>>, vector<1x16xf32>,
      %gt3A_905 = arith.constant 0.000000e+00 : f32
      %gt3A_906 = vector.broadcast %gt3A_905 : f32 to vector<16xf32>
      %gt3A_907 = arith.cmpf ogt, %scan3A_889#1, %gt3A_906 : vector<16xf32>
      %neg3A_908 = arith.constant 0.000000e+00 : f32
      %neg3A_909 = vector.broadcast %neg3A_908 : f32 to vector<16xf32>
      %neg3A_910 = arith.subf %neg3A_909, %broadcast_in_dim3A_892 : vector<16xf32>
      %select_n3A_911 = arith.select %gt3A_907, %broadcast_in_dim3A_892, %neg3A_910 : vector<16xi1>, vector<16xf32>
      %swap3A_912 = arith.index_cast %add3A_882 : i32 to index
      %swap3A_913 = arith.constant 16 : index
      %swap3A_914 = tpu.vector_load %arg7[%swap3A_912, %swap3A_913] {strides = array<i32>} : memref<128x64xf32, #tpu.memory_space<vmem>>, vector<1x16xf32>,
      %swap3A_915 = vector.shape_cast %swap3A_914 : vector<1x16xf32> to vector<16xf32>
      %swap3A_916 = vector.shape_cast %select_n3A_911 : vector<16xf32> to vector<1x16xf32>
      tpu.vector_store %arg7[%swap3A_912, %swap3A_913], %swap3A_916 {strides = array<i32>} : memref<128x64xf32, #tpu.memory_space<vmem>>, vector<1x16xf32>,
      %gt3A_917 = arith.constant 0.000000e+00 : f32
      %gt3A_918 = vector.broadcast %gt3A_917 : f32 to vector<16xf32>
      %gt3A_919 = arith.cmpf ogt, %scan3A_889#2, %gt3A_918 : vector<16xf32>
      %neg3A_920 = arith.constant 0.000000e+00 : f32
      %neg3A_921 = vector.broadcast %neg3A_920 : f32 to vector<16xf32>
      %neg3A_922 = arith.subf %neg3A_921, %broadcast_in_dim3A_892 : vector<16xf32>
      %select_n3A_923 = arith.select %gt3A_919, %broadcast_in_dim3A_892, %neg3A_922 : vector<16xi1>, vector<16xf32>
      %swap3A_924 = arith.index_cast %add3A_882 : i32 to index
      %swap3A_925 = arith.constant 32 : index
      %swap3A_926 = tpu.vector_load %arg7[%swap3A_924, %swap3A_925] {strides = array<i32>} : memref<128x64xf32, #tpu.memory_space<vmem>>, vector<1x16xf32>,
      %swap3A_927 = vector.shape_cast %swap3A_926 : vector<1x16xf32> to vector<16xf32>
      %swap3A_928 = vector.shape_cast %select_n3A_923 : vector<16xf32> to vector<1x16xf32>
      tpu.vector_store %arg7[%swap3A_924, %swap3A_925], %swap3A_928 {strides = array<i32>} : memref<128x64xf32, #tpu.memory_space<vmem>>, vector<1x16xf32>,
      %gt3A_929 = arith.constant 0.000000e+00 : f32
      %gt3A_930 = vector.broadcast %gt3A_929 : f32 to vector<16xf32>
      %gt3A_931 = arith.cmpf ogt, %scan3A_889#3, %gt3A_930 : vector<16xf32>
      %neg3A_932 = arith.constant 0.000000e+00 : f32
      %neg3A_933 = vector.broadcast %neg3A_932 : f32 to vector<16xf32>
      %neg3A_934 = arith.subf %neg3A_933, %broadcast_in_dim3A_892 : vector<16xf32>
      %select_n3A_935 = arith.select %gt3A_931, %broadcast_in_dim3A_892, %neg3A_934 : vector<16xi1>, vector<16xf32>
      %swap3A_936 = arith.index_cast %add3A_882 : i32 to index
      %swap3A_937 = arith.constant 48 : index
      %swap3A_938 = tpu.vector_load %arg7[%swap3A_936, %swap3A_937] {strides = array<i32>} : memref<128x64xf32, #tpu.memory_space<vmem>>, vector<1x16xf32>,
      %swap3A_939 = vector.shape_cast %swap3A_938 : vector<1x16xf32> to vector<16xf32>
      %swap3A_940 = vector.shape_cast %select_n3A_935 : vector<16xf32> to vector<1x16xf32>
      tpu.vector_store %arg7[%swap3A_936, %swap3A_937], %swap3A_940 {strides = array<i32>} : memref<128x64xf32, #tpu.memory_space<vmem>>, vector<1x16xf32>,
      %add3A_941 = arith.constant 1 : i32
      %add3A_942 = arith.addi %mul3A_790, %add3A_941 : i32
      %add3A_943 = arith.constant 4 : i32
      %add3A_944 = arith.addi %add3A_942, %add3A_943 : i32
      %lt3A_945 = arith.constant 128 : i32
      %lt3A_946 = arith.cmpi slt, %add3A_944, %lt3A_945 : i32
      %convert_element_type3A_947 = arith.extui %lt3A_946 : i1 to i32
      %cond3A_948 = arith.constant 0 : i32
      %cond3A_949 = arith.cmpi ne, %convert_element_type3A_947, %cond3A_948 : i32
      scf.if %cond3A_949 {
        %add3A_1119 = arith.constant 1 : i32
        %add3A_1120 = arith.addi %mul3A_790, %add3A_1119 : i32
        %add3A_1121 = arith.constant 4 : i32
        %add3A_1122 = arith.addi %add3A_1120, %add3A_1121 : i32
        %get3A_1123 = arith.constant 0 : i32
        %get3A_1124 = arith.index_cast %add3A_1122 : i32 to index
        %get3A_1125 = arith.index_cast %get3A_1123 : i32 to index
        %get3A_1126 = arith.constant 0 : index
        %get3A_1127 = tpu.vector_load %arg5[%get3A_1124, %get3A_1125, %get3A_1126] {strides = array<i32>} : memref<128x13x16xi32, #tpu.memory_space<vmem>>, vector<1x1x16xi32>,
        %get3A_1128 = vector.shape_cast %get3A_1127 : vector<1x1x16xi32> to vector<16xi32>
        %dma_start3A_1129 = arith.constant 1 : i32
        %dma_start3A_1130 = arith.constant 0 : i32
        %dma_start3A_1131 = arith.constant 0 : i32
        %dma_start3A_1132 = tpu.memref_slice %arg6[%dma_start3A_1129, %dma_start3A_1130, %dma_start3A_1131] : memref<4x208x64xf32, #tpu.memory_space<vmem>> -> memref<1x16x64xf32, #tpu.memory_space<vmem>>
        %dma_start3A_1133 = tpu.memref_squeeze %dma_start3A_1132 : memref<1x16x64xf32, #tpu.memory_space<vmem>> -> memref<16x64xf32, #tpu.memory_space<vmem>>
        %dma_start3A_1134 = arith.constant 0 : i32
        %dma_start3A_1135 = arith.constant 0 : i32
        %dma_start3A_1136 = tpu.memref_slice %arg3[%dma_start3A_1134, %dma_start3A_1135] : memref<1000000x64xf32, #tpu.memory_space<hbm>> -> memref<1000000x64xf32, #tpu.memory_space<hbm>>
        tpu.enqueue_indirect_dma source(%dma_start3A_1136 : memref<1000000x64xf32, #tpu.memory_space<hbm>>) target(%dma_start3A_1133 : memref<16x64xf32, #tpu.memory_space<vmem>>) offsets(%get3A_1128 : vector<16xi32>) semaphore(%arg9 : memref<!tpu.dma_semaphore, #tpu.memory_space<semaphore_mem>>)
        %get3A_1137 = arith.constant 1 : i32
        %get3A_1138 = arith.index_cast %add3A_1122 : i32 to index
        %get3A_1139 = arith.index_cast %get3A_1137 : i32 to index
        %get3A_1140 = arith.constant 0 : index
        %get3A_1141 = tpu.vector_load %arg5[%get3A_1138, %get3A_1139, %get3A_1140] {strides = array<i32>} : memref<128x13x16xi32, #tpu.memory_space<vmem>>, vector<1x1x16xi32>,
        %get3A_1142 = vector.shape_cast %get3A_1141 : vector<1x1x16xi32> to vector<16xi32>
        %dma_start3A_1143 = arith.constant 1 : i32
        %dma_start3A_1144 = arith.constant 16 : i32
        %dma_start3A_1145 = arith.constant 0 : i32
        %dma_start3A_1146 = tpu.memref_slice %arg6[%dma_start3A_1143, %dma_start3A_1144, %dma_start3A_1145] : memref<4x208x64xf32, #tpu.memory_space<vmem>> -> memref<1x16x64xf32, #tpu.memory_space<vmem>>
        %dma_start3A_1147 = tpu.memref_squeeze %dma_start3A_1146 : memref<1x16x64xf32, #tpu.memory_space<vmem>> -> memref<16x64xf32, #tpu.memory_space<vmem>>
        %dma_start3A_1148 = arith.constant 0 : i32
        %dma_start3A_1149 = arith.constant 0 : i32
        %dma_start3A_1150 = tpu.memref_slice %arg3[%dma_start3A_1148, %dma_start3A_1149] : memref<1000000x64xf32, #tpu.memory_space<hbm>> -> memref<1000000x64xf32, #tpu.memory_space<hbm>>
        tpu.enqueue_indirect_dma source(%dma_start3A_1150 : memref<1000000x64xf32, #tpu.memory_space<hbm>>) target(%dma_start3A_1147 : memref<16x64xf32, #tpu.memory_space<vmem>>) offsets(%get3A_1142 : vector<16xi32>) semaphore(%arg9 : memref<!tpu.dma_semaphore, #tpu.memory_space<semaphore_mem>>)
        %get3A_1151 = arith.constant 2 : i32
        %get3A_1152 = arith.index_cast %add3A_1122 : i32 to index
        %get3A_1153 = arith.index_cast %get3A_1151 : i32 to index
        %get3A_1154 = arith.constant 0 : index
        %get3A_1155 = tpu.vector_load %arg5[%get3A_1152, %get3A_1153, %get3A_1154] {strides = array<i32>} : memref<128x13x16xi32, #tpu.memory_space<vmem>>, vector<1x1x16xi32>,
        %get3A_1156 = vector.shape_cast %get3A_1155 : vector<1x1x16xi32> to vector<16xi32>
        %dma_start3A_1157 = arith.constant 1 : i32
        %dma_start3A_1158 = arith.constant 32 : i32
        %dma_start3A_1159 = arith.constant 0 : i32
        %dma_start3A_1160 = tpu.memref_slice %arg6[%dma_start3A_1157, %dma_start3A_1158, %dma_start3A_1159] : memref<4x208x64xf32, #tpu.memory_space<vmem>> -> memref<1x16x64xf32, #tpu.memory_space<vmem>>
        %dma_start3A_1161 = tpu.memref_squeeze %dma_start3A_1160 : memref<1x16x64xf32, #tpu.memory_space<vmem>> -> memref<16x64xf32, #tpu.memory_space<vmem>>
        %dma_start3A_1162 = arith.constant 0 : i32
        %dma_start3A_1163 = arith.constant 0 : i32
        %dma_start3A_1164 = tpu.memref_slice %arg3[%dma_start3A_1162, %dma_start3A_1163] : memref<1000000x64xf32, #tpu.memory_space<hbm>> -> memref<1000000x64xf32, #tpu.memory_space<hbm>>
        tpu.enqueue_indirect_dma source(%dma_start3A_1164 : memref<1000000x64xf32, #tpu.memory_space<hbm>>) target(%dma_start3A_1161 : memref<16x64xf32, #tpu.memory_space<vmem>>) offsets(%get3A_1156 : vector<16xi32>) semaphore(%arg9 : memref<!tpu.dma_semaphore, #tpu.memory_space<semaphore_mem>>)
        %get3A_1165 = arith.constant 3 : i32
        %get3A_1166 = arith.index_cast %add3A_1122 : i32 to index
        %get3A_1167 = arith.index_cast %get3A_1165 : i32 to index
        %get3A_1168 = arith.constant 0 : index
        %get3A_1169 = tpu.vector_load %arg5[%get3A_1166, %get3A_1167, %get3A_1168] {strides = array<i32>} : memref<128x13x16xi32, #tpu.memory_space<vmem>>, vector<1x1x16xi32>,
        %get3A_1170 = vector.shape_cast %get3A_1169 : vector<1x1x16xi32> to vector<16xi32>
        %dma_start3A_1171 = arith.constant 1 : i32
        %dma_start3A_1172 = arith.constant 48 : i32
        %dma_start3A_1173 = arith.constant 0 : i32
        %dma_start3A_1174 = tpu.memref_slice %arg6[%dma_start3A_1171, %dma_start3A_1172, %dma_start3A_1173] : memref<4x208x64xf32, #tpu.memory_space<vmem>> -> memref<1x16x64xf32, #tpu.memory_space<vmem>>
        %dma_start3A_1175 = tpu.memref_squeeze %dma_start3A_1174 : memref<1x16x64xf32, #tpu.memory_space<vmem>> -> memref<16x64xf32, #tpu.memory_space<vmem>>
        %dma_start3A_1176 = arith.constant 0 : i32
        %dma_start3A_1177 = arith.constant 0 : i32
        %dma_start3A_1178 = tpu.memref_slice %arg3[%dma_start3A_1176, %dma_start3A_1177] : memref<1000000x64xf32, #tpu.memory_space<hbm>> -> memref<1000000x64xf32, #tpu.memory_space<hbm>>
        tpu.enqueue_indirect_dma source(%dma_start3A_1178 : memref<1000000x64xf32, #tpu.memory_space<hbm>>) target(%dma_start3A_1175 : memref<16x64xf32, #tpu.memory_space<vmem>>) offsets(%get3A_1170 : vector<16xi32>) semaphore(%arg9 : memref<!tpu.dma_semaphore, #tpu.memory_space<semaphore_mem>>)
        %get3A_1179 = arith.constant 4 : i32
        %get3A_1180 = arith.index_cast %add3A_1122 : i32 to index
        %get3A_1181 = arith.index_cast %get3A_1179 : i32 to index
        %get3A_1182 = arith.constant 0 : index
        %get3A_1183 = tpu.vector_load %arg5[%get3A_1180, %get3A_1181, %get3A_1182] {strides = array<i32>} : memref<128x13x16xi32, #tpu.memory_space<vmem>>, vector<1x1x16xi32>,
        %get3A_1184 = vector.shape_cast %get3A_1183 : vector<1x1x16xi32> to vector<16xi32>
        %dma_start3A_1185 = arith.constant 1 : i32
        %dma_start3A_1186 = arith.constant 64 : i32
        %dma_start3A_1187 = arith.constant 0 : i32
        %dma_start3A_1188 = tpu.memref_slice %arg6[%dma_start3A_1185, %dma_start3A_1186, %dma_start3A_1187] : memref<4x208x64xf32, #tpu.memory_space<vmem>> -> memref<1x16x64xf32, #tpu.memory_space<vmem>>
        %dma_start3A_1189 = tpu.memref_squeeze %dma_start3A_1188 : memref<1x16x64xf32, #tpu.memory_space<vmem>> -> memref<16x64xf32, #tpu.memory_space<vmem>>
        %dma_start3A_1190 = arith.constant 0 : i32
        %dma_start3A_1191 = arith.constant 0 : i32
        %dma_start3A_1192 = tpu.memref_slice %arg3[%dma_start3A_1190, %dma_start3A_1191] : memref<1000000x64xf32, #tpu.memory_space<hbm>> -> memref<1000000x64xf32, #tpu.memory_space<hbm>>
        tpu.enqueue_indirect_dma source(%dma_start3A_1192 : memref<1000000x64xf32, #tpu.memory_space<hbm>>) target(%dma_start3A_1189 : memref<16x64xf32, #tpu.memory_space<vmem>>) offsets(%get3A_1184 : vector<16xi32>) semaphore(%arg9 : memref<!tpu.dma_semaphore, #tpu.memory_space<semaphore_mem>>)
        %get3A_1193 = arith.constant 5 : i32
        %get3A_1194 = arith.index_cast %add3A_1122 : i32 to index
        %get3A_1195 = arith.index_cast %get3A_1193 : i32 to index
        %get3A_1196 = arith.constant 0 : index
        %get3A_1197 = tpu.vector_load %arg5[%get3A_1194, %get3A_1195, %get3A_1196] {strides = array<i32>} : memref<128x13x16xi32, #tpu.memory_space<vmem>>, vector<1x1x16xi32>,
        %get3A_1198 = vector.shape_cast %get3A_1197 : vector<1x1x16xi32> to vector<16xi32>
        %dma_start3A_1199 = arith.constant 1 : i32
        %dma_start3A_1200 = arith.constant 80 : i32
        %dma_start3A_1201 = arith.constant 0 : i32
        %dma_start3A_1202 = tpu.memref_slice %arg6[%dma_start3A_1199, %dma_start3A_1200, %dma_start3A_1201] : memref<4x208x64xf32, #tpu.memory_space<vmem>> -> memref<1x16x64xf32, #tpu.memory_space<vmem>>
        %dma_start3A_1203 = tpu.memref_squeeze %dma_start3A_1202 : memref<1x16x64xf32, #tpu.memory_space<vmem>> -> memref<16x64xf32, #tpu.memory_space<vmem>>
        %dma_start3A_1204 = arith.constant 0 : i32
        %dma_start3A_1205 = arith.constant 0 : i32
        %dma_start3A_1206 = tpu.memref_slice %arg3[%dma_start3A_1204, %dma_start3A_1205] : memref<1000000x64xf32, #tpu.memory_space<hbm>> -> memref<1000000x64xf32, #tpu.memory_space<hbm>>
        tpu.enqueue_indirect_dma source(%dma_start3A_1206 : memref<1000000x64xf32, #tpu.memory_space<hbm>>) target(%dma_start3A_1203 : memref<16x64xf32, #tpu.memory_space<vmem>>) offsets(%get3A_1198 : vector<16xi32>) semaphore(%arg9 : memref<!tpu.dma_semaphore, #tpu.memory_space<semaphore_mem>>)
        %get3A_1207 = arith.constant 6 : i32
        %get3A_1208 = arith.index_cast %add3A_1122 : i32 to index
        %get3A_1209 = arith.index_cast %get3A_1207 : i32 to index
        %get3A_1210 = arith.constant 0 : index
        %get3A_1211 = tpu.vector_load %arg5[%get3A_1208, %get3A_1209, %get3A_1210] {strides = array<i32>} : memref<128x13x16xi32, #tpu.memory_space<vmem>>, vector<1x1x16xi32>,
        %get3A_1212 = vector.shape_cast %get3A_1211 : vector<1x1x16xi32> to vector<16xi32>
        %dma_start3A_1213 = arith.constant 1 : i32
        %dma_start3A_1214 = arith.constant 96 : i32
        %dma_start3A_1215 = arith.constant 0 : i32
        %dma_start3A_1216 = tpu.memref_slice %arg6[%dma_start3A_1213, %dma_start3A_1214, %dma_start3A_1215] : memref<4x208x64xf32, #tpu.memory_space<vmem>> -> memref<1x16x64xf32, #tpu.memory_space<vmem>>
        %dma_start3A_1217 = tpu.memref_squeeze %dma_start3A_1216 : memref<1x16x64xf32, #tpu.memory_space<vmem>> -> memref<16x64xf32, #tpu.memory_space<vmem>>
        %dma_start3A_1218 = arith.constant 0 : i32
        %dma_start3A_1219 = arith.constant 0 : i32
        %dma_start3A_1220 = tpu.memref_slice %arg3[%dma_start3A_1218, %dma_start3A_1219] : memref<1000000x64xf32, #tpu.memory_space<hbm>> -> memref<1000000x64xf32, #tpu.memory_space<hbm>>
        tpu.enqueue_indirect_dma source(%dma_start3A_1220 : memref<1000000x64xf32, #tpu.memory_space<hbm>>) target(%dma_start3A_1217 : memref<16x64xf32, #tpu.memory_space<vmem>>) offsets(%get3A_1212 : vector<16xi32>) semaphore(%arg9 : memref<!tpu.dma_semaphore, #tpu.memory_space<semaphore_mem>>)
        %get3A_1221 = arith.constant 7 : i32
        %get3A_1222 = arith.index_cast %add3A_1122 : i32 to index
        %get3A_1223 = arith.index_cast %get3A_1221 : i32 to index
        %get3A_1224 = arith.constant 0 : index
        %get3A_1225 = tpu.vector_load %arg5[%get3A_1222, %get3A_1223, %get3A_1224] {strides = array<i32>} : memref<128x13x16xi32, #tpu.memory_space<vmem>>, vector<1x1x16xi32>,
        %get3A_1226 = vector.shape_cast %get3A_1225 : vector<1x1x16xi32> to vector<16xi32>
        %dma_start3A_1227 = arith.constant 1 : i32
        %dma_start3A_1228 = arith.constant 112 : i32
        %dma_start3A_1229 = arith.constant 0 : i32
        %dma_start3A_1230 = tpu.memref_slice %arg6[%dma_start3A_1227, %dma_start3A_1228, %dma_start3A_1229] : memref<4x208x64xf32, #tpu.memory_space<vmem>> -> memref<1x16x64xf32, #tpu.memory_space<vmem>>
        %dma_start3A_1231 = tpu.memref_squeeze %dma_start3A_1230 : memref<1x16x64xf32, #tpu.memory_space<vmem>> -> memref<16x64xf32, #tpu.memory_space<vmem>>
        %dma_start3A_1232 = arith.constant 0 : i32
        %dma_start3A_1233 = arith.constant 0 : i32
        %dma_start3A_1234 = tpu.memref_slice %arg3[%dma_start3A_1232, %dma_start3A_1233] : memref<1000000x64xf32, #tpu.memory_space<hbm>> -> memref<1000000x64xf32, #tpu.memory_space<hbm>>
        tpu.enqueue_indirect_dma source(%dma_start3A_1234 : memref<1000000x64xf32, #tpu.memory_space<hbm>>) target(%dma_start3A_1231 : memref<16x64xf32, #tpu.memory_space<vmem>>) offsets(%get3A_1226 : vector<16xi32>) semaphore(%arg9 : memref<!tpu.dma_semaphore, #tpu.memory_space<semaphore_mem>>)
        %get3A_1235 = arith.constant 8 : i32
        %get3A_1236 = arith.index_cast %add3A_1122 : i32 to index
        %get3A_1237 = arith.index_cast %get3A_1235 : i32 to index
        %get3A_1238 = arith.constant 0 : index
        %get3A_1239 = tpu.vector_load %arg5[%get3A_1236, %get3A_1237, %get3A_1238] {strides = array<i32>} : memref<128x13x16xi32, #tpu.memory_space<vmem>>, vector<1x1x16xi32>,
        %get3A_1240 = vector.shape_cast %get3A_1239 : vector<1x1x16xi32> to vector<16xi32>
        %dma_start3A_1241 = arith.constant 1 : i32
        %dma_start3A_1242 = arith.constant 128 : i32
        %dma_start3A_1243 = arith.constant 0 : i32
        %dma_start3A_1244 = tpu.memref_slice %arg6[%dma_start3A_1241, %dma_start3A_1242, %dma_start3A_1243] : memref<4x208x64xf32, #tpu.memory_space<vmem>> -> memref<1x16x64xf32, #tpu.memory_space<vmem>>
        %dma_start3A_1245 = tpu.memref_squeeze %dma_start3A_1244 : memref<1x16x64xf32, #tpu.memory_space<vmem>> -> memref<16x64xf32, #tpu.memory_space<vmem>>
        %dma_start3A_1246 = arith.constant 0 : i32
        %dma_start3A_1247 = arith.constant 0 : i32
        %dma_start3A_1248 = tpu.memref_slice %arg3[%dma_start3A_1246, %dma_start3A_1247] : memref<1000000x64xf32, #tpu.memory_space<hbm>> -> memref<1000000x64xf32, #tpu.memory_space<hbm>>
        tpu.enqueue_indirect_dma source(%dma_start3A_1248 : memref<1000000x64xf32, #tpu.memory_space<hbm>>) target(%dma_start3A_1245 : memref<16x64xf32, #tpu.memory_space<vmem>>) offsets(%get3A_1240 : vector<16xi32>) semaphore(%arg9 : memref<!tpu.dma_semaphore, #tpu.memory_space<semaphore_mem>>)
        %get3A_1249 = arith.constant 9 : i32
        %get3A_1250 = arith.index_cast %add3A_1122 : i32 to index
        %get3A_1251 = arith.index_cast %get3A_1249 : i32 to index
        %get3A_1252 = arith.constant 0 : index
        %get3A_1253 = tpu.vector_load %arg5[%get3A_1250, %get3A_1251, %get3A_1252] {strides = array<i32>} : memref<128x13x16xi32, #tpu.memory_space<vmem>>, vector<1x1x16xi32>,
        %get3A_1254 = vector.shape_cast %get3A_1253 : vector<1x1x16xi32> to vector<16xi32>
        %dma_start3A_1255 = arith.constant 1 : i32
        %dma_start3A_1256 = arith.constant 144 : i32
        %dma_start3A_1257 = arith.constant 0 : i32
        %dma_start3A_1258 = tpu.memref_slice %arg6[%dma_start3A_1255, %dma_start3A_1256, %dma_start3A_1257] : memref<4x208x64xf32, #tpu.memory_space<vmem>> -> memref<1x16x64xf32, #tpu.memory_space<vmem>>
        %dma_start3A_1259 = tpu.memref_squeeze %dma_start3A_1258 : memref<1x16x64xf32, #tpu.memory_space<vmem>> -> memref<16x64xf32, #tpu.memory_space<vmem>>
        %dma_start3A_1260 = arith.constant 0 : i32
        %dma_start3A_1261 = arith.constant 0 : i32
        %dma_start3A_1262 = tpu.memref_slice %arg3[%dma_start3A_1260, %dma_start3A_1261] : memref<1000000x64xf32, #tpu.memory_space<hbm>> -> memref<1000000x64xf32, #tpu.memory_space<hbm>>
        tpu.enqueue_indirect_dma source(%dma_start3A_1262 : memref<1000000x64xf32, #tpu.memory_space<hbm>>) target(%dma_start3A_1259 : memref<16x64xf32, #tpu.memory_space<vmem>>) offsets(%get3A_1254 : vector<16xi32>) semaphore(%arg9 : memref<!tpu.dma_semaphore, #tpu.memory_space<semaphore_mem>>)
        %get3A_1263 = arith.constant 10 : i32
        %get3A_1264 = arith.index_cast %add3A_1122 : i32 to index
        %get3A_1265 = arith.index_cast %get3A_1263 : i32 to index
        %get3A_1266 = arith.constant 0 : index
        %get3A_1267 = tpu.vector_load %arg5[%get3A_1264, %get3A_1265, %get3A_1266] {strides = array<i32>} : memref<128x13x16xi32, #tpu.memory_space<vmem>>, vector<1x1x16xi32>,
        %get3A_1268 = vector.shape_cast %get3A_1267 : vector<1x1x16xi32> to vector<16xi32>
        %dma_start3A_1269 = arith.constant 1 : i32
        %dma_start3A_1270 = arith.constant 160 : i32
        %dma_start3A_1271 = arith.constant 0 : i32
        %dma_start3A_1272 = tpu.memref_slice %arg6[%dma_start3A_1269, %dma_start3A_1270, %dma_start3A_1271] : memref<4x208x64xf32, #tpu.memory_space<vmem>> -> memref<1x16x64xf32, #tpu.memory_space<vmem>>
        %dma_start3A_1273 = tpu.memref_squeeze %dma_start3A_1272 : memref<1x16x64xf32, #tpu.memory_space<vmem>> -> memref<16x64xf32, #tpu.memory_space<vmem>>
        %dma_start3A_1274 = arith.constant 0 : i32
        %dma_start3A_1275 = arith.constant 0 : i32
        %dma_start3A_1276 = tpu.memref_slice %arg3[%dma_start3A_1274, %dma_start3A_1275] : memref<1000000x64xf32, #tpu.memory_space<hbm>> -> memref<1000000x64xf32, #tpu.memory_space<hbm>>
        tpu.enqueue_indirect_dma source(%dma_start3A_1276 : memref<1000000x64xf32, #tpu.memory_space<hbm>>) target(%dma_start3A_1273 : memref<16x64xf32, #tpu.memory_space<vmem>>) offsets(%get3A_1268 : vector<16xi32>) semaphore(%arg9 : memref<!tpu.dma_semaphore, #tpu.memory_space<semaphore_mem>>)
        %get3A_1277 = arith.constant 11 : i32
        %get3A_1278 = arith.index_cast %add3A_1122 : i32 to index
        %get3A_1279 = arith.index_cast %get3A_1277 : i32 to index
        %get3A_1280 = arith.constant 0 : index
        %get3A_1281 = tpu.vector_load %arg5[%get3A_1278, %get3A_1279, %get3A_1280] {strides = array<i32>} : memref<128x13x16xi32, #tpu.memory_space<vmem>>, vector<1x1x16xi32>,
        %get3A_1282 = vector.shape_cast %get3A_1281 : vector<1x1x16xi32> to vector<16xi32>
        %dma_start3A_1283 = arith.constant 1 : i32
        %dma_start3A_1284 = arith.constant 176 : i32
        %dma_start3A_1285 = arith.constant 0 : i32
        %dma_start3A_1286 = tpu.memref_slice %arg6[%dma_start3A_1283, %dma_start3A_1284, %dma_start3A_1285] : memref<4x208x64xf32, #tpu.memory_space<vmem>> -> memref<1x16x64xf32, #tpu.memory_space<vmem>>
        %dma_start3A_1287 = tpu.memref_squeeze %dma_start3A_1286 : memref<1x16x64xf32, #tpu.memory_space<vmem>> -> memref<16x64xf32, #tpu.memory_space<vmem>>
        %dma_start3A_1288 = arith.constant 0 : i32
        %dma_start3A_1289 = arith.constant 0 : i32
        %dma_start3A_1290 = tpu.memref_slice %arg3[%dma_start3A_1288, %dma_start3A_1289] : memref<1000000x64xf32, #tpu.memory_space<hbm>> -> memref<1000000x64xf32, #tpu.memory_space<hbm>>
        tpu.enqueue_indirect_dma source(%dma_start3A_1290 : memref<1000000x64xf32, #tpu.memory_space<hbm>>) target(%dma_start3A_1287 : memref<16x64xf32, #tpu.memory_space<vmem>>) offsets(%get3A_1282 : vector<16xi32>) semaphore(%arg9 : memref<!tpu.dma_semaphore, #tpu.memory_space<semaphore_mem>>)
        %get3A_1291 = arith.constant 12 : i32
        %get3A_1292 = arith.index_cast %add3A_1122 : i32 to index
        %get3A_1293 = arith.index_cast %get3A_1291 : i32 to index
        %get3A_1294 = arith.constant 0 : index
        %get3A_1295 = tpu.vector_load %arg5[%get3A_1292, %get3A_1293, %get3A_1294] {strides = array<i32>} : memref<128x13x16xi32, #tpu.memory_space<vmem>>, vector<1x1x16xi32>,
        %get3A_1296 = vector.shape_cast %get3A_1295 : vector<1x1x16xi32> to vector<16xi32>
        %dma_start3A_1297 = arith.constant 1 : i32
        %dma_start3A_1298 = arith.constant 192 : i32
        %dma_start3A_1299 = arith.constant 0 : i32
        %dma_start3A_1300 = tpu.memref_slice %arg6[%dma_start3A_1297, %dma_start3A_1298, %dma_start3A_1299] : memref<4x208x64xf32, #tpu.memory_space<vmem>> -> memref<1x16x64xf32, #tpu.memory_space<vmem>>
        %dma_start3A_1301 = tpu.memref_squeeze %dma_start3A_1300 : memref<1x16x64xf32, #tpu.memory_space<vmem>> -> memref<16x64xf32, #tpu.memory_space<vmem>>
        %dma_start3A_1302 = arith.constant 0 : i32
        %dma_start3A_1303 = arith.constant 0 : i32
        %dma_start3A_1304 = tpu.memref_slice %arg3[%dma_start3A_1302, %dma_start3A_1303] : memref<1000000x64xf32, #tpu.memory_space<hbm>> -> memref<1000000x64xf32, #tpu.memory_space<hbm>>
        tpu.enqueue_indirect_dma source(%dma_start3A_1304 : memref<1000000x64xf32, #tpu.memory_space<hbm>>) target(%dma_start3A_1301 : memref<16x64xf32, #tpu.memory_space<vmem>>) offsets(%get3A_1296 : vector<16xi32>) semaphore(%arg9 : memref<!tpu.dma_semaphore, #tpu.memory_space<semaphore_mem>>)
      } else {
      }
      %dma_wait3A_950 = arith.constant 2 : i32
      %dma_wait3A_951 = arith.constant 0 : i32
      %dma_wait3A_952 = arith.constant 0 : i32
      %dma_wait3A_953 = tpu.memref_slice %arg6[%dma_wait3A_950, %dma_wait3A_951, %dma_wait3A_952] : memref<4x208x64xf32, #tpu.memory_space<vmem>> -> memref<1x208x64xf32, #tpu.memory_space<vmem>>
      %dma_wait3A_954 = tpu.memref_squeeze %dma_wait3A_953 : memref<1x208x64xf32, #tpu.memory_space<vmem>> -> memref<208x64xf32, #tpu.memory_space<vmem>>
      %dma_wait3A_955 = arith.constant 0 : i32
      %dma_wait3A_956 = arith.constant 0 : i32
      %dma_wait3A_957 = tpu.memref_slice %arg3[%dma_wait3A_955, %dma_wait3A_956] : memref<1000000x64xf32, #tpu.memory_space<hbm>> -> memref<208x64xf32, #tpu.memory_space<hbm>>
      %dma_wait3A_958 = arith.constant 0 : i32
      %dma_wait3A_959 = arith.constant 0 : i32
      %dma_wait3A_960 = tpu.memref_slice %arg6[%dma_wait3A_950, %dma_wait3A_958, %dma_wait3A_959] : memref<4x208x64xf32, #tpu.memory_space<vmem>> -> memref<1x208x64xf32, #tpu.memory_space<vmem>>
      %dma_wait3A_961 = tpu.memref_squeeze %dma_wait3A_960 : memref<1x208x64xf32, #tpu.memory_space<vmem>> -> memref<208x64xf32, #tpu.memory_space<vmem>>
      %dma_wait3A_962 = arith.constant 0 : i32
      %dma_wait3A_963 = arith.constant 0 : i32
      %dma_wait3A_964 = tpu.memref_slice %arg3[%dma_wait3A_962, %dma_wait3A_963] : memref<1000000x64xf32, #tpu.memory_space<hbm>> -> memref<208x64xf32, #tpu.memory_space<hbm>>
      tpu.wait_dma2 semaphore(%arg10 : memref<!tpu.dma_semaphore, #tpu.memory_space<semaphore_mem>>) src(%dma_wait3A_964 : memref<208x64xf32, #tpu.memory_space<hbm>>) dst(%dma_wait3A_961 : memref<208x64xf32, #tpu.memory_space<vmem>>)
      %add3A_965 = arith.constant 2 : i32
      %add3A_966 = arith.addi %mul3A_790, %add3A_965 : i32
      %broadcast_in_dim3A_967 = arith.constant 0.000000e+00 : f32
      %broadcast_in_dim3A_968 = vector.broadcast %broadcast_in_dim3A_967 : f32 to vector<16xf32>
      %scan3A_969 = arith.constant 0 : i32
      %scan3A_970 = arith.constant 50 : i32
      %scan3A_971 = arith.addi %scan3A_969, %scan3A_970 : i32
      %scan3A_972 = arith.constant 1 : i32
      %scan3A_973:4 = scf.for %scan3A_1119 = %scan3A_969 to %scan3A_971 step %scan3A_972 iter_args(%scan3A_1120 = %broadcast_in_dim3A_968, %scan3A_1121 = %broadcast_in_dim3A_968, %scan3A_1122 = %broadcast_in_dim3A_968, %scan3A_1123 = %broadcast_in_dim3A_968) -> (vector<16xf32>, vector<16xf32>, vector<16xf32>, vector<16xf32>)  : i32 {
        %mul3A_1124 = arith.constant 4 : i32
        %mul3A_1125 = arith.muli %scan3A_1119, %mul3A_1124 : i32
        %add3A_1126 = arith.constant 0 : i32
        %add3A_1127 = arith.addi %mul3A_1125, %add3A_1126 : i32
        %get3A_1128 = arith.constant 2 : i32
        %get3A_1129 = arith.index_cast %get3A_1128 : i32 to index
        %get3A_1130 = arith.index_cast %add3A_1127 : i32 to index
        %get3A_1131 = arith.constant 0 : index
        %get3A_1132 = tpu.vector_load %arg6[%get3A_1129, %get3A_1130, %get3A_1131] {strides = array<i32>} : memref<4x208x64xf32, #tpu.memory_space<vmem>>, vector<1x1x16xf32>,
        %get3A_1133 = vector.shape_cast %get3A_1132 : vector<1x1x16xf32> to vector<16xf32>
        %add3A_1134 = arith.constant 1 : i32
        %add3A_1135 = arith.addi %mul3A_1125, %add3A_1134 : i32
        %get3A_1136 = arith.constant 2 : i32
        %get3A_1137 = arith.index_cast %get3A_1136 : i32 to index
        %get3A_1138 = arith.index_cast %add3A_1135 : i32 to index
        %get3A_1139 = arith.constant 0 : index
        %get3A_1140 = tpu.vector_load %arg6[%get3A_1137, %get3A_1138, %get3A_1139] {strides = array<i32>} : memref<4x208x64xf32, #tpu.memory_space<vmem>>, vector<1x1x16xf32>,
        %get3A_1141 = vector.shape_cast %get3A_1140 : vector<1x1x16xf32> to vector<16xf32>
        %add3A_1142 = arith.constant 2 : i32
        %add3A_1143 = arith.addi %mul3A_1125, %add3A_1142 : i32
        %get3A_1144 = arith.constant 2 : i32
        %get3A_1145 = arith.index_cast %get3A_1144 : i32 to index
        %get3A_1146 = arith.index_cast %add3A_1143 : i32 to index
        %get3A_1147 = arith.constant 0 : index
        %get3A_1148 = tpu.vector_load %arg6[%get3A_1145, %get3A_1146, %get3A_1147] {strides = array<i32>} : memref<4x208x64xf32, #tpu.memory_space<vmem>>, vector<1x1x16xf32>,
        %get3A_1149 = vector.shape_cast %get3A_1148 : vector<1x1x16xf32> to vector<16xf32>
        %add3A_1150 = arith.constant 3 : i32
        %add3A_1151 = arith.addi %mul3A_1125, %add3A_1150 : i32
        %get3A_1152 = arith.constant 2 : i32
        %get3A_1153 = arith.index_cast %get3A_1152 : i32 to index
        %get3A_1154 = arith.index_cast %add3A_1151 : i32 to index
        %get3A_1155 = arith.constant 0 : index
        %get3A_1156 = tpu.vector_load %arg6[%get3A_1153, %get3A_1154, %get3A_1155] {strides = array<i32>} : memref<4x208x64xf32, #tpu.memory_space<vmem>>, vector<1x1x16xf32>,
        %get3A_1157 = vector.shape_cast %get3A_1156 : vector<1x1x16xf32> to vector<16xf32>
        %add3A_1158 = arith.constant 0 : i32
        %add3A_1159 = arith.addi %mul3A_1125, %add3A_1158 : i32
        %get3A_1160 = arith.constant 2 : i32
        %get3A_1161 = arith.index_cast %get3A_1160 : i32 to index
        %get3A_1162 = arith.index_cast %add3A_1159 : i32 to index
        %get3A_1163 = arith.constant 16 : index
        %get3A_1164 = tpu.vector_load %arg6[%get3A_1161, %get3A_1162, %get3A_1163] {strides = array<i32>} : memref<4x208x64xf32, #tpu.memory_space<vmem>>, vector<1x1x16xf32>,
        %get3A_1165 = vector.shape_cast %get3A_1164 : vector<1x1x16xf32> to vector<16xf32>
        %add3A_1166 = arith.constant 1 : i32
        %add3A_1167 = arith.addi %mul3A_1125, %add3A_1166 : i32
        %get3A_1168 = arith.constant 2 : i32
        %get3A_1169 = arith.index_cast %get3A_1168 : i32 to index
        %get3A_1170 = arith.index_cast %add3A_1167 : i32 to index
        %get3A_1171 = arith.constant 16 : index
        %get3A_1172 = tpu.vector_load %arg6[%get3A_1169, %get3A_1170, %get3A_1171] {strides = array<i32>} : memref<4x208x64xf32, #tpu.memory_space<vmem>>, vector<1x1x16xf32>,
        %get3A_1173 = vector.shape_cast %get3A_1172 : vector<1x1x16xf32> to vector<16xf32>
        %add3A_1174 = arith.constant 2 : i32
        %add3A_1175 = arith.addi %mul3A_1125, %add3A_1174 : i32
        %get3A_1176 = arith.constant 2 : i32
        %get3A_1177 = arith.index_cast %get3A_1176 : i32 to index
        %get3A_1178 = arith.index_cast %add3A_1175 : i32 to index
        %get3A_1179 = arith.constant 16 : index
        %get3A_1180 = tpu.vector_load %arg6[%get3A_1177, %get3A_1178, %get3A_1179] {strides = array<i32>} : memref<4x208x64xf32, #tpu.memory_space<vmem>>, vector<1x1x16xf32>,
        %get3A_1181 = vector.shape_cast %get3A_1180 : vector<1x1x16xf32> to vector<16xf32>
        %add3A_1182 = arith.constant 3 : i32
        %add3A_1183 = arith.addi %mul3A_1125, %add3A_1182 : i32
        %get3A_1184 = arith.constant 2 : i32
        %get3A_1185 = arith.index_cast %get3A_1184 : i32 to index
        %get3A_1186 = arith.index_cast %add3A_1183 : i32 to index
        %get3A_1187 = arith.constant 16 : index
        %get3A_1188 = tpu.vector_load %arg6[%get3A_1185, %get3A_1186, %get3A_1187] {strides = array<i32>} : memref<4x208x64xf32, #tpu.memory_space<vmem>>, vector<1x1x16xf32>,
        %get3A_1189 = vector.shape_cast %get3A_1188 : vector<1x1x16xf32> to vector<16xf32>
        %add3A_1190 = arith.constant 0 : i32
        %add3A_1191 = arith.addi %mul3A_1125, %add3A_1190 : i32
        %get3A_1192 = arith.constant 2 : i32
        %get3A_1193 = arith.index_cast %get3A_1192 : i32 to index
        %get3A_1194 = arith.index_cast %add3A_1191 : i32 to index
        %get3A_1195 = arith.constant 32 : index
        %get3A_1196 = tpu.vector_load %arg6[%get3A_1193, %get3A_1194, %get3A_1195] {strides = array<i32>} : memref<4x208x64xf32, #tpu.memory_space<vmem>>, vector<1x1x16xf32>,
        %get3A_1197 = vector.shape_cast %get3A_1196 : vector<1x1x16xf32> to vector<16xf32>
        %add3A_1198 = arith.constant 1 : i32
        %add3A_1199 = arith.addi %mul3A_1125, %add3A_1198 : i32
        %get3A_1200 = arith.constant 2 : i32
        %get3A_1201 = arith.index_cast %get3A_1200 : i32 to index
        %get3A_1202 = arith.index_cast %add3A_1199 : i32 to index
        %get3A_1203 = arith.constant 32 : index
        %get3A_1204 = tpu.vector_load %arg6[%get3A_1201, %get3A_1202, %get3A_1203] {strides = array<i32>} : memref<4x208x64xf32, #tpu.memory_space<vmem>>, vector<1x1x16xf32>,
        %get3A_1205 = vector.shape_cast %get3A_1204 : vector<1x1x16xf32> to vector<16xf32>
        %add3A_1206 = arith.constant 2 : i32
        %add3A_1207 = arith.addi %mul3A_1125, %add3A_1206 : i32
        %get3A_1208 = arith.constant 2 : i32
        %get3A_1209 = arith.index_cast %get3A_1208 : i32 to index
        %get3A_1210 = arith.index_cast %add3A_1207 : i32 to index
        %get3A_1211 = arith.constant 32 : index
        %get3A_1212 = tpu.vector_load %arg6[%get3A_1209, %get3A_1210, %get3A_1211] {strides = array<i32>} : memref<4x208x64xf32, #tpu.memory_space<vmem>>, vector<1x1x16xf32>,
        %get3A_1213 = vector.shape_cast %get3A_1212 : vector<1x1x16xf32> to vector<16xf32>
        %add3A_1214 = arith.constant 3 : i32
        %add3A_1215 = arith.addi %mul3A_1125, %add3A_1214 : i32
        %get3A_1216 = arith.constant 2 : i32
        %get3A_1217 = arith.index_cast %get3A_1216 : i32 to index
        %get3A_1218 = arith.index_cast %add3A_1215 : i32 to index
        %get3A_1219 = arith.constant 32 : index
        %get3A_1220 = tpu.vector_load %arg6[%get3A_1217, %get3A_1218, %get3A_1219] {strides = array<i32>} : memref<4x208x64xf32, #tpu.memory_space<vmem>>, vector<1x1x16xf32>,
        %get3A_1221 = vector.shape_cast %get3A_1220 : vector<1x1x16xf32> to vector<16xf32>
        %add3A_1222 = arith.constant 0 : i32
        %add3A_1223 = arith.addi %mul3A_1125, %add3A_1222 : i32
        %get3A_1224 = arith.constant 2 : i32
        %get3A_1225 = arith.index_cast %get3A_1224 : i32 to index
        %get3A_1226 = arith.index_cast %add3A_1223 : i32 to index
        %get3A_1227 = arith.constant 48 : index
        %get3A_1228 = tpu.vector_load %arg6[%get3A_1225, %get3A_1226, %get3A_1227] {strides = array<i32>} : memref<4x208x64xf32, #tpu.memory_space<vmem>>, vector<1x1x16xf32>,
        %get3A_1229 = vector.shape_cast %get3A_1228 : vector<1x1x16xf32> to vector<16xf32>
        %add3A_1230 = arith.constant 1 : i32
        %add3A_1231 = arith.addi %mul3A_1125, %add3A_1230 : i32
        %get3A_1232 = arith.constant 2 : i32
        %get3A_1233 = arith.index_cast %get3A_1232 : i32 to index
        %get3A_1234 = arith.index_cast %add3A_1231 : i32 to index
        %get3A_1235 = arith.constant 48 : index
        %get3A_1236 = tpu.vector_load %arg6[%get3A_1233, %get3A_1234, %get3A_1235] {strides = array<i32>} : memref<4x208x64xf32, #tpu.memory_space<vmem>>, vector<1x1x16xf32>,
        %get3A_1237 = vector.shape_cast %get3A_1236 : vector<1x1x16xf32> to vector<16xf32>
        %add3A_1238 = arith.constant 2 : i32
        %add3A_1239 = arith.addi %mul3A_1125, %add3A_1238 : i32
        %get3A_1240 = arith.constant 2 : i32
        %get3A_1241 = arith.index_cast %get3A_1240 : i32 to index
        %get3A_1242 = arith.index_cast %add3A_1239 : i32 to index
        %get3A_1243 = arith.constant 48 : index
        %get3A_1244 = tpu.vector_load %arg6[%get3A_1241, %get3A_1242, %get3A_1243] {strides = array<i32>} : memref<4x208x64xf32, #tpu.memory_space<vmem>>, vector<1x1x16xf32>,
        %get3A_1245 = vector.shape_cast %get3A_1244 : vector<1x1x16xf32> to vector<16xf32>
        %add3A_1246 = arith.constant 3 : i32
        %add3A_1247 = arith.addi %mul3A_1125, %add3A_1246 : i32
        %get3A_1248 = arith.constant 2 : i32
        %get3A_1249 = arith.index_cast %get3A_1248 : i32 to index
        %get3A_1250 = arith.index_cast %add3A_1247 : i32 to index
        %get3A_1251 = arith.constant 48 : index
        %get3A_1252 = tpu.vector_load %arg6[%get3A_1249, %get3A_1250, %get3A_1251] {strides = array<i32>} : memref<4x208x64xf32, #tpu.memory_space<vmem>>, vector<1x1x16xf32>,
        %get3A_1253 = vector.shape_cast %get3A_1252 : vector<1x1x16xf32> to vector<16xf32>
        %add3A_1254 = arith.addf %get3A_1133, %get3A_1141 : vector<16xf32>
        %add3A_1255 = arith.addf %get3A_1149, %get3A_1157 : vector<16xf32>
        %add3A_1256 = arith.addf %add3A_1254, %add3A_1255 : vector<16xf32>
        %add3A_1257 = arith.addf %scan3A_1120, %add3A_1256 : vector<16xf32>
        %add3A_1258 = arith.addf %get3A_1165, %get3A_1173 : vector<16xf32>
        %add3A_1259 = arith.addf %get3A_1181, %get3A_1189 : vector<16xf32>
        %add3A_1260 = arith.addf %add3A_1258, %add3A_1259 : vector<16xf32>
        %add3A_1261 = arith.addf %scan3A_1121, %add3A_1260 : vector<16xf32>
        %add3A_1262 = arith.addf %get3A_1197, %get3A_1205 : vector<16xf32>
        %add3A_1263 = arith.addf %get3A_1213, %get3A_1221 : vector<16xf32>
        %add3A_1264 = arith.addf %add3A_1262, %add3A_1263 : vector<16xf32>
        %add3A_1265 = arith.addf %scan3A_1122, %add3A_1264 : vector<16xf32>
        %add3A_1266 = arith.addf %get3A_1229, %get3A_1237 : vector<16xf32>
        %add3A_1267 = arith.addf %get3A_1245, %get3A_1253 : vector<16xf32>
        %add3A_1268 = arith.addf %add3A_1266, %add3A_1267 : vector<16xf32>
        %add3A_1269 = arith.addf %scan3A_1123, %add3A_1268 : vector<16xf32>
        scf.yield %add3A_1257, %add3A_1261, %add3A_1265, %add3A_1269 : vector<16xf32>, vector<16xf32>, vector<16xf32>, vector<16xf32>
      }
      %scan3A_974 = arith.constant 50 : i32
      %broadcast_in_dim3A_975 = arith.constant 1.000000e+00 : f32
      %broadcast_in_dim3A_976 = vector.broadcast %broadcast_in_dim3A_975 : f32 to vector<16xf32>
      %gt3A_977 = arith.constant 0.000000e+00 : f32
      %gt3A_978 = vector.broadcast %gt3A_977 : f32 to vector<16xf32>
      %gt3A_979 = arith.cmpf ogt, %scan3A_973#0, %gt3A_978 : vector<16xf32>
      %neg3A_980 = arith.constant 0.000000e+00 : f32
      %neg3A_981 = vector.broadcast %neg3A_980 : f32 to vector<16xf32>
      %neg3A_982 = arith.subf %neg3A_981, %broadcast_in_dim3A_976 : vector<16xf32>
      %select_n3A_983 = arith.select %gt3A_979, %broadcast_in_dim3A_976, %neg3A_982 : vector<16xi1>, vector<16xf32>
      %swap3A_984 = arith.index_cast %add3A_966 : i32 to index
      %swap3A_985 = arith.constant 0 : index
      %swap3A_986 = tpu.vector_load %arg7[%swap3A_984, %swap3A_985] {strides = array<i32>} : memref<128x64xf32, #tpu.memory_space<vmem>>, vector<1x16xf32>,
      %swap3A_987 = vector.shape_cast %swap3A_986 : vector<1x16xf32> to vector<16xf32>
      %swap3A_988 = vector.shape_cast %select_n3A_983 : vector<16xf32> to vector<1x16xf32>
      tpu.vector_store %arg7[%swap3A_984, %swap3A_985], %swap3A_988 {strides = array<i32>} : memref<128x64xf32, #tpu.memory_space<vmem>>, vector<1x16xf32>,
      %gt3A_989 = arith.constant 0.000000e+00 : f32
      %gt3A_990 = vector.broadcast %gt3A_989 : f32 to vector<16xf32>
      %gt3A_991 = arith.cmpf ogt, %scan3A_973#1, %gt3A_990 : vector<16xf32>
      %neg3A_992 = arith.constant 0.000000e+00 : f32
      %neg3A_993 = vector.broadcast %neg3A_992 : f32 to vector<16xf32>
      %neg3A_994 = arith.subf %neg3A_993, %broadcast_in_dim3A_976 : vector<16xf32>
      %select_n3A_995 = arith.select %gt3A_991, %broadcast_in_dim3A_976, %neg3A_994 : vector<16xi1>, vector<16xf32>
      %swap3A_996 = arith.index_cast %add3A_966 : i32 to index
      %swap3A_997 = arith.constant 16 : index
      %swap3A_998 = tpu.vector_load %arg7[%swap3A_996, %swap3A_997] {strides = array<i32>} : memref<128x64xf32, #tpu.memory_space<vmem>>, vector<1x16xf32>,
      %swap3A_999 = vector.shape_cast %swap3A_998 : vector<1x16xf32> to vector<16xf32>
      %swap3A_1000 = vector.shape_cast %select_n3A_995 : vector<16xf32> to vector<1x16xf32>
      tpu.vector_store %arg7[%swap3A_996, %swap3A_997], %swap3A_1000 {strides = array<i32>} : memref<128x64xf32, #tpu.memory_space<vmem>>, vector<1x16xf32>,
      %gt3A_1001 = arith.constant 0.000000e+00 : f32
      %gt3A_1002 = vector.broadcast %gt3A_1001 : f32 to vector<16xf32>
      %gt3A_1003 = arith.cmpf ogt, %scan3A_973#2, %gt3A_1002 : vector<16xf32>
      %neg3A_1004 = arith.constant 0.000000e+00 : f32
      %neg3A_1005 = vector.broadcast %neg3A_1004 : f32 to vector<16xf32>
      %neg3A_1006 = arith.subf %neg3A_1005, %broadcast_in_dim3A_976 : vector<16xf32>
      %select_n3A_1007 = arith.select %gt3A_1003, %broadcast_in_dim3A_976, %neg3A_1006 : vector<16xi1>, vector<16xf32>
      %swap3A_1008 = arith.index_cast %add3A_966 : i32 to index
      %swap3A_1009 = arith.constant 32 : index
      %swap3A_1010 = tpu.vector_load %arg7[%swap3A_1008, %swap3A_1009] {strides = array<i32>} : memref<128x64xf32, #tpu.memory_space<vmem>>, vector<1x16xf32>,
      %swap3A_1011 = vector.shape_cast %swap3A_1010 : vector<1x16xf32> to vector<16xf32>
      %swap3A_1012 = vector.shape_cast %select_n3A_1007 : vector<16xf32> to vector<1x16xf32>
      tpu.vector_store %arg7[%swap3A_1008, %swap3A_1009], %swap3A_1012 {strides = array<i32>} : memref<128x64xf32, #tpu.memory_space<vmem>>, vector<1x16xf32>,
      %gt3A_1013 = arith.constant 0.000000e+00 : f32
      %gt3A_1014 = vector.broadcast %gt3A_1013 : f32 to vector<16xf32>
      %gt3A_1015 = arith.cmpf ogt, %scan3A_973#3, %gt3A_1014 : vector<16xf32>
      %neg3A_1016 = arith.constant 0.000000e+00 : f32
      %neg3A_1017 = vector.broadcast %neg3A_1016 : f32 to vector<16xf32>
      %neg3A_1018 = arith.subf %neg3A_1017, %broadcast_in_dim3A_976 : vector<16xf32>
      %select_n3A_1019 = arith.select %gt3A_1015, %broadcast_in_dim3A_976, %neg3A_1018 : vector<16xi1>, vector<16xf32>
      %swap3A_1020 = arith.index_cast %add3A_966 : i32 to index
      %swap3A_1021 = arith.constant 48 : index
      %swap3A_1022 = tpu.vector_load %arg7[%swap3A_1020, %swap3A_1021] {strides = array<i32>} : memref<128x64xf32, #tpu.memory_space<vmem>>, vector<1x16xf32>,
      %swap3A_1023 = vector.shape_cast %swap3A_1022 : vector<1x16xf32> to vector<16xf32>
      %swap3A_1024 = vector.shape_cast %select_n3A_1019 : vector<16xf32> to vector<1x16xf32>
      tpu.vector_store %arg7[%swap3A_1020, %swap3A_1021], %swap3A_1024 {strides = array<i32>} : memref<128x64xf32, #tpu.memory_space<vmem>>, vector<1x16xf32>,
      %add3A_1025 = arith.constant 2 : i32
      %add3A_1026 = arith.addi %mul3A_790, %add3A_1025 : i32
      %add3A_1027 = arith.constant 4 : i32
      %add3A_1028 = arith.addi %add3A_1026, %add3A_1027 : i32
      %lt3A_1029 = arith.constant 128 : i32
      %lt3A_1030 = arith.cmpi slt, %add3A_1028, %lt3A_1029 : i32
      %convert_element_type3A_1031 = arith.extui %lt3A_1030 : i1 to i32
      %cond3A_1032 = arith.constant 0 : i32
      %cond3A_1033 = arith.cmpi ne, %convert_element_type3A_1031, %cond3A_1032 : i32
      scf.if %cond3A_1033 {
        %add3A_1119 = arith.constant 2 : i32
        %add3A_1120 = arith.addi %mul3A_790, %add3A_1119 : i32
        %add3A_1121 = arith.constant 4 : i32
        %add3A_1122 = arith.addi %add3A_1120, %add3A_1121 : i32
        %get3A_1123 = arith.constant 0 : i32
        %get3A_1124 = arith.index_cast %add3A_1122 : i32 to index
        %get3A_1125 = arith.index_cast %get3A_1123 : i32 to index
        %get3A_1126 = arith.constant 0 : index
        %get3A_1127 = tpu.vector_load %arg5[%get3A_1124, %get3A_1125, %get3A_1126] {strides = array<i32>} : memref<128x13x16xi32, #tpu.memory_space<vmem>>, vector<1x1x16xi32>,
        %get3A_1128 = vector.shape_cast %get3A_1127 : vector<1x1x16xi32> to vector<16xi32>
        %dma_start3A_1129 = arith.constant 2 : i32
        %dma_start3A_1130 = arith.constant 0 : i32
        %dma_start3A_1131 = arith.constant 0 : i32
        %dma_start3A_1132 = tpu.memref_slice %arg6[%dma_start3A_1129, %dma_start3A_1130, %dma_start3A_1131] : memref<4x208x64xf32, #tpu.memory_space<vmem>> -> memref<1x16x64xf32, #tpu.memory_space<vmem>>
        %dma_start3A_1133 = tpu.memref_squeeze %dma_start3A_1132 : memref<1x16x64xf32, #tpu.memory_space<vmem>> -> memref<16x64xf32, #tpu.memory_space<vmem>>
        %dma_start3A_1134 = arith.constant 0 : i32
        %dma_start3A_1135 = arith.constant 0 : i32
        %dma_start3A_1136 = tpu.memref_slice %arg3[%dma_start3A_1134, %dma_start3A_1135] : memref<1000000x64xf32, #tpu.memory_space<hbm>> -> memref<1000000x64xf32, #tpu.memory_space<hbm>>
        tpu.enqueue_indirect_dma source(%dma_start3A_1136 : memref<1000000x64xf32, #tpu.memory_space<hbm>>) target(%dma_start3A_1133 : memref<16x64xf32, #tpu.memory_space<vmem>>) offsets(%get3A_1128 : vector<16xi32>) semaphore(%arg10 : memref<!tpu.dma_semaphore, #tpu.memory_space<semaphore_mem>>)
        %get3A_1137 = arith.constant 1 : i32
        %get3A_1138 = arith.index_cast %add3A_1122 : i32 to index
        %get3A_1139 = arith.index_cast %get3A_1137 : i32 to index
        %get3A_1140 = arith.constant 0 : index
        %get3A_1141 = tpu.vector_load %arg5[%get3A_1138, %get3A_1139, %get3A_1140] {strides = array<i32>} : memref<128x13x16xi32, #tpu.memory_space<vmem>>, vector<1x1x16xi32>,
        %get3A_1142 = vector.shape_cast %get3A_1141 : vector<1x1x16xi32> to vector<16xi32>
        %dma_start3A_1143 = arith.constant 2 : i32
        %dma_start3A_1144 = arith.constant 16 : i32
        %dma_start3A_1145 = arith.constant 0 : i32
        %dma_start3A_1146 = tpu.memref_slice %arg6[%dma_start3A_1143, %dma_start3A_1144, %dma_start3A_1145] : memref<4x208x64xf32, #tpu.memory_space<vmem>> -> memref<1x16x64xf32, #tpu.memory_space<vmem>>
        %dma_start3A_1147 = tpu.memref_squeeze %dma_start3A_1146 : memref<1x16x64xf32, #tpu.memory_space<vmem>> -> memref<16x64xf32, #tpu.memory_space<vmem>>
        %dma_start3A_1148 = arith.constant 0 : i32
        %dma_start3A_1149 = arith.constant 0 : i32
        %dma_start3A_1150 = tpu.memref_slice %arg3[%dma_start3A_1148, %dma_start3A_1149] : memref<1000000x64xf32, #tpu.memory_space<hbm>> -> memref<1000000x64xf32, #tpu.memory_space<hbm>>
        tpu.enqueue_indirect_dma source(%dma_start3A_1150 : memref<1000000x64xf32, #tpu.memory_space<hbm>>) target(%dma_start3A_1147 : memref<16x64xf32, #tpu.memory_space<vmem>>) offsets(%get3A_1142 : vector<16xi32>) semaphore(%arg10 : memref<!tpu.dma_semaphore, #tpu.memory_space<semaphore_mem>>)
        %get3A_1151 = arith.constant 2 : i32
        %get3A_1152 = arith.index_cast %add3A_1122 : i32 to index
        %get3A_1153 = arith.index_cast %get3A_1151 : i32 to index
        %get3A_1154 = arith.constant 0 : index
        %get3A_1155 = tpu.vector_load %arg5[%get3A_1152, %get3A_1153, %get3A_1154] {strides = array<i32>} : memref<128x13x16xi32, #tpu.memory_space<vmem>>, vector<1x1x16xi32>,
        %get3A_1156 = vector.shape_cast %get3A_1155 : vector<1x1x16xi32> to vector<16xi32>
        %dma_start3A_1157 = arith.constant 2 : i32
        %dma_start3A_1158 = arith.constant 32 : i32
        %dma_start3A_1159 = arith.constant 0 : i32
        %dma_start3A_1160 = tpu.memref_slice %arg6[%dma_start3A_1157, %dma_start3A_1158, %dma_start3A_1159] : memref<4x208x64xf32, #tpu.memory_space<vmem>> -> memref<1x16x64xf32, #tpu.memory_space<vmem>>
        %dma_start3A_1161 = tpu.memref_squeeze %dma_start3A_1160 : memref<1x16x64xf32, #tpu.memory_space<vmem>> -> memref<16x64xf32, #tpu.memory_space<vmem>>
        %dma_start3A_1162 = arith.constant 0 : i32
        %dma_start3A_1163 = arith.constant 0 : i32
        %dma_start3A_1164 = tpu.memref_slice %arg3[%dma_start3A_1162, %dma_start3A_1163] : memref<1000000x64xf32, #tpu.memory_space<hbm>> -> memref<1000000x64xf32, #tpu.memory_space<hbm>>
        tpu.enqueue_indirect_dma source(%dma_start3A_1164 : memref<1000000x64xf32, #tpu.memory_space<hbm>>) target(%dma_start3A_1161 : memref<16x64xf32, #tpu.memory_space<vmem>>) offsets(%get3A_1156 : vector<16xi32>) semaphore(%arg10 : memref<!tpu.dma_semaphore, #tpu.memory_space<semaphore_mem>>)
        %get3A_1165 = arith.constant 3 : i32
        %get3A_1166 = arith.index_cast %add3A_1122 : i32 to index
        %get3A_1167 = arith.index_cast %get3A_1165 : i32 to index
        %get3A_1168 = arith.constant 0 : index
        %get3A_1169 = tpu.vector_load %arg5[%get3A_1166, %get3A_1167, %get3A_1168] {strides = array<i32>} : memref<128x13x16xi32, #tpu.memory_space<vmem>>, vector<1x1x16xi32>,
        %get3A_1170 = vector.shape_cast %get3A_1169 : vector<1x1x16xi32> to vector<16xi32>
        %dma_start3A_1171 = arith.constant 2 : i32
        %dma_start3A_1172 = arith.constant 48 : i32
        %dma_start3A_1173 = arith.constant 0 : i32
        %dma_start3A_1174 = tpu.memref_slice %arg6[%dma_start3A_1171, %dma_start3A_1172, %dma_start3A_1173] : memref<4x208x64xf32, #tpu.memory_space<vmem>> -> memref<1x16x64xf32, #tpu.memory_space<vmem>>
        %dma_start3A_1175 = tpu.memref_squeeze %dma_start3A_1174 : memref<1x16x64xf32, #tpu.memory_space<vmem>> -> memref<16x64xf32, #tpu.memory_space<vmem>>
        %dma_start3A_1176 = arith.constant 0 : i32
        %dma_start3A_1177 = arith.constant 0 : i32
        %dma_start3A_1178 = tpu.memref_slice %arg3[%dma_start3A_1176, %dma_start3A_1177] : memref<1000000x64xf32, #tpu.memory_space<hbm>> -> memref<1000000x64xf32, #tpu.memory_space<hbm>>
        tpu.enqueue_indirect_dma source(%dma_start3A_1178 : memref<1000000x64xf32, #tpu.memory_space<hbm>>) target(%dma_start3A_1175 : memref<16x64xf32, #tpu.memory_space<vmem>>) offsets(%get3A_1170 : vector<16xi32>) semaphore(%arg10 : memref<!tpu.dma_semaphore, #tpu.memory_space<semaphore_mem>>)
        %get3A_1179 = arith.constant 4 : i32
        %get3A_1180 = arith.index_cast %add3A_1122 : i32 to index
        %get3A_1181 = arith.index_cast %get3A_1179 : i32 to index
        %get3A_1182 = arith.constant 0 : index
        %get3A_1183 = tpu.vector_load %arg5[%get3A_1180, %get3A_1181, %get3A_1182] {strides = array<i32>} : memref<128x13x16xi32, #tpu.memory_space<vmem>>, vector<1x1x16xi32>,
        %get3A_1184 = vector.shape_cast %get3A_1183 : vector<1x1x16xi32> to vector<16xi32>
        %dma_start3A_1185 = arith.constant 2 : i32
        %dma_start3A_1186 = arith.constant 64 : i32
        %dma_start3A_1187 = arith.constant 0 : i32
        %dma_start3A_1188 = tpu.memref_slice %arg6[%dma_start3A_1185, %dma_start3A_1186, %dma_start3A_1187] : memref<4x208x64xf32, #tpu.memory_space<vmem>> -> memref<1x16x64xf32, #tpu.memory_space<vmem>>
        %dma_start3A_1189 = tpu.memref_squeeze %dma_start3A_1188 : memref<1x16x64xf32, #tpu.memory_space<vmem>> -> memref<16x64xf32, #tpu.memory_space<vmem>>
        %dma_start3A_1190 = arith.constant 0 : i32
        %dma_start3A_1191 = arith.constant 0 : i32
        %dma_start3A_1192 = tpu.memref_slice %arg3[%dma_start3A_1190, %dma_start3A_1191] : memref<1000000x64xf32, #tpu.memory_space<hbm>> -> memref<1000000x64xf32, #tpu.memory_space<hbm>>
        tpu.enqueue_indirect_dma source(%dma_start3A_1192 : memref<1000000x64xf32, #tpu.memory_space<hbm>>) target(%dma_start3A_1189 : memref<16x64xf32, #tpu.memory_space<vmem>>) offsets(%get3A_1184 : vector<16xi32>) semaphore(%arg10 : memref<!tpu.dma_semaphore, #tpu.memory_space<semaphore_mem>>)
        %get3A_1193 = arith.constant 5 : i32
        %get3A_1194 = arith.index_cast %add3A_1122 : i32 to index
        %get3A_1195 = arith.index_cast %get3A_1193 : i32 to index
        %get3A_1196 = arith.constant 0 : index
        %get3A_1197 = tpu.vector_load %arg5[%get3A_1194, %get3A_1195, %get3A_1196] {strides = array<i32>} : memref<128x13x16xi32, #tpu.memory_space<vmem>>, vector<1x1x16xi32>,
        %get3A_1198 = vector.shape_cast %get3A_1197 : vector<1x1x16xi32> to vector<16xi32>
        %dma_start3A_1199 = arith.constant 2 : i32
        %dma_start3A_1200 = arith.constant 80 : i32
        %dma_start3A_1201 = arith.constant 0 : i32
        %dma_start3A_1202 = tpu.memref_slice %arg6[%dma_start3A_1199, %dma_start3A_1200, %dma_start3A_1201] : memref<4x208x64xf32, #tpu.memory_space<vmem>> -> memref<1x16x64xf32, #tpu.memory_space<vmem>>
        %dma_start3A_1203 = tpu.memref_squeeze %dma_start3A_1202 : memref<1x16x64xf32, #tpu.memory_space<vmem>> -> memref<16x64xf32, #tpu.memory_space<vmem>>
        %dma_start3A_1204 = arith.constant 0 : i32
        %dma_start3A_1205 = arith.constant 0 : i32
        %dma_start3A_1206 = tpu.memref_slice %arg3[%dma_start3A_1204, %dma_start3A_1205] : memref<1000000x64xf32, #tpu.memory_space<hbm>> -> memref<1000000x64xf32, #tpu.memory_space<hbm>>
        tpu.enqueue_indirect_dma source(%dma_start3A_1206 : memref<1000000x64xf32, #tpu.memory_space<hbm>>) target(%dma_start3A_1203 : memref<16x64xf32, #tpu.memory_space<vmem>>) offsets(%get3A_1198 : vector<16xi32>) semaphore(%arg10 : memref<!tpu.dma_semaphore, #tpu.memory_space<semaphore_mem>>)
        %get3A_1207 = arith.constant 6 : i32
        %get3A_1208 = arith.index_cast %add3A_1122 : i32 to index
        %get3A_1209 = arith.index_cast %get3A_1207 : i32 to index
        %get3A_1210 = arith.constant 0 : index
        %get3A_1211 = tpu.vector_load %arg5[%get3A_1208, %get3A_1209, %get3A_1210] {strides = array<i32>} : memref<128x13x16xi32, #tpu.memory_space<vmem>>, vector<1x1x16xi32>,
        %get3A_1212 = vector.shape_cast %get3A_1211 : vector<1x1x16xi32> to vector<16xi32>
        %dma_start3A_1213 = arith.constant 2 : i32
        %dma_start3A_1214 = arith.constant 96 : i32
        %dma_start3A_1215 = arith.constant 0 : i32
        %dma_start3A_1216 = tpu.memref_slice %arg6[%dma_start3A_1213, %dma_start3A_1214, %dma_start3A_1215] : memref<4x208x64xf32, #tpu.memory_space<vmem>> -> memref<1x16x64xf32, #tpu.memory_space<vmem>>
        %dma_start3A_1217 = tpu.memref_squeeze %dma_start3A_1216 : memref<1x16x64xf32, #tpu.memory_space<vmem>> -> memref<16x64xf32, #tpu.memory_space<vmem>>
        %dma_start3A_1218 = arith.constant 0 : i32
        %dma_start3A_1219 = arith.constant 0 : i32
        %dma_start3A_1220 = tpu.memref_slice %arg3[%dma_start3A_1218, %dma_start3A_1219] : memref<1000000x64xf32, #tpu.memory_space<hbm>> -> memref<1000000x64xf32, #tpu.memory_space<hbm>>
        tpu.enqueue_indirect_dma source(%dma_start3A_1220 : memref<1000000x64xf32, #tpu.memory_space<hbm>>) target(%dma_start3A_1217 : memref<16x64xf32, #tpu.memory_space<vmem>>) offsets(%get3A_1212 : vector<16xi32>) semaphore(%arg10 : memref<!tpu.dma_semaphore, #tpu.memory_space<semaphore_mem>>)
        %get3A_1221 = arith.constant 7 : i32
        %get3A_1222 = arith.index_cast %add3A_1122 : i32 to index
        %get3A_1223 = arith.index_cast %get3A_1221 : i32 to index
        %get3A_1224 = arith.constant 0 : index
        %get3A_1225 = tpu.vector_load %arg5[%get3A_1222, %get3A_1223, %get3A_1224] {strides = array<i32>} : memref<128x13x16xi32, #tpu.memory_space<vmem>>, vector<1x1x16xi32>,
        %get3A_1226 = vector.shape_cast %get3A_1225 : vector<1x1x16xi32> to vector<16xi32>
        %dma_start3A_1227 = arith.constant 2 : i32
        %dma_start3A_1228 = arith.constant 112 : i32
        %dma_start3A_1229 = arith.constant 0 : i32
        %dma_start3A_1230 = tpu.memref_slice %arg6[%dma_start3A_1227, %dma_start3A_1228, %dma_start3A_1229] : memref<4x208x64xf32, #tpu.memory_space<vmem>> -> memref<1x16x64xf32, #tpu.memory_space<vmem>>
        %dma_start3A_1231 = tpu.memref_squeeze %dma_start3A_1230 : memref<1x16x64xf32, #tpu.memory_space<vmem>> -> memref<16x64xf32, #tpu.memory_space<vmem>>
        %dma_start3A_1232 = arith.constant 0 : i32
        %dma_start3A_1233 = arith.constant 0 : i32
        %dma_start3A_1234 = tpu.memref_slice %arg3[%dma_start3A_1232, %dma_start3A_1233] : memref<1000000x64xf32, #tpu.memory_space<hbm>> -> memref<1000000x64xf32, #tpu.memory_space<hbm>>
        tpu.enqueue_indirect_dma source(%dma_start3A_1234 : memref<1000000x64xf32, #tpu.memory_space<hbm>>) target(%dma_start3A_1231 : memref<16x64xf32, #tpu.memory_space<vmem>>) offsets(%get3A_1226 : vector<16xi32>) semaphore(%arg10 : memref<!tpu.dma_semaphore, #tpu.memory_space<semaphore_mem>>)
        %get3A_1235 = arith.constant 8 : i32
        %get3A_1236 = arith.index_cast %add3A_1122 : i32 to index
        %get3A_1237 = arith.index_cast %get3A_1235 : i32 to index
        %get3A_1238 = arith.constant 0 : index
        %get3A_1239 = tpu.vector_load %arg5[%get3A_1236, %get3A_1237, %get3A_1238] {strides = array<i32>} : memref<128x13x16xi32, #tpu.memory_space<vmem>>, vector<1x1x16xi32>,
        %get3A_1240 = vector.shape_cast %get3A_1239 : vector<1x1x16xi32> to vector<16xi32>
        %dma_start3A_1241 = arith.constant 2 : i32
        %dma_start3A_1242 = arith.constant 128 : i32
        %dma_start3A_1243 = arith.constant 0 : i32
        %dma_start3A_1244 = tpu.memref_slice %arg6[%dma_start3A_1241, %dma_start3A_1242, %dma_start3A_1243] : memref<4x208x64xf32, #tpu.memory_space<vmem>> -> memref<1x16x64xf32, #tpu.memory_space<vmem>>
        %dma_start3A_1245 = tpu.memref_squeeze %dma_start3A_1244 : memref<1x16x64xf32, #tpu.memory_space<vmem>> -> memref<16x64xf32, #tpu.memory_space<vmem>>
        %dma_start3A_1246 = arith.constant 0 : i32
        %dma_start3A_1247 = arith.constant 0 : i32
        %dma_start3A_1248 = tpu.memref_slice %arg3[%dma_start3A_1246, %dma_start3A_1247] : memref<1000000x64xf32, #tpu.memory_space<hbm>> -> memref<1000000x64xf32, #tpu.memory_space<hbm>>
        tpu.enqueue_indirect_dma source(%dma_start3A_1248 : memref<1000000x64xf32, #tpu.memory_space<hbm>>) target(%dma_start3A_1245 : memref<16x64xf32, #tpu.memory_space<vmem>>) offsets(%get3A_1240 : vector<16xi32>) semaphore(%arg10 : memref<!tpu.dma_semaphore, #tpu.memory_space<semaphore_mem>>)
        %get3A_1249 = arith.constant 9 : i32
        %get3A_1250 = arith.index_cast %add3A_1122 : i32 to index
        %get3A_1251 = arith.index_cast %get3A_1249 : i32 to index
        %get3A_1252 = arith.constant 0 : index
        %get3A_1253 = tpu.vector_load %arg5[%get3A_1250, %get3A_1251, %get3A_1252] {strides = array<i32>} : memref<128x13x16xi32, #tpu.memory_space<vmem>>, vector<1x1x16xi32>,
        %get3A_1254 = vector.shape_cast %get3A_1253 : vector<1x1x16xi32> to vector<16xi32>
        %dma_start3A_1255 = arith.constant 2 : i32
        %dma_start3A_1256 = arith.constant 144 : i32
        %dma_start3A_1257 = arith.constant 0 : i32
        %dma_start3A_1258 = tpu.memref_slice %arg6[%dma_start3A_1255, %dma_start3A_1256, %dma_start3A_1257] : memref<4x208x64xf32, #tpu.memory_space<vmem>> -> memref<1x16x64xf32, #tpu.memory_space<vmem>>
        %dma_start3A_1259 = tpu.memref_squeeze %dma_start3A_1258 : memref<1x16x64xf32, #tpu.memory_space<vmem>> -> memref<16x64xf32, #tpu.memory_space<vmem>>
        %dma_start3A_1260 = arith.constant 0 : i32
        %dma_start3A_1261 = arith.constant 0 : i32
        %dma_start3A_1262 = tpu.memref_slice %arg3[%dma_start3A_1260, %dma_start3A_1261] : memref<1000000x64xf32, #tpu.memory_space<hbm>> -> memref<1000000x64xf32, #tpu.memory_space<hbm>>
        tpu.enqueue_indirect_dma source(%dma_start3A_1262 : memref<1000000x64xf32, #tpu.memory_space<hbm>>) target(%dma_start3A_1259 : memref<16x64xf32, #tpu.memory_space<vmem>>) offsets(%get3A_1254 : vector<16xi32>) semaphore(%arg10 : memref<!tpu.dma_semaphore, #tpu.memory_space<semaphore_mem>>)
        %get3A_1263 = arith.constant 10 : i32
        %get3A_1264 = arith.index_cast %add3A_1122 : i32 to index
        %get3A_1265 = arith.index_cast %get3A_1263 : i32 to index
        %get3A_1266 = arith.constant 0 : index
        %get3A_1267 = tpu.vector_load %arg5[%get3A_1264, %get3A_1265, %get3A_1266] {strides = array<i32>} : memref<128x13x16xi32, #tpu.memory_space<vmem>>, vector<1x1x16xi32>,
        %get3A_1268 = vector.shape_cast %get3A_1267 : vector<1x1x16xi32> to vector<16xi32>
        %dma_start3A_1269 = arith.constant 2 : i32
        %dma_start3A_1270 = arith.constant 160 : i32
        %dma_start3A_1271 = arith.constant 0 : i32
        %dma_start3A_1272 = tpu.memref_slice %arg6[%dma_start3A_1269, %dma_start3A_1270, %dma_start3A_1271] : memref<4x208x64xf32, #tpu.memory_space<vmem>> -> memref<1x16x64xf32, #tpu.memory_space<vmem>>
        %dma_start3A_1273 = tpu.memref_squeeze %dma_start3A_1272 : memref<1x16x64xf32, #tpu.memory_space<vmem>> -> memref<16x64xf32, #tpu.memory_space<vmem>>
        %dma_start3A_1274 = arith.constant 0 : i32
        %dma_start3A_1275 = arith.constant 0 : i32
        %dma_start3A_1276 = tpu.memref_slice %arg3[%dma_start3A_1274, %dma_start3A_1275] : memref<1000000x64xf32, #tpu.memory_space<hbm>> -> memref<1000000x64xf32, #tpu.memory_space<hbm>>
        tpu.enqueue_indirect_dma source(%dma_start3A_1276 : memref<1000000x64xf32, #tpu.memory_space<hbm>>) target(%dma_start3A_1273 : memref<16x64xf32, #tpu.memory_space<vmem>>) offsets(%get3A_1268 : vector<16xi32>) semaphore(%arg10 : memref<!tpu.dma_semaphore, #tpu.memory_space<semaphore_mem>>)
        %get3A_1277 = arith.constant 11 : i32
        %get3A_1278 = arith.index_cast %add3A_1122 : i32 to index
        %get3A_1279 = arith.index_cast %get3A_1277 : i32 to index
        %get3A_1280 = arith.constant 0 : index
        %get3A_1281 = tpu.vector_load %arg5[%get3A_1278, %get3A_1279, %get3A_1280] {strides = array<i32>} : memref<128x13x16xi32, #tpu.memory_space<vmem>>, vector<1x1x16xi32>,
        %get3A_1282 = vector.shape_cast %get3A_1281 : vector<1x1x16xi32> to vector<16xi32>
        %dma_start3A_1283 = arith.constant 2 : i32
        %dma_start3A_1284 = arith.constant 176 : i32
        %dma_start3A_1285 = arith.constant 0 : i32
        %dma_start3A_1286 = tpu.memref_slice %arg6[%dma_start3A_1283, %dma_start3A_1284, %dma_start3A_1285] : memref<4x208x64xf32, #tpu.memory_space<vmem>> -> memref<1x16x64xf32, #tpu.memory_space<vmem>>
        %dma_start3A_1287 = tpu.memref_squeeze %dma_start3A_1286 : memref<1x16x64xf32, #tpu.memory_space<vmem>> -> memref<16x64xf32, #tpu.memory_space<vmem>>
        %dma_start3A_1288 = arith.constant 0 : i32
        %dma_start3A_1289 = arith.constant 0 : i32
        %dma_start3A_1290 = tpu.memref_slice %arg3[%dma_start3A_1288, %dma_start3A_1289] : memref<1000000x64xf32, #tpu.memory_space<hbm>> -> memref<1000000x64xf32, #tpu.memory_space<hbm>>
        tpu.enqueue_indirect_dma source(%dma_start3A_1290 : memref<1000000x64xf32, #tpu.memory_space<hbm>>) target(%dma_start3A_1287 : memref<16x64xf32, #tpu.memory_space<vmem>>) offsets(%get3A_1282 : vector<16xi32>) semaphore(%arg10 : memref<!tpu.dma_semaphore, #tpu.memory_space<semaphore_mem>>)
        %get3A_1291 = arith.constant 12 : i32
        %get3A_1292 = arith.index_cast %add3A_1122 : i32 to index
        %get3A_1293 = arith.index_cast %get3A_1291 : i32 to index
        %get3A_1294 = arith.constant 0 : index
        %get3A_1295 = tpu.vector_load %arg5[%get3A_1292, %get3A_1293, %get3A_1294] {strides = array<i32>} : memref<128x13x16xi32, #tpu.memory_space<vmem>>, vector<1x1x16xi32>,
        %get3A_1296 = vector.shape_cast %get3A_1295 : vector<1x1x16xi32> to vector<16xi32>
        %dma_start3A_1297 = arith.constant 2 : i32
        %dma_start3A_1298 = arith.constant 192 : i32
        %dma_start3A_1299 = arith.constant 0 : i32
        %dma_start3A_1300 = tpu.memref_slice %arg6[%dma_start3A_1297, %dma_start3A_1298, %dma_start3A_1299] : memref<4x208x64xf32, #tpu.memory_space<vmem>> -> memref<1x16x64xf32, #tpu.memory_space<vmem>>
        %dma_start3A_1301 = tpu.memref_squeeze %dma_start3A_1300 : memref<1x16x64xf32, #tpu.memory_space<vmem>> -> memref<16x64xf32, #tpu.memory_space<vmem>>
        %dma_start3A_1302 = arith.constant 0 : i32
        %dma_start3A_1303 = arith.constant 0 : i32
        %dma_start3A_1304 = tpu.memref_slice %arg3[%dma_start3A_1302, %dma_start3A_1303] : memref<1000000x64xf32, #tpu.memory_space<hbm>> -> memref<1000000x64xf32, #tpu.memory_space<hbm>>
        tpu.enqueue_indirect_dma source(%dma_start3A_1304 : memref<1000000x64xf32, #tpu.memory_space<hbm>>) target(%dma_start3A_1301 : memref<16x64xf32, #tpu.memory_space<vmem>>) offsets(%get3A_1296 : vector<16xi32>) semaphore(%arg10 : memref<!tpu.dma_semaphore, #tpu.memory_space<semaphore_mem>>)
      } else {
      }
      %dma_wait3A_1034 = arith.constant 3 : i32
      %dma_wait3A_1035 = arith.constant 0 : i32
      %dma_wait3A_1036 = arith.constant 0 : i32
      %dma_wait3A_1037 = tpu.memref_slice %arg6[%dma_wait3A_1034, %dma_wait3A_1035, %dma_wait3A_1036] : memref<4x208x64xf32, #tpu.memory_space<vmem>> -> memref<1x208x64xf32, #tpu.memory_space<vmem>>
      %dma_wait3A_1038 = tpu.memref_squeeze %dma_wait3A_1037 : memref<1x208x64xf32, #tpu.memory_space<vmem>> -> memref<208x64xf32, #tpu.memory_space<vmem>>
      %dma_wait3A_1039 = arith.constant 0 : i32
      %dma_wait3A_1040 = arith.constant 0 : i32
      %dma_wait3A_1041 = tpu.memref_slice %arg3[%dma_wait3A_1039, %dma_wait3A_1040] : memref<1000000x64xf32, #tpu.memory_space<hbm>> -> memref<208x64xf32, #tpu.memory_space<hbm>>
      %dma_wait3A_1042 = arith.constant 0 : i32
      %dma_wait3A_1043 = arith.constant 0 : i32
      %dma_wait3A_1044 = tpu.memref_slice %arg6[%dma_wait3A_1034, %dma_wait3A_1042, %dma_wait3A_1043] : memref<4x208x64xf32, #tpu.memory_space<vmem>> -> memref<1x208x64xf32, #tpu.memory_space<vmem>>
      %dma_wait3A_1045 = tpu.memref_squeeze %dma_wait3A_1044 : memref<1x208x64xf32, #tpu.memory_space<vmem>> -> memref<208x64xf32, #tpu.memory_space<vmem>>
      %dma_wait3A_1046 = arith.constant 0 : i32
      %dma_wait3A_1047 = arith.constant 0 : i32
      %dma_wait3A_1048 = tpu.memref_slice %arg3[%dma_wait3A_1046, %dma_wait3A_1047] : memref<1000000x64xf32, #tpu.memory_space<hbm>> -> memref<208x64xf32, #tpu.memory_space<hbm>>
      tpu.wait_dma2 semaphore(%arg11 : memref<!tpu.dma_semaphore, #tpu.memory_space<semaphore_mem>>) src(%dma_wait3A_1048 : memref<208x64xf32, #tpu.memory_space<hbm>>) dst(%dma_wait3A_1045 : memref<208x64xf32, #tpu.memory_space<vmem>>)
      %add3A_1049 = arith.constant 3 : i32
      %add3A_1050 = arith.addi %mul3A_790, %add3A_1049 : i32
      %broadcast_in_dim3A_1051 = arith.constant 0.000000e+00 : f32
      %broadcast_in_dim3A_1052 = vector.broadcast %broadcast_in_dim3A_1051 : f32 to vector<16xf32>
      %scan3A_1053 = arith.constant 0 : i32
      %scan3A_1054 = arith.constant 50 : i32
      %scan3A_1055 = arith.addi %scan3A_1053, %scan3A_1054 : i32
      %scan3A_1056 = arith.constant 1 : i32
      %scan3A_1057:4 = scf.for %scan3A_1119 = %scan3A_1053 to %scan3A_1055 step %scan3A_1056 iter_args(%scan3A_1120 = %broadcast_in_dim3A_1052, %scan3A_1121 = %broadcast_in_dim3A_1052, %scan3A_1122 = %broadcast_in_dim3A_1052, %scan3A_1123 = %broadcast_in_dim3A_1052) -> (vector<16xf32>, vector<16xf32>, vector<16xf32>, vector<16xf32>)  : i32 {
        %mul3A_1124 = arith.constant 4 : i32
        %mul3A_1125 = arith.muli %scan3A_1119, %mul3A_1124 : i32
        %add3A_1126 = arith.constant 0 : i32
        %add3A_1127 = arith.addi %mul3A_1125, %add3A_1126 : i32
        %get3A_1128 = arith.constant 3 : i32
        %get3A_1129 = arith.index_cast %get3A_1128 : i32 to index
        %get3A_1130 = arith.index_cast %add3A_1127 : i32 to index
        %get3A_1131 = arith.constant 0 : index
        %get3A_1132 = tpu.vector_load %arg6[%get3A_1129, %get3A_1130, %get3A_1131] {strides = array<i32>} : memref<4x208x64xf32, #tpu.memory_space<vmem>>, vector<1x1x16xf32>,
        %get3A_1133 = vector.shape_cast %get3A_1132 : vector<1x1x16xf32> to vector<16xf32>
        %add3A_1134 = arith.constant 1 : i32
        %add3A_1135 = arith.addi %mul3A_1125, %add3A_1134 : i32
        %get3A_1136 = arith.constant 3 : i32
        %get3A_1137 = arith.index_cast %get3A_1136 : i32 to index
        %get3A_1138 = arith.index_cast %add3A_1135 : i32 to index
        %get3A_1139 = arith.constant 0 : index
        %get3A_1140 = tpu.vector_load %arg6[%get3A_1137, %get3A_1138, %get3A_1139] {strides = array<i32>} : memref<4x208x64xf32, #tpu.memory_space<vmem>>, vector<1x1x16xf32>,
        %get3A_1141 = vector.shape_cast %get3A_1140 : vector<1x1x16xf32> to vector<16xf32>
        %add3A_1142 = arith.constant 2 : i32
        %add3A_1143 = arith.addi %mul3A_1125, %add3A_1142 : i32
        %get3A_1144 = arith.constant 3 : i32
        %get3A_1145 = arith.index_cast %get3A_1144 : i32 to index
        %get3A_1146 = arith.index_cast %add3A_1143 : i32 to index
        %get3A_1147 = arith.constant 0 : index
        %get3A_1148 = tpu.vector_load %arg6[%get3A_1145, %get3A_1146, %get3A_1147] {strides = array<i32>} : memref<4x208x64xf32, #tpu.memory_space<vmem>>, vector<1x1x16xf32>,
        %get3A_1149 = vector.shape_cast %get3A_1148 : vector<1x1x16xf32> to vector<16xf32>
        %add3A_1150 = arith.constant 3 : i32
        %add3A_1151 = arith.addi %mul3A_1125, %add3A_1150 : i32
        %get3A_1152 = arith.constant 3 : i32
        %get3A_1153 = arith.index_cast %get3A_1152 : i32 to index
        %get3A_1154 = arith.index_cast %add3A_1151 : i32 to index
        %get3A_1155 = arith.constant 0 : index
        %get3A_1156 = tpu.vector_load %arg6[%get3A_1153, %get3A_1154, %get3A_1155] {strides = array<i32>} : memref<4x208x64xf32, #tpu.memory_space<vmem>>, vector<1x1x16xf32>,
        %get3A_1157 = vector.shape_cast %get3A_1156 : vector<1x1x16xf32> to vector<16xf32>
        %add3A_1158 = arith.constant 0 : i32
        %add3A_1159 = arith.addi %mul3A_1125, %add3A_1158 : i32
        %get3A_1160 = arith.constant 3 : i32
        %get3A_1161 = arith.index_cast %get3A_1160 : i32 to index
        %get3A_1162 = arith.index_cast %add3A_1159 : i32 to index
        %get3A_1163 = arith.constant 16 : index
        %get3A_1164 = tpu.vector_load %arg6[%get3A_1161, %get3A_1162, %get3A_1163] {strides = array<i32>} : memref<4x208x64xf32, #tpu.memory_space<vmem>>, vector<1x1x16xf32>,
        %get3A_1165 = vector.shape_cast %get3A_1164 : vector<1x1x16xf32> to vector<16xf32>
        %add3A_1166 = arith.constant 1 : i32
        %add3A_1167 = arith.addi %mul3A_1125, %add3A_1166 : i32
        %get3A_1168 = arith.constant 3 : i32
        %get3A_1169 = arith.index_cast %get3A_1168 : i32 to index
        %get3A_1170 = arith.index_cast %add3A_1167 : i32 to index
        %get3A_1171 = arith.constant 16 : index
        %get3A_1172 = tpu.vector_load %arg6[%get3A_1169, %get3A_1170, %get3A_1171] {strides = array<i32>} : memref<4x208x64xf32, #tpu.memory_space<vmem>>, vector<1x1x16xf32>,
        %get3A_1173 = vector.shape_cast %get3A_1172 : vector<1x1x16xf32> to vector<16xf32>
        %add3A_1174 = arith.constant 2 : i32
        %add3A_1175 = arith.addi %mul3A_1125, %add3A_1174 : i32
        %get3A_1176 = arith.constant 3 : i32
        %get3A_1177 = arith.index_cast %get3A_1176 : i32 to index
        %get3A_1178 = arith.index_cast %add3A_1175 : i32 to index
        %get3A_1179 = arith.constant 16 : index
        %get3A_1180 = tpu.vector_load %arg6[%get3A_1177, %get3A_1178, %get3A_1179] {strides = array<i32>} : memref<4x208x64xf32, #tpu.memory_space<vmem>>, vector<1x1x16xf32>,
        %get3A_1181 = vector.shape_cast %get3A_1180 : vector<1x1x16xf32> to vector<16xf32>
        %add3A_1182 = arith.constant 3 : i32
        %add3A_1183 = arith.addi %mul3A_1125, %add3A_1182 : i32
        %get3A_1184 = arith.constant 3 : i32
        %get3A_1185 = arith.index_cast %get3A_1184 : i32 to index
        %get3A_1186 = arith.index_cast %add3A_1183 : i32 to index
        %get3A_1187 = arith.constant 16 : index
        %get3A_1188 = tpu.vector_load %arg6[%get3A_1185, %get3A_1186, %get3A_1187] {strides = array<i32>} : memref<4x208x64xf32, #tpu.memory_space<vmem>>, vector<1x1x16xf32>,
        %get3A_1189 = vector.shape_cast %get3A_1188 : vector<1x1x16xf32> to vector<16xf32>
        %add3A_1190 = arith.constant 0 : i32
        %add3A_1191 = arith.addi %mul3A_1125, %add3A_1190 : i32
        %get3A_1192 = arith.constant 3 : i32
        %get3A_1193 = arith.index_cast %get3A_1192 : i32 to index
        %get3A_1194 = arith.index_cast %add3A_1191 : i32 to index
        %get3A_1195 = arith.constant 32 : index
        %get3A_1196 = tpu.vector_load %arg6[%get3A_1193, %get3A_1194, %get3A_1195] {strides = array<i32>} : memref<4x208x64xf32, #tpu.memory_space<vmem>>, vector<1x1x16xf32>,
        %get3A_1197 = vector.shape_cast %get3A_1196 : vector<1x1x16xf32> to vector<16xf32>
        %add3A_1198 = arith.constant 1 : i32
        %add3A_1199 = arith.addi %mul3A_1125, %add3A_1198 : i32
        %get3A_1200 = arith.constant 3 : i32
        %get3A_1201 = arith.index_cast %get3A_1200 : i32 to index
        %get3A_1202 = arith.index_cast %add3A_1199 : i32 to index
        %get3A_1203 = arith.constant 32 : index
        %get3A_1204 = tpu.vector_load %arg6[%get3A_1201, %get3A_1202, %get3A_1203] {strides = array<i32>} : memref<4x208x64xf32, #tpu.memory_space<vmem>>, vector<1x1x16xf32>,
        %get3A_1205 = vector.shape_cast %get3A_1204 : vector<1x1x16xf32> to vector<16xf32>
        %add3A_1206 = arith.constant 2 : i32
        %add3A_1207 = arith.addi %mul3A_1125, %add3A_1206 : i32
        %get3A_1208 = arith.constant 3 : i32
        %get3A_1209 = arith.index_cast %get3A_1208 : i32 to index
        %get3A_1210 = arith.index_cast %add3A_1207 : i32 to index
        %get3A_1211 = arith.constant 32 : index
        %get3A_1212 = tpu.vector_load %arg6[%get3A_1209, %get3A_1210, %get3A_1211] {strides = array<i32>} : memref<4x208x64xf32, #tpu.memory_space<vmem>>, vector<1x1x16xf32>,
        %get3A_1213 = vector.shape_cast %get3A_1212 : vector<1x1x16xf32> to vector<16xf32>
        %add3A_1214 = arith.constant 3 : i32
        %add3A_1215 = arith.addi %mul3A_1125, %add3A_1214 : i32
        %get3A_1216 = arith.constant 3 : i32
        %get3A_1217 = arith.index_cast %get3A_1216 : i32 to index
        %get3A_1218 = arith.index_cast %add3A_1215 : i32 to index
        %get3A_1219 = arith.constant 32 : index
        %get3A_1220 = tpu.vector_load %arg6[%get3A_1217, %get3A_1218, %get3A_1219] {strides = array<i32>} : memref<4x208x64xf32, #tpu.memory_space<vmem>>, vector<1x1x16xf32>,
        %get3A_1221 = vector.shape_cast %get3A_1220 : vector<1x1x16xf32> to vector<16xf32>
        %add3A_1222 = arith.constant 0 : i32
        %add3A_1223 = arith.addi %mul3A_1125, %add3A_1222 : i32
        %get3A_1224 = arith.constant 3 : i32
        %get3A_1225 = arith.index_cast %get3A_1224 : i32 to index
        %get3A_1226 = arith.index_cast %add3A_1223 : i32 to index
        %get3A_1227 = arith.constant 48 : index
        %get3A_1228 = tpu.vector_load %arg6[%get3A_1225, %get3A_1226, %get3A_1227] {strides = array<i32>} : memref<4x208x64xf32, #tpu.memory_space<vmem>>, vector<1x1x16xf32>,
        %get3A_1229 = vector.shape_cast %get3A_1228 : vector<1x1x16xf32> to vector<16xf32>
        %add3A_1230 = arith.constant 1 : i32
        %add3A_1231 = arith.addi %mul3A_1125, %add3A_1230 : i32
        %get3A_1232 = arith.constant 3 : i32
        %get3A_1233 = arith.index_cast %get3A_1232 : i32 to index
        %get3A_1234 = arith.index_cast %add3A_1231 : i32 to index
        %get3A_1235 = arith.constant 48 : index
        %get3A_1236 = tpu.vector_load %arg6[%get3A_1233, %get3A_1234, %get3A_1235] {strides = array<i32>} : memref<4x208x64xf32, #tpu.memory_space<vmem>>, vector<1x1x16xf32>,
        %get3A_1237 = vector.shape_cast %get3A_1236 : vector<1x1x16xf32> to vector<16xf32>
        %add3A_1238 = arith.constant 2 : i32
        %add3A_1239 = arith.addi %mul3A_1125, %add3A_1238 : i32
        %get3A_1240 = arith.constant 3 : i32
        %get3A_1241 = arith.index_cast %get3A_1240 : i32 to index
        %get3A_1242 = arith.index_cast %add3A_1239 : i32 to index
        %get3A_1243 = arith.constant 48 : index
        %get3A_1244 = tpu.vector_load %arg6[%get3A_1241, %get3A_1242, %get3A_1243] {strides = array<i32>} : memref<4x208x64xf32, #tpu.memory_space<vmem>>, vector<1x1x16xf32>,
        %get3A_1245 = vector.shape_cast %get3A_1244 : vector<1x1x16xf32> to vector<16xf32>
        %add3A_1246 = arith.constant 3 : i32
        %add3A_1247 = arith.addi %mul3A_1125, %add3A_1246 : i32
        %get3A_1248 = arith.constant 3 : i32
        %get3A_1249 = arith.index_cast %get3A_1248 : i32 to index
        %get3A_1250 = arith.index_cast %add3A_1247 : i32 to index
        %get3A_1251 = arith.constant 48 : index
        %get3A_1252 = tpu.vector_load %arg6[%get3A_1249, %get3A_1250, %get3A_1251] {strides = array<i32>} : memref<4x208x64xf32, #tpu.memory_space<vmem>>, vector<1x1x16xf32>,
        %get3A_1253 = vector.shape_cast %get3A_1252 : vector<1x1x16xf32> to vector<16xf32>
        %add3A_1254 = arith.addf %get3A_1133, %get3A_1141 : vector<16xf32>
        %add3A_1255 = arith.addf %get3A_1149, %get3A_1157 : vector<16xf32>
        %add3A_1256 = arith.addf %add3A_1254, %add3A_1255 : vector<16xf32>
        %add3A_1257 = arith.addf %scan3A_1120, %add3A_1256 : vector<16xf32>
        %add3A_1258 = arith.addf %get3A_1165, %get3A_1173 : vector<16xf32>
        %add3A_1259 = arith.addf %get3A_1181, %get3A_1189 : vector<16xf32>
        %add3A_1260 = arith.addf %add3A_1258, %add3A_1259 : vector<16xf32>
        %add3A_1261 = arith.addf %scan3A_1121, %add3A_1260 : vector<16xf32>
        %add3A_1262 = arith.addf %get3A_1197, %get3A_1205 : vector<16xf32>
        %add3A_1263 = arith.addf %get3A_1213, %get3A_1221 : vector<16xf32>
        %add3A_1264 = arith.addf %add3A_1262, %add3A_1263 : vector<16xf32>
        %add3A_1265 = arith.addf %scan3A_1122, %add3A_1264 : vector<16xf32>
        %add3A_1266 = arith.addf %get3A_1229, %get3A_1237 : vector<16xf32>
        %add3A_1267 = arith.addf %get3A_1245, %get3A_1253 : vector<16xf32>
        %add3A_1268 = arith.addf %add3A_1266, %add3A_1267 : vector<16xf32>
        %add3A_1269 = arith.addf %scan3A_1123, %add3A_1268 : vector<16xf32>
        scf.yield %add3A_1257, %add3A_1261, %add3A_1265, %add3A_1269 : vector<16xf32>, vector<16xf32>, vector<16xf32>, vector<16xf32>
      }
      %scan3A_1058 = arith.constant 50 : i32
      %broadcast_in_dim3A_1059 = arith.constant 1.000000e+00 : f32
      %broadcast_in_dim3A_1060 = vector.broadcast %broadcast_in_dim3A_1059 : f32 to vector<16xf32>
      %gt3A_1061 = arith.constant 0.000000e+00 : f32
      %gt3A_1062 = vector.broadcast %gt3A_1061 : f32 to vector<16xf32>
      %gt3A_1063 = arith.cmpf ogt, %scan3A_1057#0, %gt3A_1062 : vector<16xf32>
      %neg3A_1064 = arith.constant 0.000000e+00 : f32
      %neg3A_1065 = vector.broadcast %neg3A_1064 : f32 to vector<16xf32>
      %neg3A_1066 = arith.subf %neg3A_1065, %broadcast_in_dim3A_1060 : vector<16xf32>
      %select_n3A_1067 = arith.select %gt3A_1063, %broadcast_in_dim3A_1060, %neg3A_1066 : vector<16xi1>, vector<16xf32>
      %swap3A_1068 = arith.index_cast %add3A_1050 : i32 to index
      %swap3A_1069 = arith.constant 0 : index
      %swap3A_1070 = tpu.vector_load %arg7[%swap3A_1068, %swap3A_1069] {strides = array<i32>} : memref<128x64xf32, #tpu.memory_space<vmem>>, vector<1x16xf32>,
      %swap3A_1071 = vector.shape_cast %swap3A_1070 : vector<1x16xf32> to vector<16xf32>
      %swap3A_1072 = vector.shape_cast %select_n3A_1067 : vector<16xf32> to vector<1x16xf32>
      tpu.vector_store %arg7[%swap3A_1068, %swap3A_1069], %swap3A_1072 {strides = array<i32>} : memref<128x64xf32, #tpu.memory_space<vmem>>, vector<1x16xf32>,
      %gt3A_1073 = arith.constant 0.000000e+00 : f32
      %gt3A_1074 = vector.broadcast %gt3A_1073 : f32 to vector<16xf32>
      %gt3A_1075 = arith.cmpf ogt, %scan3A_1057#1, %gt3A_1074 : vector<16xf32>
      %neg3A_1076 = arith.constant 0.000000e+00 : f32
      %neg3A_1077 = vector.broadcast %neg3A_1076 : f32 to vector<16xf32>
      %neg3A_1078 = arith.subf %neg3A_1077, %broadcast_in_dim3A_1060 : vector<16xf32>
      %select_n3A_1079 = arith.select %gt3A_1075, %broadcast_in_dim3A_1060, %neg3A_1078 : vector<16xi1>, vector<16xf32>
      %swap3A_1080 = arith.index_cast %add3A_1050 : i32 to index
      %swap3A_1081 = arith.constant 16 : index
      %swap3A_1082 = tpu.vector_load %arg7[%swap3A_1080, %swap3A_1081] {strides = array<i32>} : memref<128x64xf32, #tpu.memory_space<vmem>>, vector<1x16xf32>,
      %swap3A_1083 = vector.shape_cast %swap3A_1082 : vector<1x16xf32> to vector<16xf32>
      %swap3A_1084 = vector.shape_cast %select_n3A_1079 : vector<16xf32> to vector<1x16xf32>
      tpu.vector_store %arg7[%swap3A_1080, %swap3A_1081], %swap3A_1084 {strides = array<i32>} : memref<128x64xf32, #tpu.memory_space<vmem>>, vector<1x16xf32>,
      %gt3A_1085 = arith.constant 0.000000e+00 : f32
      %gt3A_1086 = vector.broadcast %gt3A_1085 : f32 to vector<16xf32>
      %gt3A_1087 = arith.cmpf ogt, %scan3A_1057#2, %gt3A_1086 : vector<16xf32>
      %neg3A_1088 = arith.constant 0.000000e+00 : f32
      %neg3A_1089 = vector.broadcast %neg3A_1088 : f32 to vector<16xf32>
      %neg3A_1090 = arith.subf %neg3A_1089, %broadcast_in_dim3A_1060 : vector<16xf32>
      %select_n3A_1091 = arith.select %gt3A_1087, %broadcast_in_dim3A_1060, %neg3A_1090 : vector<16xi1>, vector<16xf32>
      %swap3A_1092 = arith.index_cast %add3A_1050 : i32 to index
      %swap3A_1093 = arith.constant 32 : index
      %swap3A_1094 = tpu.vector_load %arg7[%swap3A_1092, %swap3A_1093] {strides = array<i32>} : memref<128x64xf32, #tpu.memory_space<vmem>>, vector<1x16xf32>,
      %swap3A_1095 = vector.shape_cast %swap3A_1094 : vector<1x16xf32> to vector<16xf32>
      %swap3A_1096 = vector.shape_cast %select_n3A_1091 : vector<16xf32> to vector<1x16xf32>
      tpu.vector_store %arg7[%swap3A_1092, %swap3A_1093], %swap3A_1096 {strides = array<i32>} : memref<128x64xf32, #tpu.memory_space<vmem>>, vector<1x16xf32>,
      %gt3A_1097 = arith.constant 0.000000e+00 : f32
      %gt3A_1098 = vector.broadcast %gt3A_1097 : f32 to vector<16xf32>
      %gt3A_1099 = arith.cmpf ogt, %scan3A_1057#3, %gt3A_1098 : vector<16xf32>
      %neg3A_1100 = arith.constant 0.000000e+00 : f32
      %neg3A_1101 = vector.broadcast %neg3A_1100 : f32 to vector<16xf32>
      %neg3A_1102 = arith.subf %neg3A_1101, %broadcast_in_dim3A_1060 : vector<16xf32>
      %select_n3A_1103 = arith.select %gt3A_1099, %broadcast_in_dim3A_1060, %neg3A_1102 : vector<16xi1>, vector<16xf32>
      %swap3A_1104 = arith.index_cast %add3A_1050 : i32 to index
      %swap3A_1105 = arith.constant 48 : index
      %swap3A_1106 = tpu.vector_load %arg7[%swap3A_1104, %swap3A_1105] {strides = array<i32>} : memref<128x64xf32, #tpu.memory_space<vmem>>, vector<1x16xf32>,
      %swap3A_1107 = vector.shape_cast %swap3A_1106 : vector<1x16xf32> to vector<16xf32>
      %swap3A_1108 = vector.shape_cast %select_n3A_1103 : vector<16xf32> to vector<1x16xf32>
      tpu.vector_store %arg7[%swap3A_1104, %swap3A_1105], %swap3A_1108 {strides = array<i32>} : memref<128x64xf32, #tpu.memory_space<vmem>>, vector<1x16xf32>,
      %add3A_1109 = arith.constant 3 : i32
      %add3A_1110 = arith.addi %mul3A_790, %add3A_1109 : i32
      %add3A_1111 = arith.constant 4 : i32
      %add3A_1112 = arith.addi %add3A_1110, %add3A_1111 : i32
      %lt3A_1113 = arith.constant 128 : i32
      %lt3A_1114 = arith.cmpi slt, %add3A_1112, %lt3A_1113 : i32
      %convert_element_type3A_1115 = arith.extui %lt3A_1114 : i1 to i32
      %cond3A_1116 = arith.constant 0 : i32
      %cond3A_1117 = arith.cmpi ne, %convert_element_type3A_1115, %cond3A_1116 : i32
      scf.if %cond3A_1117 {
        %add3A_1119 = arith.constant 3 : i32
        %add3A_1120 = arith.addi %mul3A_790, %add3A_1119 : i32
        %add3A_1121 = arith.constant 4 : i32
        %add3A_1122 = arith.addi %add3A_1120, %add3A_1121 : i32
        %get3A_1123 = arith.constant 0 : i32
        %get3A_1124 = arith.index_cast %add3A_1122 : i32 to index
        %get3A_1125 = arith.index_cast %get3A_1123 : i32 to index
        %get3A_1126 = arith.constant 0 : index
        %get3A_1127 = tpu.vector_load %arg5[%get3A_1124, %get3A_1125, %get3A_1126] {strides = array<i32>} : memref<128x13x16xi32, #tpu.memory_space<vmem>>, vector<1x1x16xi32>,
        %get3A_1128 = vector.shape_cast %get3A_1127 : vector<1x1x16xi32> to vector<16xi32>
        %dma_start3A_1129 = arith.constant 3 : i32
        %dma_start3A_1130 = arith.constant 0 : i32
        %dma_start3A_1131 = arith.constant 0 : i32
        %dma_start3A_1132 = tpu.memref_slice %arg6[%dma_start3A_1129, %dma_start3A_1130, %dma_start3A_1131] : memref<4x208x64xf32, #tpu.memory_space<vmem>> -> memref<1x16x64xf32, #tpu.memory_space<vmem>>
        %dma_start3A_1133 = tpu.memref_squeeze %dma_start3A_1132 : memref<1x16x64xf32, #tpu.memory_space<vmem>> -> memref<16x64xf32, #tpu.memory_space<vmem>>
        %dma_start3A_1134 = arith.constant 0 : i32
        %dma_start3A_1135 = arith.constant 0 : i32
        %dma_start3A_1136 = tpu.memref_slice %arg3[%dma_start3A_1134, %dma_start3A_1135] : memref<1000000x64xf32, #tpu.memory_space<hbm>> -> memref<1000000x64xf32, #tpu.memory_space<hbm>>
        tpu.enqueue_indirect_dma source(%dma_start3A_1136 : memref<1000000x64xf32, #tpu.memory_space<hbm>>) target(%dma_start3A_1133 : memref<16x64xf32, #tpu.memory_space<vmem>>) offsets(%get3A_1128 : vector<16xi32>) semaphore(%arg11 : memref<!tpu.dma_semaphore, #tpu.memory_space<semaphore_mem>>)
        %get3A_1137 = arith.constant 1 : i32
        %get3A_1138 = arith.index_cast %add3A_1122 : i32 to index
        %get3A_1139 = arith.index_cast %get3A_1137 : i32 to index
        %get3A_1140 = arith.constant 0 : index
        %get3A_1141 = tpu.vector_load %arg5[%get3A_1138, %get3A_1139, %get3A_1140] {strides = array<i32>} : memref<128x13x16xi32, #tpu.memory_space<vmem>>, vector<1x1x16xi32>,
        %get3A_1142 = vector.shape_cast %get3A_1141 : vector<1x1x16xi32> to vector<16xi32>
        %dma_start3A_1143 = arith.constant 3 : i32
        %dma_start3A_1144 = arith.constant 16 : i32
        %dma_start3A_1145 = arith.constant 0 : i32
        %dma_start3A_1146 = tpu.memref_slice %arg6[%dma_start3A_1143, %dma_start3A_1144, %dma_start3A_1145] : memref<4x208x64xf32, #tpu.memory_space<vmem>> -> memref<1x16x64xf32, #tpu.memory_space<vmem>>
        %dma_start3A_1147 = tpu.memref_squeeze %dma_start3A_1146 : memref<1x16x64xf32, #tpu.memory_space<vmem>> -> memref<16x64xf32, #tpu.memory_space<vmem>>
        %dma_start3A_1148 = arith.constant 0 : i32
        %dma_start3A_1149 = arith.constant 0 : i32
        %dma_start3A_1150 = tpu.memref_slice %arg3[%dma_start3A_1148, %dma_start3A_1149] : memref<1000000x64xf32, #tpu.memory_space<hbm>> -> memref<1000000x64xf32, #tpu.memory_space<hbm>>
        tpu.enqueue_indirect_dma source(%dma_start3A_1150 : memref<1000000x64xf32, #tpu.memory_space<hbm>>) target(%dma_start3A_1147 : memref<16x64xf32, #tpu.memory_space<vmem>>) offsets(%get3A_1142 : vector<16xi32>) semaphore(%arg11 : memref<!tpu.dma_semaphore, #tpu.memory_space<semaphore_mem>>)
        %get3A_1151 = arith.constant 2 : i32
        %get3A_1152 = arith.index_cast %add3A_1122 : i32 to index
        %get3A_1153 = arith.index_cast %get3A_1151 : i32 to index
        %get3A_1154 = arith.constant 0 : index
        %get3A_1155 = tpu.vector_load %arg5[%get3A_1152, %get3A_1153, %get3A_1154] {strides = array<i32>} : memref<128x13x16xi32, #tpu.memory_space<vmem>>, vector<1x1x16xi32>,
        %get3A_1156 = vector.shape_cast %get3A_1155 : vector<1x1x16xi32> to vector<16xi32>
        %dma_start3A_1157 = arith.constant 3 : i32
        %dma_start3A_1158 = arith.constant 32 : i32
        %dma_start3A_1159 = arith.constant 0 : i32
        %dma_start3A_1160 = tpu.memref_slice %arg6[%dma_start3A_1157, %dma_start3A_1158, %dma_start3A_1159] : memref<4x208x64xf32, #tpu.memory_space<vmem>> -> memref<1x16x64xf32, #tpu.memory_space<vmem>>
        %dma_start3A_1161 = tpu.memref_squeeze %dma_start3A_1160 : memref<1x16x64xf32, #tpu.memory_space<vmem>> -> memref<16x64xf32, #tpu.memory_space<vmem>>
        %dma_start3A_1162 = arith.constant 0 : i32
        %dma_start3A_1163 = arith.constant 0 : i32
        %dma_start3A_1164 = tpu.memref_slice %arg3[%dma_start3A_1162, %dma_start3A_1163] : memref<1000000x64xf32, #tpu.memory_space<hbm>> -> memref<1000000x64xf32, #tpu.memory_space<hbm>>
        tpu.enqueue_indirect_dma source(%dma_start3A_1164 : memref<1000000x64xf32, #tpu.memory_space<hbm>>) target(%dma_start3A_1161 : memref<16x64xf32, #tpu.memory_space<vmem>>) offsets(%get3A_1156 : vector<16xi32>) semaphore(%arg11 : memref<!tpu.dma_semaphore, #tpu.memory_space<semaphore_mem>>)
        %get3A_1165 = arith.constant 3 : i32
        %get3A_1166 = arith.index_cast %add3A_1122 : i32 to index
        %get3A_1167 = arith.index_cast %get3A_1165 : i32 to index
        %get3A_1168 = arith.constant 0 : index
        %get3A_1169 = tpu.vector_load %arg5[%get3A_1166, %get3A_1167, %get3A_1168] {strides = array<i32>} : memref<128x13x16xi32, #tpu.memory_space<vmem>>, vector<1x1x16xi32>,
        %get3A_1170 = vector.shape_cast %get3A_1169 : vector<1x1x16xi32> to vector<16xi32>
        %dma_start3A_1171 = arith.constant 3 : i32
        %dma_start3A_1172 = arith.constant 48 : i32
        %dma_start3A_1173 = arith.constant 0 : i32
        %dma_start3A_1174 = tpu.memref_slice %arg6[%dma_start3A_1171, %dma_start3A_1172, %dma_start3A_1173] : memref<4x208x64xf32, #tpu.memory_space<vmem>> -> memref<1x16x64xf32, #tpu.memory_space<vmem>>
        %dma_start3A_1175 = tpu.memref_squeeze %dma_start3A_1174 : memref<1x16x64xf32, #tpu.memory_space<vmem>> -> memref<16x64xf32, #tpu.memory_space<vmem>>
        %dma_start3A_1176 = arith.constant 0 : i32
        %dma_start3A_1177 = arith.constant 0 : i32
        %dma_start3A_1178 = tpu.memref_slice %arg3[%dma_start3A_1176, %dma_start3A_1177] : memref<1000000x64xf32, #tpu.memory_space<hbm>> -> memref<1000000x64xf32, #tpu.memory_space<hbm>>
        tpu.enqueue_indirect_dma source(%dma_start3A_1178 : memref<1000000x64xf32, #tpu.memory_space<hbm>>) target(%dma_start3A_1175 : memref<16x64xf32, #tpu.memory_space<vmem>>) offsets(%get3A_1170 : vector<16xi32>) semaphore(%arg11 : memref<!tpu.dma_semaphore, #tpu.memory_space<semaphore_mem>>)
        %get3A_1179 = arith.constant 4 : i32
        %get3A_1180 = arith.index_cast %add3A_1122 : i32 to index
        %get3A_1181 = arith.index_cast %get3A_1179 : i32 to index
        %get3A_1182 = arith.constant 0 : index
        %get3A_1183 = tpu.vector_load %arg5[%get3A_1180, %get3A_1181, %get3A_1182] {strides = array<i32>} : memref<128x13x16xi32, #tpu.memory_space<vmem>>, vector<1x1x16xi32>,
        %get3A_1184 = vector.shape_cast %get3A_1183 : vector<1x1x16xi32> to vector<16xi32>
        %dma_start3A_1185 = arith.constant 3 : i32
        %dma_start3A_1186 = arith.constant 64 : i32
        %dma_start3A_1187 = arith.constant 0 : i32
        %dma_start3A_1188 = tpu.memref_slice %arg6[%dma_start3A_1185, %dma_start3A_1186, %dma_start3A_1187] : memref<4x208x64xf32, #tpu.memory_space<vmem>> -> memref<1x16x64xf32, #tpu.memory_space<vmem>>
        %dma_start3A_1189 = tpu.memref_squeeze %dma_start3A_1188 : memref<1x16x64xf32, #tpu.memory_space<vmem>> -> memref<16x64xf32, #tpu.memory_space<vmem>>
        %dma_start3A_1190 = arith.constant 0 : i32
        %dma_start3A_1191 = arith.constant 0 : i32
        %dma_start3A_1192 = tpu.memref_slice %arg3[%dma_start3A_1190, %dma_start3A_1191] : memref<1000000x64xf32, #tpu.memory_space<hbm>> -> memref<1000000x64xf32, #tpu.memory_space<hbm>>
        tpu.enqueue_indirect_dma source(%dma_start3A_1192 : memref<1000000x64xf32, #tpu.memory_space<hbm>>) target(%dma_start3A_1189 : memref<16x64xf32, #tpu.memory_space<vmem>>) offsets(%get3A_1184 : vector<16xi32>) semaphore(%arg11 : memref<!tpu.dma_semaphore, #tpu.memory_space<semaphore_mem>>)
        %get3A_1193 = arith.constant 5 : i32
        %get3A_1194 = arith.index_cast %add3A_1122 : i32 to index
        %get3A_1195 = arith.index_cast %get3A_1193 : i32 to index
        %get3A_1196 = arith.constant 0 : index
        %get3A_1197 = tpu.vector_load %arg5[%get3A_1194, %get3A_1195, %get3A_1196] {strides = array<i32>} : memref<128x13x16xi32, #tpu.memory_space<vmem>>, vector<1x1x16xi32>,
        %get3A_1198 = vector.shape_cast %get3A_1197 : vector<1x1x16xi32> to vector<16xi32>
        %dma_start3A_1199 = arith.constant 3 : i32
        %dma_start3A_1200 = arith.constant 80 : i32
        %dma_start3A_1201 = arith.constant 0 : i32
        %dma_start3A_1202 = tpu.memref_slice %arg6[%dma_start3A_1199, %dma_start3A_1200, %dma_start3A_1201] : memref<4x208x64xf32, #tpu.memory_space<vmem>> -> memref<1x16x64xf32, #tpu.memory_space<vmem>>
        %dma_start3A_1203 = tpu.memref_squeeze %dma_start3A_1202 : memref<1x16x64xf32, #tpu.memory_space<vmem>> -> memref<16x64xf32, #tpu.memory_space<vmem>>
        %dma_start3A_1204 = arith.constant 0 : i32
        %dma_start3A_1205 = arith.constant 0 : i32
        %dma_start3A_1206 = tpu.memref_slice %arg3[%dma_start3A_1204, %dma_start3A_1205] : memref<1000000x64xf32, #tpu.memory_space<hbm>> -> memref<1000000x64xf32, #tpu.memory_space<hbm>>
        tpu.enqueue_indirect_dma source(%dma_start3A_1206 : memref<1000000x64xf32, #tpu.memory_space<hbm>>) target(%dma_start3A_1203 : memref<16x64xf32, #tpu.memory_space<vmem>>) offsets(%get3A_1198 : vector<16xi32>) semaphore(%arg11 : memref<!tpu.dma_semaphore, #tpu.memory_space<semaphore_mem>>)
        %get3A_1207 = arith.constant 6 : i32
        %get3A_1208 = arith.index_cast %add3A_1122 : i32 to index
        %get3A_1209 = arith.index_cast %get3A_1207 : i32 to index
        %get3A_1210 = arith.constant 0 : index
        %get3A_1211 = tpu.vector_load %arg5[%get3A_1208, %get3A_1209, %get3A_1210] {strides = array<i32>} : memref<128x13x16xi32, #tpu.memory_space<vmem>>, vector<1x1x16xi32>,
        %get3A_1212 = vector.shape_cast %get3A_1211 : vector<1x1x16xi32> to vector<16xi32>
        %dma_start3A_1213 = arith.constant 3 : i32
        %dma_start3A_1214 = arith.constant 96 : i32
        %dma_start3A_1215 = arith.constant 0 : i32
        %dma_start3A_1216 = tpu.memref_slice %arg6[%dma_start3A_1213, %dma_start3A_1214, %dma_start3A_1215] : memref<4x208x64xf32, #tpu.memory_space<vmem>> -> memref<1x16x64xf32, #tpu.memory_space<vmem>>
        %dma_start3A_1217 = tpu.memref_squeeze %dma_start3A_1216 : memref<1x16x64xf32, #tpu.memory_space<vmem>> -> memref<16x64xf32, #tpu.memory_space<vmem>>
        %dma_start3A_1218 = arith.constant 0 : i32
        %dma_start3A_1219 = arith.constant 0 : i32
        %dma_start3A_1220 = tpu.memref_slice %arg3[%dma_start3A_1218, %dma_start3A_1219] : memref<1000000x64xf32, #tpu.memory_space<hbm>> -> memref<1000000x64xf32, #tpu.memory_space<hbm>>
        tpu.enqueue_indirect_dma source(%dma_start3A_1220 : memref<1000000x64xf32, #tpu.memory_space<hbm>>) target(%dma_start3A_1217 : memref<16x64xf32, #tpu.memory_space<vmem>>) offsets(%get3A_1212 : vector<16xi32>) semaphore(%arg11 : memref<!tpu.dma_semaphore, #tpu.memory_space<semaphore_mem>>)
        %get3A_1221 = arith.constant 7 : i32
        %get3A_1222 = arith.index_cast %add3A_1122 : i32 to index
        %get3A_1223 = arith.index_cast %get3A_1221 : i32 to index
        %get3A_1224 = arith.constant 0 : index
        %get3A_1225 = tpu.vector_load %arg5[%get3A_1222, %get3A_1223, %get3A_1224] {strides = array<i32>} : memref<128x13x16xi32, #tpu.memory_space<vmem>>, vector<1x1x16xi32>,
        %get3A_1226 = vector.shape_cast %get3A_1225 : vector<1x1x16xi32> to vector<16xi32>
        %dma_start3A_1227 = arith.constant 3 : i32
        %dma_start3A_1228 = arith.constant 112 : i32
        %dma_start3A_1229 = arith.constant 0 : i32
        %dma_start3A_1230 = tpu.memref_slice %arg6[%dma_start3A_1227, %dma_start3A_1228, %dma_start3A_1229] : memref<4x208x64xf32, #tpu.memory_space<vmem>> -> memref<1x16x64xf32, #tpu.memory_space<vmem>>
        %dma_start3A_1231 = tpu.memref_squeeze %dma_start3A_1230 : memref<1x16x64xf32, #tpu.memory_space<vmem>> -> memref<16x64xf32, #tpu.memory_space<vmem>>
        %dma_start3A_1232 = arith.constant 0 : i32
        %dma_start3A_1233 = arith.constant 0 : i32
        %dma_start3A_1234 = tpu.memref_slice %arg3[%dma_start3A_1232, %dma_start3A_1233] : memref<1000000x64xf32, #tpu.memory_space<hbm>> -> memref<1000000x64xf32, #tpu.memory_space<hbm>>
        tpu.enqueue_indirect_dma source(%dma_start3A_1234 : memref<1000000x64xf32, #tpu.memory_space<hbm>>) target(%dma_start3A_1231 : memref<16x64xf32, #tpu.memory_space<vmem>>) offsets(%get3A_1226 : vector<16xi32>) semaphore(%arg11 : memref<!tpu.dma_semaphore, #tpu.memory_space<semaphore_mem>>)
        %get3A_1235 = arith.constant 8 : i32
        %get3A_1236 = arith.index_cast %add3A_1122 : i32 to index
        %get3A_1237 = arith.index_cast %get3A_1235 : i32 to index
        %get3A_1238 = arith.constant 0 : index
        %get3A_1239 = tpu.vector_load %arg5[%get3A_1236, %get3A_1237, %get3A_1238] {strides = array<i32>} : memref<128x13x16xi32, #tpu.memory_space<vmem>>, vector<1x1x16xi32>,
        %get3A_1240 = vector.shape_cast %get3A_1239 : vector<1x1x16xi32> to vector<16xi32>
        %dma_start3A_1241 = arith.constant 3 : i32
        %dma_start3A_1242 = arith.constant 128 : i32
        %dma_start3A_1243 = arith.constant 0 : i32
        %dma_start3A_1244 = tpu.memref_slice %arg6[%dma_start3A_1241, %dma_start3A_1242, %dma_start3A_1243] : memref<4x208x64xf32, #tpu.memory_space<vmem>> -> memref<1x16x64xf32, #tpu.memory_space<vmem>>
        %dma_start3A_1245 = tpu.memref_squeeze %dma_start3A_1244 : memref<1x16x64xf32, #tpu.memory_space<vmem>> -> memref<16x64xf32, #tpu.memory_space<vmem>>
        %dma_start3A_1246 = arith.constant 0 : i32
        %dma_start3A_1247 = arith.constant 0 : i32
        %dma_start3A_1248 = tpu.memref_slice %arg3[%dma_start3A_1246, %dma_start3A_1247] : memref<1000000x64xf32, #tpu.memory_space<hbm>> -> memref<1000000x64xf32, #tpu.memory_space<hbm>>
        tpu.enqueue_indirect_dma source(%dma_start3A_1248 : memref<1000000x64xf32, #tpu.memory_space<hbm>>) target(%dma_start3A_1245 : memref<16x64xf32, #tpu.memory_space<vmem>>) offsets(%get3A_1240 : vector<16xi32>) semaphore(%arg11 : memref<!tpu.dma_semaphore, #tpu.memory_space<semaphore_mem>>)
        %get3A_1249 = arith.constant 9 : i32
        %get3A_1250 = arith.index_cast %add3A_1122 : i32 to index
        %get3A_1251 = arith.index_cast %get3A_1249 : i32 to index
        %get3A_1252 = arith.constant 0 : index
        %get3A_1253 = tpu.vector_load %arg5[%get3A_1250, %get3A_1251, %get3A_1252] {strides = array<i32>} : memref<128x13x16xi32, #tpu.memory_space<vmem>>, vector<1x1x16xi32>,
        %get3A_1254 = vector.shape_cast %get3A_1253 : vector<1x1x16xi32> to vector<16xi32>
        %dma_start3A_1255 = arith.constant 3 : i32
        %dma_start3A_1256 = arith.constant 144 : i32
        %dma_start3A_1257 = arith.constant 0 : i32
        %dma_start3A_1258 = tpu.memref_slice %arg6[%dma_start3A_1255, %dma_start3A_1256, %dma_start3A_1257] : memref<4x208x64xf32, #tpu.memory_space<vmem>> -> memref<1x16x64xf32, #tpu.memory_space<vmem>>
        %dma_start3A_1259 = tpu.memref_squeeze %dma_start3A_1258 : memref<1x16x64xf32, #tpu.memory_space<vmem>> -> memref<16x64xf32, #tpu.memory_space<vmem>>
        %dma_start3A_1260 = arith.constant 0 : i32
        %dma_start3A_1261 = arith.constant 0 : i32
        %dma_start3A_1262 = tpu.memref_slice %arg3[%dma_start3A_1260, %dma_start3A_1261] : memref<1000000x64xf32, #tpu.memory_space<hbm>> -> memref<1000000x64xf32, #tpu.memory_space<hbm>>
        tpu.enqueue_indirect_dma source(%dma_start3A_1262 : memref<1000000x64xf32, #tpu.memory_space<hbm>>) target(%dma_start3A_1259 : memref<16x64xf32, #tpu.memory_space<vmem>>) offsets(%get3A_1254 : vector<16xi32>) semaphore(%arg11 : memref<!tpu.dma_semaphore, #tpu.memory_space<semaphore_mem>>)
        %get3A_1263 = arith.constant 10 : i32
        %get3A_1264 = arith.index_cast %add3A_1122 : i32 to index
        %get3A_1265 = arith.index_cast %get3A_1263 : i32 to index
        %get3A_1266 = arith.constant 0 : index
        %get3A_1267 = tpu.vector_load %arg5[%get3A_1264, %get3A_1265, %get3A_1266] {strides = array<i32>} : memref<128x13x16xi32, #tpu.memory_space<vmem>>, vector<1x1x16xi32>,
        %get3A_1268 = vector.shape_cast %get3A_1267 : vector<1x1x16xi32> to vector<16xi32>
        %dma_start3A_1269 = arith.constant 3 : i32
        %dma_start3A_1270 = arith.constant 160 : i32
        %dma_start3A_1271 = arith.constant 0 : i32
        %dma_start3A_1272 = tpu.memref_slice %arg6[%dma_start3A_1269, %dma_start3A_1270, %dma_start3A_1271] : memref<4x208x64xf32, #tpu.memory_space<vmem>> -> memref<1x16x64xf32, #tpu.memory_space<vmem>>
        %dma_start3A_1273 = tpu.memref_squeeze %dma_start3A_1272 : memref<1x16x64xf32, #tpu.memory_space<vmem>> -> memref<16x64xf32, #tpu.memory_space<vmem>>
        %dma_start3A_1274 = arith.constant 0 : i32
        %dma_start3A_1275 = arith.constant 0 : i32
        %dma_start3A_1276 = tpu.memref_slice %arg3[%dma_start3A_1274, %dma_start3A_1275] : memref<1000000x64xf32, #tpu.memory_space<hbm>> -> memref<1000000x64xf32, #tpu.memory_space<hbm>>
        tpu.enqueue_indirect_dma source(%dma_start3A_1276 : memref<1000000x64xf32, #tpu.memory_space<hbm>>) target(%dma_start3A_1273 : memref<16x64xf32, #tpu.memory_space<vmem>>) offsets(%get3A_1268 : vector<16xi32>) semaphore(%arg11 : memref<!tpu.dma_semaphore, #tpu.memory_space<semaphore_mem>>)
        %get3A_1277 = arith.constant 11 : i32
        %get3A_1278 = arith.index_cast %add3A_1122 : i32 to index
        %get3A_1279 = arith.index_cast %get3A_1277 : i32 to index
        %get3A_1280 = arith.constant 0 : index
        %get3A_1281 = tpu.vector_load %arg5[%get3A_1278, %get3A_1279, %get3A_1280] {strides = array<i32>} : memref<128x13x16xi32, #tpu.memory_space<vmem>>, vector<1x1x16xi32>,
        %get3A_1282 = vector.shape_cast %get3A_1281 : vector<1x1x16xi32> to vector<16xi32>
        %dma_start3A_1283 = arith.constant 3 : i32
        %dma_start3A_1284 = arith.constant 176 : i32
        %dma_start3A_1285 = arith.constant 0 : i32
        %dma_start3A_1286 = tpu.memref_slice %arg6[%dma_start3A_1283, %dma_start3A_1284, %dma_start3A_1285] : memref<4x208x64xf32, #tpu.memory_space<vmem>> -> memref<1x16x64xf32, #tpu.memory_space<vmem>>
        %dma_start3A_1287 = tpu.memref_squeeze %dma_start3A_1286 : memref<1x16x64xf32, #tpu.memory_space<vmem>> -> memref<16x64xf32, #tpu.memory_space<vmem>>
        %dma_start3A_1288 = arith.constant 0 : i32
        %dma_start3A_1289 = arith.constant 0 : i32
        %dma_start3A_1290 = tpu.memref_slice %arg3[%dma_start3A_1288, %dma_start3A_1289] : memref<1000000x64xf32, #tpu.memory_space<hbm>> -> memref<1000000x64xf32, #tpu.memory_space<hbm>>
        tpu.enqueue_indirect_dma source(%dma_start3A_1290 : memref<1000000x64xf32, #tpu.memory_space<hbm>>) target(%dma_start3A_1287 : memref<16x64xf32, #tpu.memory_space<vmem>>) offsets(%get3A_1282 : vector<16xi32>) semaphore(%arg11 : memref<!tpu.dma_semaphore, #tpu.memory_space<semaphore_mem>>)
        %get3A_1291 = arith.constant 12 : i32
        %get3A_1292 = arith.index_cast %add3A_1122 : i32 to index
        %get3A_1293 = arith.index_cast %get3A_1291 : i32 to index
        %get3A_1294 = arith.constant 0 : index
        %get3A_1295 = tpu.vector_load %arg5[%get3A_1292, %get3A_1293, %get3A_1294] {strides = array<i32>} : memref<128x13x16xi32, #tpu.memory_space<vmem>>, vector<1x1x16xi32>,
        %get3A_1296 = vector.shape_cast %get3A_1295 : vector<1x1x16xi32> to vector<16xi32>
        %dma_start3A_1297 = arith.constant 3 : i32
        %dma_start3A_1298 = arith.constant 192 : i32
        %dma_start3A_1299 = arith.constant 0 : i32
        %dma_start3A_1300 = tpu.memref_slice %arg6[%dma_start3A_1297, %dma_start3A_1298, %dma_start3A_1299] : memref<4x208x64xf32, #tpu.memory_space<vmem>> -> memref<1x16x64xf32, #tpu.memory_space<vmem>>
        %dma_start3A_1301 = tpu.memref_squeeze %dma_start3A_1300 : memref<1x16x64xf32, #tpu.memory_space<vmem>> -> memref<16x64xf32, #tpu.memory_space<vmem>>
        %dma_start3A_1302 = arith.constant 0 : i32
        %dma_start3A_1303 = arith.constant 0 : i32
        %dma_start3A_1304 = tpu.memref_slice %arg3[%dma_start3A_1302, %dma_start3A_1303] : memref<1000000x64xf32, #tpu.memory_space<hbm>> -> memref<1000000x64xf32, #tpu.memory_space<hbm>>
        tpu.enqueue_indirect_dma source(%dma_start3A_1304 : memref<1000000x64xf32, #tpu.memory_space<hbm>>) target(%dma_start3A_1301 : memref<16x64xf32, #tpu.memory_space<vmem>>) offsets(%get3A_1296 : vector<16xi32>) semaphore(%arg11 : memref<!tpu.dma_semaphore, #tpu.memory_space<semaphore_mem>>)
      } else {
      }
      %scan3A_1118 = arith.constant 0 : i32
      scf.yield %scan3A_1118 : i32
    }
    %scan3A_786 = arith.constant 32 : i32
    "tpu.region"() ({
      %run_scoped3A = tpu.sem_alloc : memref<!tpu.dma_semaphore, #tpu.memory_space<semaphore_mem>>
      %dma_start3A_787 = arith.constant 0 : i32
      %dma_start3A_788 = tpu.memref_slice %arg4[%mul3A_2, %dma_start3A_787] : memref<4096x64xf32, #tpu.memory_space<hbm>> -> memref<128x64xf32, #tpu.memory_space<hbm>>
      %dma_start3A_789 = arith.constant 0 : i32
      %dma_start3A_790 = tpu.memref_slice %arg4[%mul3A_2, %dma_start3A_789] : memref<4096x64xf32, #tpu.memory_space<hbm>> -> memref<128x64xf32, #tpu.memory_space<hbm>>
      tpu.enqueue_dma source(%arg7 : memref<128x64xf32, #tpu.memory_space<vmem>>) target(%dma_start3A_790 : memref<128x64xf32, #tpu.memory_space<hbm>>) target_semaphore(%run_scoped3A : memref<!tpu.dma_semaphore, #tpu.memory_space<semaphore_mem>>)
      %dma_wait3A = arith.constant 0 : i32
      %dma_wait3A_791 = tpu.memref_slice %arg4[%mul3A_2, %dma_wait3A] : memref<4096x64xf32, #tpu.memory_space<hbm>> -> memref<128x64xf32, #tpu.memory_space<hbm>>
      %dma_wait3A_792 = arith.constant 0 : i32
      %dma_wait3A_793 = tpu.memref_slice %arg4[%mul3A_2, %dma_wait3A_792] : memref<4096x64xf32, #tpu.memory_space<hbm>> -> memref<128x64xf32, #tpu.memory_space<hbm>>
      tpu.wait_dma2 semaphore(%run_scoped3A : memref<!tpu.dma_semaphore, #tpu.memory_space<semaphore_mem>>) src(%arg7 : memref<128x64xf32, #tpu.memory_space<vmem>>) dst(%dma_wait3A_793 : memref<128x64xf32, #tpu.memory_space<hbm>>)
      tpu.yield
    }) : () -> ()
    return
  }
}

</mosaic_0001>

<sc_bundles>
// kernel: _encoder.3.cloned.1.call-start
scs
__scs_entry_jumppad:
0x0: {  	(pc) =	sbr.rel $0x88, $3  }
0x1: {  	(tag) =	ssettag $0x0;
	lr =	simm.s32 $0x1  }
0x2: {  	[smem:$0x3F9F] =	sst lr;
	_ =	strace $0xD0000000  }
0x3: {  	_ = 	snop  }
0x4: {  	_ = 	snop  }
0x5: {  	_ = 	snop  }
0x6: {  	_ = 	snop  }
0x7: {  	_ = 	snop  }
__scs_overlays_trampoline_lowered:
0x8: {  	[smem:$0x3FAE] =	sst s0  }
0x9: {  	[smem:$0x3FAF] =	sst s1  }
0xa: {  	[smem:$0x3FB0] =	sst s2  }
0xb: {  	[smem:$0x3FB1] =	sst s3  }
0xc: {  	[smem:$0x3FB2] =	sst s4  }
0xd: {  	[smem:$0x3FB3] =	sst s5  }
0xe: {  	[smem:$0x3FB4] =	sst s6  }
0xf: {  	[smem:$0x3FB5] =	sst s7  }
0x10: {  	[smem:$0x3FB6] =	sst s8  }
0x11: {  	[smem:$0x3FB7] =	sst s9;
	s0 =	simm.s32 @!p0 $0x0  }
0x12: {  	s1 =	sld [smem:$0x3F9D];
	s0 =	simm.s32 @p0 $0x1  }
0x13: {  	[smem:$0x3FB8] =	sst s0;
	s0 =	simm.s32 @!p1 $0x0  }
0x14: {  	s2 =	sld [smem:$0x3F9C];
	s0 =	simm.s32 @p1 $0x1  }
0x15: {  	[smem:$0x3FB9] =	sst s0;
	s0 =	simm.s32 @!p2 $0x0  }
0x16: {  	s3 =	sld [smem:$0x3FDB];
	s0 =	simm.s32 @p2 $0x1  }
0x17: {  	s4 =	simm.s32 $0x1BF5;
	[smem:$0x3FBB] =	sst s0  }
0x18: {  	s0 =	sld [smem:$0x3F9E];
	_ =	swait.ge [sflag:s4], $0x0  }
0x19: {  	s7 =	sld [smem:$0x3F9F]  }
0x1a: {  	s8 =	sadd.s32 $0xFFFFE003, lr  }
0x1b: {  	s9 =	sadd.s32 $0xFFFFFEF7, lr;
	s5 =	simm.s32 $0xFFFFFFFF;
	p2 =	slt.u32 s8, $0xFFFFF086  }
0x1c: {  	p1 =	slt.u32 s9, $0xF7A;
	s5 =	simm.s32 @!p2 $0x0  }
0x1d: {  	s5 =	simm.s32 @p1 $0x1;
	p0 =	seq.s32 s7, s2  }
0x1e: {  	s7 =	smul.u32 @!p0 $0xF7A, s2;
	p2 =	seq.s32 @!p0 s5, $0x0  }
0x1f: {  	s9 =	smul.u32 $0xF7A, s1;
	s8 =	simm.s32 @!p0 $0x1BF5;
	p2 =	por !p2, p0  }
0x20: {  	[sflag:s8] =	ssyncset.s32 @!p0 $0xFFFFF086;
	s6 =	sadd.s32 @!p0 s3, s7;
	s7 =	simm.s32 @!p0 $0x108  }
0x21: {  	s3 =	sadd.s32 s3, s9;
	s6 =	sadd.s32 @!p0 $0x88, s6;
	s7 =	simm.s32 @p2 $0x1082  }
0x22: {  	[simem:s7], [sflag:s8] =	dma.local @!p0 [hbm:s6], $0xF7A  }
0x23: {  	s9 =	sor.u32 $0xD0000000, s2;
	s6 =	simm.s32 $0x108;
	_ =	swait.ge @!p0 [sflag:s8], $0x0  }
0x24: {  	s3 =	sadd.s32 $0x88, s3;
	s6 =	simm.s32 @!p1 $0x1082;
	[sflag:s4] =	ssyncset.s32 $0xFFFFF086  }
0x25: {  	[simem:s6], [sflag:s4] =	dma.local [hbm:s3], $0xF7A  }
0x26: {  	[smem:$0x3F9F] =	sst s1;
	(tag) =	ssettag s2;
	_ =	strace s9  }
0x27: {  	s1 =	sld [smem:$0x3FAF]  }
0x28: {  	s2 =	sld [smem:$0x3FB0]  }
0x29: {  	s4 =	sld [smem:$0x3FB2]  }
0x2a: {  	p0 =	seq.s32 s5, $0x0;
	s5 =	sld [smem:$0x3FB3]  }
0x2b: {  	s6 =	sld [smem:$0x3FB4]  }
0x2c: {  	s7 =	sld [smem:$0x3FB5]  }
0x2d: {  	s3 =	simm.s32 $0x108;
	s8 =	sld [smem:$0x3FB6]  }
0x2e: {  	s3 =	simm.s32 @!p0 $0x1082;
	s9 =	sld [smem:$0x3FB7]  }
0x2f: {  	lr =	sadd.s32 s0, s3;
	s0 =	sld [smem:$0x3FAE]  }
0x30: {  	s3 =	sld [smem:$0x3FB1]  }
0x31: {  	[smem:$0x3FBA] =	sst s10  }
0x32: {  	s10 =	sld [smem:$0x3FB8];
	_ =	sdelay $0x3  }
0x33: {  	p0 =	seq.s32 s10, $0x1;
	s10 =	sld [smem:$0x3FBA];
	_ =	sdelay $0x3  }
0x34: {  	[smem:$0x3FBA] =	sst s10  }
0x35: {  	s10 =	sld [smem:$0x3FB9];
	_ =	sdelay $0x3  }
0x36: {  	p1 =	seq.s32 s10, $0x1;
	s10 =	sld [smem:$0x3FBA];
	_ =	sdelay $0x3  }
0x37: {  	[smem:$0x3FBA] =	sst s10  }
0x38: {  	s10 =	sld [smem:$0x3FBB]  }
0x39: {  	_ = 	snop;
	(pc) =	sbr.ind lr, $3  }
0x3a: {  	_ = 	snop  }
0x3b: {  	_ = 	snop  }
0x3c: {  	p2 =	seq.s32 s10, $0x1;
	s10 =	sld [smem:$0x3FBA]  }
0x3d: {  	_ =	shalt  }
0x3e: {  	_ =	shalt  }
0x3f: {  	_ =	shalt  }
0x40: {  	_ =	shalt  }
0x41: {  	_ =	shalt  }
0x42: {  	_ =	shalt  }
0x43: {  	_ =	shalt  }
0x44: {  	_ =	shalt  }
0x45: {  	_ =	shalt  }
0x46: {  	_ =	shalt  }
0x47: {  	_ =	shalt  }
0x48: {  	_ =	shalt  }
0x49: {  	_ =	shalt  }
0x4a: {  	_ =	shalt  }
0x4b: {  	_ =	shalt  }
0x4c: {  	_ =	shalt  }
0x4d: {  	_ =	shalt  }
0x4e: {  	_ =	shalt  }
0x4f: {  	_ =	shalt  }
0x50: {  	_ =	shalt  }
0x51: {  	_ =	shalt  }
0x52: {  	_ =	shalt  }
0x53: {  	_ =	shalt  }
0x54: {  	_ =	shalt  }
0x55: {  	_ =	shalt  }
0x56: {  	_ =	shalt  }
0x57: {  	_ =	shalt  }
0x58: {  	_ =	shalt  }
0x59: {  	_ =	shalt  }
0x5a: {  	_ =	shalt  }
0x5b: {  	_ =	shalt  }
0x5c: {  	_ =	shalt  }
0x5d: {  	_ =	shalt  }
0x5e: {  	_ =	shalt  }
0x5f: {  	_ =	shalt  }
0x60: {  	_ =	shalt  }
0x61: {  	_ =	shalt  }
0x62: {  	_ =	shalt  }
0x63: {  	_ =	shalt  }
0x64: {  	_ =	shalt  }
0x65: {  	_ =	shalt  }
0x66: {  	_ =	shalt  }
0x67: {  	_ =	shalt  }
0x68: {  	_ =	shalt  }
0x69: {  	_ =	shalt  }
0x6a: {  	_ =	shalt  }
0x6b: {  	_ =	shalt  }
0x6c: {  	_ =	shalt  }
0x6d: {  	_ =	shalt  }
0x6e: {  	_ =	shalt  }
0x6f: {  	_ =	shalt  }
0x70: {  	_ =	shalt  }
0x71: {  	_ =	shalt  }
0x72: {  	_ =	shalt  }
0x73: {  	_ =	shalt  }
0x74: {  	_ =	shalt  }
0x75: {  	_ =	shalt  }
0x76: {  	_ =	shalt  }
0x77: {  	_ =	shalt  }
0x78: {  	_ =	shalt  }
0x79: {  	_ =	shalt  }
0x7a: {  	_ =	shalt  }
0x7b: {  	_ =	shalt  }
0x7c: {  	_ =	shalt  }
0x7d: {  	_ =	shalt  }
0x7e: {  	_ =	shalt  }
0x7f: {  	_ =	shalt  }
0x80: {  	_ =	shalt  }
0x81: {  	_ =	shalt  }
0x82: {  	_ =	shalt  }
0x83: {  	_ =	shalt  }
0x84: {  	_ =	shalt  }
0x85: {  	_ =	shalt  }
0x86: {  	_ =	shalt  }
0x87: {  	_ =	shalt  }
.Lfunc_end0:
.L_simem_size_0:
called_computation_lowered:
.L_overlay_start_0:
0x88: {  	s2 =	sld [smem:$0x3FD9]  }
0x89: {  	s3 =	sld [smem:$0x3FFE];
	_ =	sdelay $0x1  }
0x8a: {  	s1 =	srdreg.scid  }
0x8b: {  	s0 =	sand.u32 $0x1, s1  }
0x8c: {  	s17 =	sshll.u32 s0, $0xA;
	s2 =	sadd.s32 s3, s2  }
0x8d: {  	s2 =	sadd.s32 s2, s17  }
0x8e: {  	[smem:$0x3FC6] =	sst s2  }
0x8f: {  	_ = 	snop  }
0x90: {  	s2 =	sld [smem:$0x3FD0];
	(tm) =	ssettm $0x1  }
0x91: {  	s18 =	sld [smem:$0x3FFB];
	_ =	sdelay $0x3  }
0x92: {  	_ =	strace s18  }
0x93: {  	s3 =	sld [smem:$0x3FFC];
	_ =	sdelay $0x3  }
0x94: {  	_ =	strace s3  }
0x95: {  	s3 =	sld [smem:$0x3FFD];
	_ =	sdelay $0x3  }
0x96: {  	_ =	strace s3  }
0x97: {  	_ =	strace $0x8FFFFFFF  }
0x98: {  	s19 =	sld [smem:$0x3FDB];
	_ =	sdelay $0x1  }
0x99: {  	s4 =	simm.s32 $_scs_section_size  }
0x9a: {  	s5 =	simm.s32 $_size__tile_overlayer_lowered;
	s6 =	simm.s32 $_tile_overlayer_lowered  }
0x9b: {  	s22 =	simm.s32 $0x1BFF;
	s21 =	sshll.u32 s6, $0x1;
	s3 =	sadd.s32 s4, s19  }
0x9c: {  	s7 =	simm.s32 $0x0;
	s20 =	sshll.u32 s5, $0x1;
	s5 =	sadd.s32 s21, s3  }
0x9d: {  	[timem:s7], [sflag:s22] =	dma.local [hbm:s5], s20  }
0x9e: {  	_ =	swait.ge [sflag:s22], s20  }
0x9f: {  	s4 =	ssub.s32 $0x0, s20;
	[sflag:s22] =	ssyncset.done $0x0  }
0xa0: {  	[sflag:s22] =	ssyncadd.s32 s4;
	_ =	sdelay $0x1  }
0xa1: {  	s23 =	simm.s32 $0x1B8B  }
0xa2: {  	_ =	swait.ge [sflag:s23], $0x1  }
0xa3: {  	[sflag:s23] =	ssyncset.done $0x0  }
0xa4: {  	s25 =	simm.s32 $0x1B8E;
	s24 =	sld [smem:$0x3FFE];
	[sflag:s23] =	ssyncadd.s32 $0xFFFFFFFF  }
0xa5: {  	s26 =	simm.s32 $execute0_lowered;
	[smem:$0x3FD2] =	sst s25  }
0xa6: {  	s5 =	sshll.u32 s26, $0x1;
	_ =	strace $0x80000046;
	[dreg:$0x1] =	wrdreg $0xFFFFFFFF  }
0xa7: {  	s28 =	simm.s32 $_size_execute0_lowered;
	s3 =	sadd.s32 s3, s5;
	[dreg:$0x0] =	wrdreg $0x0  }
0xa8: {  	s5 =	sshll.u32 s28, $0x1;
	[dreg:$0x2] =	wrdreg s3  }
0xa9: {  	[dreg:$0x3] =	wrdreg s5  }
0xaa: {  	[dreg:$0x4] =	wrdreg $0xC0  }
0xab: {  	_ =	task [dreg:s7], $0x5FFFF  }
0xac: {  	[dreg:$0x1] =	wrdreg $0xFFFFFFFF  }
0xad: {  	[dreg:$0x0] =	wrdreg $0x60  }
0xae: {  	[dreg:$0x2] =	wrdreg s24  }
0xaf: {  	[dreg:$0x3] =	wrdreg s2  }
0xb0: {  	[dreg:$0x4] =	wrdreg $0x9  }
0xb1: {  	_ =	task.clear_ibuf [dreg:s7], $0x5FFFF;
	_ =	strace $0x90000046  }
0xb2: {  	s29 =	simm.s32 $0x9;
	_ =	strace $0x80000048  }
0xb3: {  	_ =	swait.ge [sflag:s29], $0x1  }
0xb4: {  	[sflag:s29] =	ssyncadd.s32 $0xFFFFFFFF  }
0xb5: {  	_ =	strace $0x90000048  }
0xb6: {  	_ =	sfence  }
0xb7: {  	s30 =	sld [smem:$0x0];
	_ =	sdelay $0x2  }
0xb8: {  	s31 =	sshll.u32 s1, $0xD;
	s1 =	sshrl.u32 s1, $0x2  }
0xb9: {  	s3 =	sand.u32 $0x4000, s31;
	s1 =	sadd.s32 s1, s30  }
0xba: {  	s0 =	sor.u32 s3, s0;
	s1 =	sshll.u32 s1, $0x11  }
0xbb: {  	s0 =	sor.u32 s1, s0  }
0xbc: {  	s0 =	sadd.s32 $0x8F2B, s0  }
0xbd: {  	[sflag:s0] =	ssyncadd.remote.s32 $0x1  }
0xbe: {  	_ =	sfence.sel $0xFFFF  }
0xbf: {  	[dreg:$0x0] =	wrdreg $0xFFFFFFFF;
	(pc) =	sbr.abs _section_cstart, $3  }
0xc0: {  	[dreg:$0x1] =	wrdreg $0xFFFFFFFF  }
0xc1: {  	_ =	task.clear_ibuf [dreg:s7], $0x2FFFF;
	_ =	strace $0x9FFFFFFF  }
0xc2: {  	(tm) =	ssettm $0x7FFFFFFF  }
0xc3: {  	_ =	shalt  }
tec
execute0_lowered:
.L_overlay_start_1:
0x0: {  	(tag) =	ssettag $0x1  }
0x1: {  	s0 =	srdreg.scid;
	s1 =	rddreg [dreg:$0x0]  }
0x2: {  	s2 =	stileid.u32;
	s5 =	rddreg [dreg:$0x1]  }
0x3: {  	s21 =	simm.s32 $0x10000;
	s22 =	simm.s32 $0x10400;
	s23 =	simm.s32 $0x10800  }
0x4: {  	s24 =	simm.s32 $0x10C00;
	s25 =	simm.s32 $0x11000;
	s28 =	simm.s32 $0x11800  }
0x5: {  	s29 =	simm.s32 $0x11C00;
	s30 =	simm.s32 $0x12000;
	s31 =	simm.s32 $0x12400  }
0x6: {  	s8 =	simm.s32 $0x13000;
	s9 =	simm.s32 $0x13400;
	s10 =	simm.s32 $0x1  }
0x7: {  	s11 =	simm.s32 $0x2;
	s12 =	simm.s32 $0x3;
	s0 =	sand.u32 $0x1, s0  }
0x8: {  	s13 =	simm.s32 $0x4;
	s2 =	sshll.u32 s2, $0x8;
	s3 =	sshll.u32 s0, $0x7  }
0x9: {  	s14 =	simm.s32 $0x13800;
	s15 =	simm.s32 $0x0;
	s4 =	sor.u32 s3, s2  }
0xa: {  	s0 =	ssub.s32 $0x2, s0;
	s2 =	simm.s32 $0x0;
	s3 =	smul.u32 $0x1A, s4  }
.Ltmp0:
0xb: {  	s26 =	sshrl.u32 s0, $0x1;
	[smem:$0x7FF] =	sst s2;
	(pc) =	sbr.rel .LBB2_1-.Ltmp0, $4  }
0xc: {  	s7 =	sshll.u32 s4, $0x3;
	s0 =	ssub.s32 s0, s26;
	s26 =	simm.s32 $0x11400  }
0xd: {  	_ =	strace $0x80000047;
	s5 =	sadd.s32 s5, s7;
	s7 =	simm.s32 $0x5  }
0xe: {  	s6 =	sadd.s32 s3, s1;
	s3 =	sadd.s32 $0xF42A00, s1;
	s1 =	simm.s32 $0x12800  }
0xf: {  	vm0 =	vmmov $0xffff;
	v0 =	vimm.f32 $-1.000000000e+00;
	s4 =	sadd.s32 $0x100600, s6;
	s6 =	smax.u32 s0, $0x1;
	s0 =	simm.s32 $0x12C00  }
.LBB2_12:
0x10: {  	s15 =	sadd.s32 $0x1, s15  }
0x11: {  	p0 =	sne.s32 s15, s6  }
.Ltmp1:
0x12: {  	_ = 	snop;
	(pc) =	sbr.rel @!p0 .LBB2_13-.Ltmp1, $4  }
0x13: {  	[hbm4b:s5+s2] =	stream.linear.scatter [tilespmem:s14], [sflag:$0x5], $0x2000, $0x38;
	[tilespmem:$0x15800] =	vst v63  }
0x14: {  	_ =	swait.ge [sflag:s7], $0x2000  }
0x15: {  	[sflag:s7] =	ssyncset.done $0x0  }
0x16: {  	[sflag:s7] =	ssyncadd.s32 $0xFFFFE000  }
.LBB2_1:
0x17: {  	[tilespmem:s2], [sflag:$0x5] =	stream.linear.gather [hbm4b:s4+s2], $0x6800, $0x38;
	[tilespmem:$0x15800] =	vst v63  }
0x18: {  	_ =	swait.ge [sflag:s7], $0x6800  }
0x19: {  	[sflag:s7] =	ssyncset.done $0x0  }
0x1a: {  	[sflag:s7] =	ssyncadd.s32 $0xFFFF9800  }
0x1b: {  	v1 =	vld [tilespmem:$0x0];
	_ =	sdelay $0x6  }
0x1c: {  	s16 =	simm.s32 $0x6800  }
0x1d: {  	[tilespmem:s16], [sflag:$0x1] =	stream.indirect_vreg.gather [hbm4b:s3+s2], $0x40, v1, vm0, $0xb8;
	[tilespmem:$0x15800] =	vst v63  }
0x1e: {  	v1 =	vld [tilespmem:$0x10];
	_ =	sdelay $0x6  }
0x1f: {  	s20 =	simm.s32 $0x6C00  }
0x20: {  	[tilespmem:s20], [sflag:$0x1] =	stream.indirect_vreg.gather [hbm4b:s3+s2], $0x40, v1, vm0, $0xb8;
	[tilespmem:$0x15800] =	vst v63  }
0x21: {  	v1 =	vld [tilespmem:$0x20];
	_ =	sdelay $0x6  }
0x22: {  	s17 =	simm.s32 $0x7000  }
0x23: {  	[tilespmem:s17], [sflag:$0x1] =	stream.indirect_vreg.gather [hbm4b:s3+s2], $0x40, v1, vm0, $0xb8;
	[tilespmem:$0x15800] =	vst v63  }
0x24: {  	v1 =	vld [tilespmem:$0x30];
	_ =	sdelay $0x6  }
0x25: {  	s18 =	simm.s32 $0x7400  }
0x26: {  	[tilespmem:s18], [sflag:$0x1] =	stream.indirect_vreg.gather [hbm4b:s3+s2], $0x40, v1, vm0, $0xb8;
	[tilespmem:$0x15800] =	vst v63  }
0x27: {  	v1 =	vld [tilespmem:$0x40];
	_ =	sdelay $0x6  }
0x28: {  	s19 =	simm.s32 $0x7800  }
0x29: {  	[tilespmem:s19], [sflag:$0x1] =	stream.indirect_vreg.gather [hbm4b:s3+s2], $0x40, v1, vm0, $0xb8;
	[tilespmem:$0x15800] =	vst v63  }
0x2a: {  	v1 =	vld [tilespmem:$0x50];
	_ =	sdelay $0x6  }
0x2b: {  	s20 =	simm.s32 $0x7C00  }
0x2c: {  	[tilespmem:s20], [sflag:$0x1] =	stream.indirect_vreg.gather [hbm4b:s3+s2], $0x40, v1, vm0, $0xb8;
	[tilespmem:$0x15800] =	vst v63  }
0x2d: {  	v1 =	vld [tilespmem:$0x60];
	_ =	sdelay $0x6  }
0x2e: {  	s17 =	simm.s32 $0x8000  }
0x2f: {  	[tilespmem:s17], [sflag:$0x1] =	stream.indirect_vreg.gather [hbm4b:s3+s2], $0x40, v1, vm0, $0xb8;
	[tilespmem:$0x15800] =	vst v63  }
0x30: {  	v1 =	vld [tilespmem:$0x70];
	_ =	sdelay $0x6  }
0x31: {  	s18 =	simm.s32 $0x8400  }
0x32: {  	[tilespmem:s18], [sflag:$0x1] =	stream.indirect_vreg.gather [hbm4b:s3+s2], $0x40, v1, vm0, $0xb8;
	[tilespmem:$0x15800] =	vst v63  }
0x33: {  	v1 =	vld [tilespmem:$0x80];
	_ =	sdelay $0x6  }
0x34: {  	s19 =	simm.s32 $0x8800  }
0x35: {  	[tilespmem:s19], [sflag:$0x1] =	stream.indirect_vreg.gather [hbm4b:s3+s2], $0x40, v1, vm0, $0xb8;
	[tilespmem:$0x15800] =	vst v63  }
0x36: {  	v1 =	vld [tilespmem:$0x90];
	_ =	sdelay $0x6  }
0x37: {  	s20 =	simm.s32 $0x8C00  }
0x38: {  	[tilespmem:s20], [sflag:$0x1] =	stream.indirect_vreg.gather [hbm4b:s3+s2], $0x40, v1, vm0, $0xb8;
	[tilespmem:$0x15800] =	vst v63  }
0x39: {  	v1 =	vld [tilespmem:$0xA0];
	_ =	sdelay $0x6  }
0x3a: {  	s17 =	simm.s32 $0x9000  }
0x3b: {  	[tilespmem:s17], [sflag:$0x1] =	stream.indirect_vreg.gather [hbm4b:s3+s2], $0x40, v1, vm0, $0xb8;
	[tilespmem:$0x15800] =	vst v63  }
0x3c: {  	v1 =	vld [tilespmem:$0xB0];
	_ =	sdelay $0x6  }
0x3d: {  	s18 =	simm.s32 $0x9400  }
0x3e: {  	[tilespmem:s18], [sflag:$0x1] =	stream.indirect_vreg.gather [hbm4b:s3+s2], $0x40, v1, vm0, $0xb8;
	[tilespmem:$0x15800] =	vst v63  }
0x3f: {  	v1 =	vld [tilespmem:$0xC0];
	_ =	sdelay $0x6  }
0x40: {  	s19 =	simm.s32 $0x9800  }
0x41: {  	[tilespmem:s19], [sflag:$0x1] =	stream.indirect_vreg.gather [hbm4b:s3+s2], $0x40, v1, vm0, $0xb8;
	[tilespmem:$0x15800] =	vst v63  }
0x42: {  	v1 =	vld [tilespmem:$0xD0];
	_ =	sdelay $0x6  }
0x43: {  	s20 =	simm.s32 $0x9C00  }
0x44: {  	[tilespmem:s20], [sflag:$0x2] =	stream.indirect_vreg.gather [hbm4b:s3+s2], $0x40, v1, vm0, $0xb8;
	[tilespmem:$0x15800] =	vst v63  }
0x45: {  	v1 =	vld [tilespmem:$0xE0];
	_ =	sdelay $0x6  }
0x46: {  	s17 =	simm.s32 $0xA000  }
0x47: {  	[tilespmem:s17], [sflag:$0x2] =	stream.indirect_vreg.gather [hbm4b:s3+s2], $0x40, v1, vm0, $0xb8;
	[tilespmem:$0x15800] =	vst v63  }
0x48: {  	v1 =	vld [tilespmem:$0xF0];
	_ =	sdelay $0x6  }
0x49: {  	s18 =	simm.s32 $0xA400  }
0x4a: {  	[tilespmem:s18], [sflag:$0x2] =	stream.indirect_vreg.gather [hbm4b:s3+s2], $0x40, v1, vm0, $0xb8;
	[tilespmem:$0x15800] =	vst v63  }
0x4b: {  	v1 =	vld [tilespmem:$0x100];
	_ =	sdelay $0x6  }
0x4c: {  	s19 =	simm.s32 $0xA800  }
0x4d: {  	[tilespmem:s19], [sflag:$0x2] =	stream.indirect_vreg.gather [hbm4b:s3+s2], $0x40, v1, vm0, $0xb8;
	[tilespmem:$0x15800] =	vst v63  }
0x4e: {  	v1 =	vld [tilespmem:$0x110];
	_ =	sdelay $0x6  }
0x4f: {  	s20 =	simm.s32 $0xAC00  }
0x50: {  	[tilespmem:s20], [sflag:$0x2] =	stream.indirect_vreg.gather [hbm4b:s3+s2], $0x40, v1, vm0, $0xb8;
	[tilespmem:$0x15800] =	vst v63  }
0x51: {  	v1 =	vld [tilespmem:$0x120];
	_ =	sdelay $0x6  }
0x52: {  	s17 =	simm.s32 $0xB000  }
0x53: {  	[tilespmem:s17], [sflag:$0x2] =	stream.indirect_vreg.gather [hbm4b:s3+s2], $0x40, v1, vm0, $0xb8;
	[tilespmem:$0x15800] =	vst v63  }
0x54: {  	v1 =	vld [tilespmem:$0x130];
	_ =	sdelay $0x6  }
0x55: {  	s18 =	simm.s32 $0xB400  }
0x56: {  	[tilespmem:s18], [sflag:$0x2] =	stream.indirect_vreg.gather [hbm4b:s3+s2], $0x40, v1, vm0, $0xb8;
	[tilespmem:$0x15800] =	vst v63  }
0x57: {  	v1 =	vld [tilespmem:$0x140];
	_ =	sdelay $0x6  }
0x58: {  	s19 =	simm.s32 $0xB800  }
0x59: {  	[tilespmem:s19], [sflag:$0x2] =	stream.indirect_vreg.gather [hbm4b:s3+s2], $0x40, v1, vm0, $0xb8;
	[tilespmem:$0x15800] =	vst v63  }
0x5a: {  	v1 =	vld [tilespmem:$0x150];
	_ =	sdelay $0x6  }
0x5b: {  	s20 =	simm.s32 $0xBC00  }
0x5c: {  	[tilespmem:s20], [sflag:$0x2] =	stream.indirect_vreg.gather [hbm4b:s3+s2], $0x40, v1, vm0, $0xb8;
	[tilespmem:$0x15800] =	vst v63  }
0x5d: {  	v1 =	vld [tilespmem:$0x160];
	_ =	sdelay $0x6  }
0x5e: {  	s17 =	simm.s32 $0xC000  }
0x5f: {  	[tilespmem:s17], [sflag:$0x2] =	stream.indirect_vreg.gather [hbm4b:s3+s2], $0x40, v1, vm0, $0xb8;
	[tilespmem:$0x15800] =	vst v63  }
0x60: {  	v1 =	vld [tilespmem:$0x170];
	_ =	sdelay $0x6  }
0x61: {  	s18 =	simm.s32 $0xC400  }
0x62: {  	[tilespmem:s18], [sflag:$0x2] =	stream.indirect_vreg.gather [hbm4b:s3+s2], $0x40, v1, vm0, $0xb8;
	[tilespmem:$0x15800] =	vst v63  }
0x63: {  	v1 =	vld [tilespmem:$0x180];
	_ =	sdelay $0x6  }
0x64: {  	s19 =	simm.s32 $0xC800  }
0x65: {  	[tilespmem:s19], [sflag:$0x2] =	stream.indirect_vreg.gather [hbm4b:s3+s2], $0x40, v1, vm0, $0xb8;
	[tilespmem:$0x15800] =	vst v63  }
0x66: {  	v1 =	vld [tilespmem:$0x190];
	_ =	sdelay $0x6  }
0x67: {  	s20 =	simm.s32 $0xCC00  }
0x68: {  	[tilespmem:s20], [sflag:$0x2] =	stream.indirect_vreg.gather [hbm4b:s3+s2], $0x40, v1, vm0, $0xb8;
	[tilespmem:$0x15800] =	vst v63  }
0x69: {  	v1 =	vld [tilespmem:$0x1A0];
	_ =	sdelay $0x6  }
0x6a: {  	s17 =	simm.s32 $0xD000  }
0x6b: {  	[tilespmem:s17], [sflag:$0x3] =	stream.indirect_vreg.gather [hbm4b:s3+s2], $0x40, v1, vm0, $0xb8;
	[tilespmem:$0x15800] =	vst v63  }
0x6c: {  	v1 =	vld [tilespmem:$0x1B0];
	_ =	sdelay $0x6  }
0x6d: {  	s18 =	simm.s32 $0xD400  }
0x6e: {  	[tilespmem:s18], [sflag:$0x3] =	stream.indirect_vreg.gather [hbm4b:s3+s2], $0x40, v1, vm0, $0xb8;
	[tilespmem:$0x15800] =	vst v63  }
0x6f: {  	v1 =	vld [tilespmem:$0x1C0];
	_ =	sdelay $0x6  }
0x70: {  	s19 =	simm.s32 $0xD800  }
0x71: {  	[tilespmem:s19], [sflag:$0x3] =	stream.indirect_vreg.gather [hbm4b:s3+s2], $0x40, v1, vm0, $0xb8;
	[tilespmem:$0x15800] =	vst v63  }
0x72: {  	v1 =	vld [tilespmem:$0x1D0];
	_ =	sdelay $0x6  }
0x73: {  	s20 =	simm.s32 $0xDC00  }
0x74: {  	[tilespmem:s20], [sflag:$0x3] =	stream.indirect_vreg.gather [hbm4b:s3+s2], $0x40, v1, vm0, $0xb8;
	[tilespmem:$0x15800] =	vst v63  }
0x75: {  	v1 =	vld [tilespmem:$0x1E0];
	_ =	sdelay $0x6  }
0x76: {  	s17 =	simm.s32 $0xE000  }
0x77: {  	[tilespmem:s17], [sflag:$0x3] =	stream.indirect_vreg.gather [hbm4b:s3+s2], $0x40, v1, vm0, $0xb8;
	[tilespmem:$0x15800] =	vst v63  }
0x78: {  	v1 =	vld [tilespmem:$0x1F0];
	_ =	sdelay $0x6  }
0x79: {  	s18 =	simm.s32 $0xE400  }
0x7a: {  	[tilespmem:s18], [sflag:$0x3] =	stream.indirect_vreg.gather [hbm4b:s3+s2], $0x40, v1, vm0, $0xb8;
	[tilespmem:$0x15800] =	vst v63  }
0x7b: {  	v1 =	vld [tilespmem:$0x200];
	_ =	sdelay $0x6  }
0x7c: {  	s19 =	simm.s32 $0xE800  }
0x7d: {  	[tilespmem:s19], [sflag:$0x3] =	stream.indirect_vreg.gather [hbm4b:s3+s2], $0x40, v1, vm0, $0xb8;
	[tilespmem:$0x15800] =	vst v63  }
0x7e: {  	v1 =	vld [tilespmem:$0x210];
	_ =	sdelay $0x6  }
0x7f: {  	s20 =	simm.s32 $0xEC00  }
0x80: {  	[tilespmem:s20], [sflag:$0x3] =	stream.indirect_vreg.gather [hbm4b:s3+s2], $0x40, v1, vm0, $0xb8;
	[tilespmem:$0x15800] =	vst v63  }
0x81: {  	v1 =	vld [tilespmem:$0x220];
	_ =	sdelay $0x6  }
0x82: {  	s17 =	simm.s32 $0xF000  }
0x83: {  	[tilespmem:s17], [sflag:$0x3] =	stream.indirect_vreg.gather [hbm4b:s3+s2], $0x40, v1, vm0, $0xb8;
	[tilespmem:$0x15800] =	vst v63  }
0x84: {  	v1 =	vld [tilespmem:$0x230];
	_ =	sdelay $0x6  }
0x85: {  	s18 =	simm.s32 $0xF400  }
0x86: {  	[tilespmem:s18], [sflag:$0x3] =	stream.indirect_vreg.gather [hbm4b:s3+s2], $0x40, v1, vm0, $0xb8;
	[tilespmem:$0x15800] =	vst v63  }
0x87: {  	v1 =	vld [tilespmem:$0x240];
	_ =	sdelay $0x6  }
0x88: {  	s19 =	simm.s32 $0xF800  }
0x89: {  	[tilespmem:s19], [sflag:$0x3] =	stream.indirect_vreg.gather [hbm4b:s3+s2], $0x40, v1, vm0, $0xb8;
	[tilespmem:$0x15800] =	vst v63  }
0x8a: {  	v1 =	vld [tilespmem:$0x250];
	_ =	sdelay $0x6  }
0x8b: {  	s20 =	simm.s32 $0xFC00  }
0x8c: {  	[tilespmem:s20], [sflag:$0x3] =	stream.indirect_vreg.gather [hbm4b:s3+s2], $0x40, v1, vm0, $0xb8;
	[tilespmem:$0x15800] =	vst v63  }
0x8d: {  	v1 =	vld [tilespmem:$0x260];
	_ =	sdelay $0x7  }
0x8e: {  	[tilespmem:s21], [sflag:$0x3] =	stream.indirect_vreg.gather [hbm4b:s3+s2], $0x40, v1, vm0, $0xb8;
	[tilespmem:$0x15800] =	vst v63  }
0x8f: {  	v1 =	vld [tilespmem:$0x270];
	_ =	sdelay $0x7  }
0x90: {  	[tilespmem:s22], [sflag:$0x4] =	stream.indirect_vreg.gather [hbm4b:s3+s2], $0x40, v1, vm0, $0xb8;
	[tilespmem:$0x15800] =	vst v63  }
0x91: {  	v1 =	vld [tilespmem:$0x280];
	_ =	sdelay $0x7  }
0x92: {  	[tilespmem:s23], [sflag:$0x4] =	stream.indirect_vreg.gather [hbm4b:s3+s2], $0x40, v1, vm0, $0xb8;
	[tilespmem:$0x15800] =	vst v63  }
0x93: {  	v1 =	vld [tilespmem:$0x290];
	_ =	sdelay $0x7  }
0x94: {  	[tilespmem:s24], [sflag:$0x4] =	stream.indirect_vreg.gather [hbm4b:s3+s2], $0x40, v1, vm0, $0xb8;
	[tilespmem:$0x15800] =	vst v63  }
0x95: {  	v1 =	vld [tilespmem:$0x2A0];
	_ =	sdelay $0x7  }
0x96: {  	[tilespmem:s25], [sflag:$0x4] =	stream.indirect_vreg.gather [hbm4b:s3+s2], $0x40, v1, vm0, $0xb8;
	[tilespmem:$0x15800] =	vst v63  }
0x97: {  	v1 =	vld [tilespmem:$0x2B0];
	_ =	sdelay $0x7  }
0x98: {  	[tilespmem:s26], [sflag:$0x4] =	stream.indirect_vreg.gather [hbm4b:s3+s2], $0x40, v1, vm0, $0xb8;
	[tilespmem:$0x15800] =	vst v63  }
0x99: {  	v1 =	vld [tilespmem:$0x2C0];
	_ =	sdelay $0x7  }
0x9a: {  	[tilespmem:s28], [sflag:$0x4] =	stream.indirect_vreg.gather [hbm4b:s3+s2], $0x40, v1, vm0, $0xb8;
	[tilespmem:$0x15800] =	vst v63  }
0x9b: {  	v1 =	vld [tilespmem:$0x2D0];
	_ =	sdelay $0x7  }
0x9c: {  	[tilespmem:s29], [sflag:$0x4] =	stream.indirect_vreg.gather [hbm4b:s3+s2], $0x40, v1, vm0, $0xb8;
	[tilespmem:$0x15800] =	vst v63  }
0x9d: {  	v1 =	vld [tilespmem:$0x2E0];
	_ =	sdelay $0x7  }
0x9e: {  	[tilespmem:s30], [sflag:$0x4] =	stream.indirect_vreg.gather [hbm4b:s3+s2], $0x40, v1, vm0, $0xb8;
	[tilespmem:$0x15800] =	vst v63  }
0x9f: {  	v1 =	vld [tilespmem:$0x2F0];
	_ =	sdelay $0x7  }
0xa0: {  	[tilespmem:s31], [sflag:$0x4] =	stream.indirect_vreg.gather [hbm4b:s3+s2], $0x40, v1, vm0, $0xb8;
	[tilespmem:$0x15800] =	vst v63  }
0xa1: {  	v1 =	vld [tilespmem:$0x300];
	_ =	sdelay $0x7  }
0xa2: {  	[tilespmem:s1], [sflag:$0x4] =	stream.indirect_vreg.gather [hbm4b:s3+s2], $0x40, v1, vm0, $0xb8;
	[tilespmem:$0x15800] =	vst v63  }
0xa3: {  	v1 =	vld [tilespmem:$0x310];
	_ =	sdelay $0x7  }
0xa4: {  	[tilespmem:s0], [sflag:$0x4] =	stream.indirect_vreg.gather [hbm4b:s3+s2], $0x40, v1, vm0, $0xb8;
	[tilespmem:$0x15800] =	vst v63  }
0xa5: {  	v1 =	vld [tilespmem:$0x320];
	_ =	sdelay $0x7  }
0xa6: {  	[tilespmem:s8], [sflag:$0x4] =	stream.indirect_vreg.gather [hbm4b:s3+s2], $0x40, v1, vm0, $0xb8;
	[tilespmem:$0x15800] =	vst v63  }
0xa7: {  	v1 =	vld [tilespmem:$0x330];
	_ =	sdelay $0x6  }
0xa8: {  	s16 =	simm.s32 $0x0  }
0xa9: {  	[tilespmem:s9], [sflag:$0x4] =	stream.indirect_vreg.gather [hbm4b:s3+s2], $0x40, v1, vm0, $0xb8;
	[tilespmem:$0x15800] =	vst v63  }
.LBB2_2:
0xaa: {  	_ =	swait.ge [sflag:s10], $0x3400  }
0xab: {  	[sflag:s10] =	ssyncset.done $0x0  }
0xac: {  	s18 =	simm.s32 $0x0;
	[sflag:s10] =	ssyncadd.s32 $0xFFFFCC00  }
0xad: {  	v1 =	vld [tilespmem:s18+$0x6830]  }
0xae: {  	v2 =	vld [tilespmem:s18+$0x6870]  }
0xaf: {  	v3 =	vld [tilespmem:s18+$0x68B0]  }
0xb0: {  	v4 =	vld [tilespmem:s18+$0x68F0]  }
0xb1: {  	v5 =	vld [tilespmem:s18+$0x6800]  }
0xb2: {  	v6 =	vld [tilespmem:s18+$0x6840]  }
0xb3: {  	v7 =	vld [tilespmem:s18+$0x6880]  }
0xb4: {  	v8 =	vld [tilespmem:s18+$0x68C0]  }
0xb5: {  	v9 =	vld [tilespmem:s18+$0x6810]  }
0xb6: {  	v10 =	vld [tilespmem:s18+$0x6850]  }
0xb7: {  	v11 =	vld [tilespmem:s18+$0x6890]  }
0xb8: {  	v12 =	vld [tilespmem:s18+$0x68D0];
	_ =	sdelay $0x1  }
0xb9: {  	v13 =	vld [tilespmem:s18+$0x6860];
	v1 =	vadd.f32 v2, v1  }
0xba: {  	v2 =	vadd.f32 v4, v3;
	v3 =	vld [tilespmem:s18+$0x6820];
	v4 =	vadd.f32 v6, v5  }
0xbb: {  	v5 =	vadd.f32 v8, v7;
	v6 =	vld [tilespmem:s18+$0x68A0];
	v10 =	vadd.f32 v10, v9  }
0xbc: {  	s17 =	simm.s32 $0x100;
	v8 =	vld [tilespmem:s18+$0x68E0];
	v11 =	vadd.f32 v12, v11;
	v1 =	vadd.f32 v2, v1  }
0xbd: {  	v7 =	vld [tilespmem:s17+$0x6870];
	v2 =	vadd.f32 v5, v4;
	v4 =	vimm.f32 $0.0e+00  }
0xbe: {  	v9 =	vld [tilespmem:s17+$0x68B0];
	v11 =	vadd.f32 v11, v10;
	v1 =	vadd.f32 v1, v4  }
0xbf: {  	s18 =	simm.s32 $0x800;
	v5 =	vld [tilespmem:s17+$0x6830];
	v2 =	vadd.f32 v2, v4;
	v10 =	vadd.f32 v13, v3;
	v3 =	vimm.f32 $0.0e+00  }
.LBB2_3:
0xc0: {  	p0 =	sne.s32 s18, $0xC400;
	v12 =	vld [tilespmem:s17+$0x68F0]  }
0xc1: {  	v13 =	vld [tilespmem:s17+$0x6800];
	v4 =	vadd.f32 v11, v4;
	v6 =	vadd.f32 v8, v6  }
0xc2: {  	v8 =	vld [tilespmem:s17+$0x6840]  }
0xc3: {  	v11 =	vld [tilespmem:s17+$0x6880];
	v6 =	vadd.f32 v6, v10  }
0xc4: {  	v10 =	vld [tilespmem:s17+$0x68C0]  }
0xc5: {  	v5 =	vadd.f32 v7, v5;
	v14 =	vld [tilespmem:s17+$0x6810];
	v7 =	vadd.f32 v12, v9  }
0xc6: {  	v3 =	vadd.f32 v6, v3;
	v9 =	vld [tilespmem:s17+$0x6850]  }
0xc7: {  	v12 =	vld [tilespmem:s17+$0x6890];
	v8 =	vadd.f32 v8, v13;
	v5 =	vadd.f32 v7, v5  }
0xc8: {  	v7 =	vld [tilespmem:s17+$0x68D0]  }
0xc9: {  	v13 =	vld [tilespmem:s17+$0x6820];
	v10 =	vadd.f32 v10, v11;
	v1 =	vadd.f32 v5, v1  }
0xca: {  	v15 =	vld [tilespmem:s17+$0x6860]  }
.Ltmp2:
0xcb: {  	v6 =	vld [tilespmem:s17+$0x68A0];
	v10 =	vadd.f32 v10, v8;
	v11 =	vadd.f32 v9, v14;
	(pc) =	sbr.rel @p0 .LBB2_3-.Ltmp2, $4  }
0xcc: {  	v8 =	vld [tilespmem:s17+$0x68E0];
	s17 =	sshra.s32 s18, $0x2  }
0xcd: {  	v5 =	vld [tilespmem:s17+$0x6830];
	v2 =	vadd.f32 v10, v2;
	v10 =	vadd.f32 v7, v12  }
0xce: {  	v7 =	vld [tilespmem:s17+$0x6870]  }
0xcf: {  	s18 =	sadd.s32 $0x400, s18;
	v9 =	vld [tilespmem:s17+$0x68B0];
	v11 =	vadd.f32 v10, v11;
	v10 =	vadd.f32 v15, v13  }
0xd0: {  	v12 =	vld [tilespmem:s17+$0x68F0]  }
0xd1: {  	v13 =	vld [tilespmem:s17+$0x6800]  }
0xd2: {  	v14 =	vld [tilespmem:s17+$0x6840]  }
0xd3: {  	v15 =	vld [tilespmem:s17+$0x6880]  }
0xd4: {  	v16 =	vld [tilespmem:s17+$0x68C0]  }
0xd5: {  	v17 =	vld [tilespmem:s17+$0x6810]  }
0xd6: {  	v18 =	vld [tilespmem:s17+$0x6850]  }
0xd7: {  	v19 =	vld [tilespmem:s17+$0x6890]  }
0xd8: {  	v20 =	vld [tilespmem:s17+$0x68D0]  }
0xd9: {  	v21 =	vld [tilespmem:s17+$0x6820]  }
0xda: {  	v22 =	vld [tilespmem:s17+$0x6860]  }
0xdb: {  	v23 =	vld [tilespmem:s17+$0x68A0];
	v6 =	vadd.f32 v8, v6  }
0xdc: {  	v4 =	vadd.f32 v11, v4;
	v8 =	vld [tilespmem:s17+$0x68E0]  }
0xdd: {  	v6 =	vadd.f32 v6, v10;
	v5 =	vadd.f32 v7, v5  }
0xde: {  	v11 =	vadd.f32 v14, v13;
	v60 =	vadd.f32 v16, v15  }
0xdf: {  	v7 =	vadd.f32 v12, v9;
	v10 =	vadd.f32 v18, v17  }
0xe0: {  	v9 =	vadd.f32 v60, v11;
	v11 =	vadd.f32 v20, v19  }
0xe1: {  	v61 =	vadd.f32 v22, v21;
	v8 =	vadd.f32 v8, v23  }
0xe2: {  	v3 =	vadd.f32 v6, v3;
	v6 =	vadd.f32 v11, v10  }
0xe3: {  	v8 =	vadd.f32 v8, v61;
	v2 =	vadd.f32 v9, v2  }
0xe4: {  	v5 =	vadd.f32 v7, v5;
	v4 =	vadd.f32 v6, v4  }
0xe5: {  	s20 =	sshll.u32 s16, $0x8;
	v3 =	vadd.f32 v8, v3;
	vm1 =	vgt.f32 v2, $0.0e+00  }
0xe6: {  	s17 =	sand.u32 $0x3FFFFF00, s20;
	v1 =	vadd.f32 v5, v1;
	v2 =	vsel vm1, $0x3F800000, v0;
	vm1 =	vgt.f32 v4, $0.0e+00  }
0xe7: {  	p0 =	seq.s32 s16, $0x1F;
	[tilespmem:s17+$0x13800] =	vst v2;
	v2 =	vsel vm1, $0x3F800000, v0;
	vm1 =	vgt.f32 v3, $0.0e+00  }
0xe8: {  	s18 =	smul.u32 @!p0 $0xD00, s16;
	[tilespmem:s17+$0x13810] =	vst v2;
	v2 =	vsel vm1, $0x3F800000, v0;
	vm1 =	vgt.f32 v1, $0.0e+00  }
0xe9: {  	[tilespmem:s17+$0x13820] =	vst v2;
	v1 =	vsel vm1, $0x3F800000, v0  }
0xea: {  	s18 =	sshra.s32 @!p0 s18, $0x2;
	[tilespmem:s17+$0x13830] =	vst v1  }
0xeb: {  	v1 =	vld @!p0 [tilespmem:s18+$0x340];
	_ =	sdelay $0x6  }
0xec: {  	s19 =	simm.s32 @!p0 $0x0;
	s20 =	simm.s32 @!p0 $0x6800;
	vm1 =	vmmov @!p0 $0xffff  }
0xed: {  	[tilespmem:s20], [sflag:$0x1] =	stream.indirect_vreg.gather @!p0 [hbm4b:s3+s19], $0x40, v1, vm1, $0xb8;
	[tilespmem:$0x15800] =	vst v63  }
0xee: {  	v1 =	vld @!p0 [tilespmem:s18+$0x350];
	_ =	sdelay $0x6  }
0xef: {  	s20 =	simm.s32 @!p0 $0x6C00  }
0xf0: {  	[tilespmem:s20], [sflag:$0x1] =	stream.indirect_vreg.gather @!p0 [hbm4b:s3+s19], $0x40, v1, vm1, $0xb8;
	[tilespmem:$0x15800] =	vst v63  }
0xf1: {  	v1 =	vld @!p0 [tilespmem:s18+$0x360];
	_ =	sdelay $0x6  }
0xf2: {  	s20 =	simm.s32 @!p0 $0x7000  }
0xf3: {  	[tilespmem:s20], [sflag:$0x1] =	stream.indirect_vreg.gather @!p0 [hbm4b:s3+s19], $0x40, v1, vm1, $0xb8;
	[tilespmem:$0x15800] =	vst v63  }
0xf4: {  	v1 =	vld @!p0 [tilespmem:s18+$0x370];
	_ =	sdelay $0x6  }
0xf5: {  	s20 =	simm.s32 @!p0 $0x7400  }
0xf6: {  	[tilespmem:s20], [sflag:$0x1] =	stream.indirect_vreg.gather @!p0 [hbm4b:s3+s19], $0x40, v1, vm1, $0xb8;
	[tilespmem:$0x15800] =	vst v63  }
0xf7: {  	v1 =	vld @!p0 [tilespmem:s18+$0x380];
	_ =	sdelay $0x6  }
0xf8: {  	s20 =	simm.s32 @!p0 $0x7800  }
0xf9: {  	[tilespmem:s20], [sflag:$0x1] =	stream.indirect_vreg.gather @!p0 [hbm4b:s3+s19], $0x40, v1, vm1, $0xb8;
	[tilespmem:$0x15800] =	vst v63  }
0xfa: {  	v1 =	vld @!p0 [tilespmem:s18+$0x390];
	_ =	sdelay $0x6  }
0xfb: {  	s20 =	simm.s32 @!p0 $0x7C00  }
0xfc: {  	[tilespmem:s20], [sflag:$0x1] =	stream.indirect_vreg.gather @!p0 [hbm4b:s3+s19], $0x40, v1, vm1, $0xb8;
	[tilespmem:$0x15800] =	vst v63  }
0xfd: {  	v1 =	vld @!p0 [tilespmem:s18+$0x3A0];
	_ =	sdelay $0x6  }
0xfe: {  	s20 =	simm.s32 @!p0 $0x8000  }
0xff: {  	[tilespmem:s20], [sflag:$0x1] =	stream.indirect_vreg.gather @!p0 [hbm4b:s3+s19], $0x40, v1, vm1, $0xb8;
	[tilespmem:$0x15800] =	vst v63  }
0x100: {  	v1 =	vld @!p0 [tilespmem:s18+$0x3B0];
	_ =	sdelay $0x6  }
0x101: {  	s20 =	simm.s32 @!p0 $0x8400  }
0x102: {  	[tilespmem:s20], [sflag:$0x1] =	stream.indirect_vreg.gather @!p0 [hbm4b:s3+s19], $0x40, v1, vm1, $0xb8;
	[tilespmem:$0x15800] =	vst v63  }
0x103: {  	v1 =	vld @!p0 [tilespmem:s18+$0x3C0];
	_ =	sdelay $0x6  }
0x104: {  	s20 =	simm.s32 @!p0 $0x8800  }
0x105: {  	[tilespmem:s20], [sflag:$0x1] =	stream.indirect_vreg.gather @!p0 [hbm4b:s3+s19], $0x40, v1, vm1, $0xb8;
	[tilespmem:$0x15800] =	vst v63  }
0x106: {  	v1 =	vld @!p0 [tilespmem:s18+$0x3D0];
	_ =	sdelay $0x6  }
0x107: {  	s20 =	simm.s32 @!p0 $0x8C00  }
0x108: {  	[tilespmem:s20], [sflag:$0x1] =	stream.indirect_vreg.gather @!p0 [hbm4b:s3+s19], $0x40, v1, vm1, $0xb8;
	[tilespmem:$0x15800] =	vst v63  }
0x109: {  	v1 =	vld @!p0 [tilespmem:s18+$0x3E0];
	_ =	sdelay $0x6  }
0x10a: {  	s20 =	simm.s32 @!p0 $0x9000  }
0x10b: {  	[tilespmem:s20], [sflag:$0x1] =	stream.indirect_vreg.gather @!p0 [hbm4b:s3+s19], $0x40, v1, vm1, $0xb8;
	[tilespmem:$0x15800] =	vst v63  }
0x10c: {  	v1 =	vld @!p0 [tilespmem:s18+$0x3F0];
	_ =	sdelay $0x6  }
0x10d: {  	s20 =	simm.s32 @!p0 $0x9400  }
0x10e: {  	[tilespmem:s20], [sflag:$0x1] =	stream.indirect_vreg.gather @!p0 [hbm4b:s3+s19], $0x40, v1, vm1, $0xb8;
	[tilespmem:$0x15800] =	vst v63  }
0x10f: {  	v1 =	vld @!p0 [tilespmem:s18+$0x400];
	_ =	sdelay $0x6  }
0x110: {  	s20 =	simm.s32 @!p0 $0x9800  }
0x111: {  	[tilespmem:s20], [sflag:$0x1] =	stream.indirect_vreg.gather @!p0 [hbm4b:s3+s19], $0x40, v1, vm1, $0xb8;
	[tilespmem:$0x15800] =	vst v63  }
0x112: {  	_ =	swait.ge [sflag:s11], $0x3400  }
0x113: {  	[sflag:s11] =	ssyncset.done $0x0  }
0x114: {  	s20 =	simm.s32 $0x0;
	[sflag:s11] =	ssyncadd.s32 $0xFFFFCC00  }
0x115: {  	v1 =	vld [tilespmem:s20+$0x9C30]  }
0x116: {  	v2 =	vld [tilespmem:s20+$0x9C70]  }
0x117: {  	v3 =	vld [tilespmem:s20+$0x9CB0]  }
0x118: {  	v4 =	vld [tilespmem:s20+$0x9CF0]  }
0x119: {  	v5 =	vld [tilespmem:s20+$0x9C00]  }
0x11a: {  	v6 =	vld [tilespmem:s20+$0x9C40]  }
0x11b: {  	v7 =	vld [tilespmem:s20+$0x9C80]  }
0x11c: {  	v8 =	vld [tilespmem:s20+$0x9CC0]  }
0x11d: {  	v9 =	vld [tilespmem:s20+$0x9C10]  }
0x11e: {  	v10 =	vld [tilespmem:s20+$0x9C50]  }
0x11f: {  	v11 =	vld [tilespmem:s20+$0x9C90]  }
0x120: {  	v62 =	vld [tilespmem:s20+$0x9CD0];
	_ =	sdelay $0x1  }
0x121: {  	v63 =	vld [tilespmem:s20+$0x9C60];
	v1 =	vadd.f32 v2, v1  }
0x122: {  	v2 =	vadd.f32 v4, v3;
	v3 =	vld [tilespmem:s20+$0x9C20];
	v4 =	vadd.f32 v6, v5  }
0x123: {  	v5 =	vadd.f32 v8, v7;
	v6 =	vld [tilespmem:s20+$0x9CA0];
	v10 =	vadd.f32 v10, v9  }
0x124: {  	s19 =	simm.s32 $0x100;
	v8 =	vld [tilespmem:s20+$0x9CE0];
	v11 =	vadd.f32 v62, v11;
	v1 =	vadd.f32 v2, v1  }
0x125: {  	v7 =	vld [tilespmem:s19+$0x9C70];
	v2 =	vadd.f32 v5, v4;
	v4 =	vimm.f32 $0.0e+00  }
0x126: {  	v9 =	vld [tilespmem:s19+$0x9CB0];
	v11 =	vadd.f32 v11, v10;
	v1 =	vadd.f32 v1, v4  }
0x127: {  	s20 =	simm.s32 $0x800;
	v5 =	vld [tilespmem:s19+$0x9C30];
	v2 =	vadd.f32 v2, v4;
	v10 =	vadd.f32 v63, v3;
	v3 =	vimm.f32 $0.0e+00  }
.LBB2_5:
0x128: {  	p1 =	sne.s32 s20, $0xC400;
	v12 =	vld [tilespmem:s19+$0x9CF0]  }
0x129: {  	v13 =	vld [tilespmem:s19+$0x9C00];
	v4 =	vadd.f32 v11, v4;
	v6 =	vadd.f32 v8, v6  }
0x12a: {  	v8 =	vld [tilespmem:s19+$0x9C40]  }
0x12b: {  	v11 =	vld [tilespmem:s19+$0x9C80];
	v6 =	vadd.f32 v6, v10  }
0x12c: {  	v10 =	vld [tilespmem:s19+$0x9CC0]  }
0x12d: {  	v5 =	vadd.f32 v7, v5;
	v14 =	vld [tilespmem:s19+$0x9C10];
	v7 =	vadd.f32 v12, v9  }
0x12e: {  	v3 =	vadd.f32 v6, v3;
	v9 =	vld [tilespmem:s19+$0x9C50]  }
0x12f: {  	v12 =	vld [tilespmem:s19+$0x9C90];
	v8 =	vadd.f32 v8, v13;
	v5 =	vadd.f32 v7, v5  }
0x130: {  	v7 =	vld [tilespmem:s19+$0x9CD0]  }
0x131: {  	v13 =	vld [tilespmem:s19+$0x9C20];
	v10 =	vadd.f32 v10, v11;
	v1 =	vadd.f32 v5, v1  }
0x132: {  	v15 =	vld [tilespmem:s19+$0x9C60]  }
.Ltmp3:
0x133: {  	v6 =	vld [tilespmem:s19+$0x9CA0];
	v10 =	vadd.f32 v10, v8;
	v11 =	vadd.f32 v9, v14;
	(pc) =	sbr.rel @p1 .LBB2_5-.Ltmp3, $4  }
0x134: {  	v8 =	vld [tilespmem:s19+$0x9CE0];
	s19 =	sshra.s32 s20, $0x2  }
0x135: {  	v5 =	vld [tilespmem:s19+$0x9C30];
	v2 =	vadd.f32 v10, v2;
	v10 =	vadd.f32 v7, v12  }
0x136: {  	v7 =	vld [tilespmem:s19+$0x9C70]  }
0x137: {  	s20 =	sadd.s32 $0x400, s20;
	v9 =	vld [tilespmem:s19+$0x9CB0];
	v11 =	vadd.f32 v10, v11;
	v10 =	vadd.f32 v15, v13  }
0x138: {  	v12 =	vld [tilespmem:s19+$0x9CF0]  }
0x139: {  	v13 =	vld [tilespmem:s19+$0x9C00]  }
0x13a: {  	v14 =	vld [tilespmem:s19+$0x9C40]  }
0x13b: {  	v15 =	vld [tilespmem:s19+$0x9C80]  }
0x13c: {  	v16 =	vld [tilespmem:s19+$0x9CC0]  }
0x13d: {  	v17 =	vld [tilespmem:s19+$0x9C10]  }
0x13e: {  	v18 =	vld [tilespmem:s19+$0x9C50]  }
0x13f: {  	v19 =	vld [tilespmem:s19+$0x9C90]  }
0x140: {  	v20 =	vld [tilespmem:s19+$0x9CD0]  }
0x141: {  	v21 =	vld [tilespmem:s19+$0x9C20]  }
0x142: {  	v22 =	vld [tilespmem:s19+$0x9C60]  }
0x143: {  	v23 =	vld [tilespmem:s19+$0x9CA0];
	v6 =	vadd.f32 v8, v6  }
0x144: {  	v4 =	vadd.f32 v11, v4;
	v8 =	vld [tilespmem:s19+$0x9CE0]  }
0x145: {  	v6 =	vadd.f32 v6, v10;
	v5 =	vadd.f32 v7, v5  }
0x146: {  	v11 =	vadd.f32 v14, v13;
	v60 =	vadd.f32 v16, v15  }
0x147: {  	v7 =	vadd.f32 v12, v9;
	v10 =	vadd.f32 v18, v17  }
0x148: {  	v9 =	vadd.f32 v60, v11;
	v11 =	vadd.f32 v20, v19  }
0x149: {  	v61 =	vadd.f32 v22, v21;
	v8 =	vadd.f32 v8, v23  }
0x14a: {  	v3 =	vadd.f32 v6, v3;
	v6 =	vadd.f32 v11, v10  }
0x14b: {  	v8 =	vadd.f32 v8, v61;
	v2 =	vadd.f32 v9, v2  }
0x14c: {  	v5 =	vadd.f32 v7, v5;
	v4 =	vadd.f32 v6, v4  }
0x14d: {  	v3 =	vadd.f32 v8, v3;
	vm2 =	vgt.f32 v2, $0.0e+00  }
0x14e: {  	v1 =	vadd.f32 v5, v1;
	v2 =	vsel vm2, $0x3F800000, v0;
	vm2 =	vgt.f32 v4, $0.0e+00  }
0x14f: {  	[tilespmem:s17+$0x13840] =	vst v2;
	v2 =	vsel vm2, $0x3F800000, v0;
	vm2 =	vgt.f32 v3, $0.0e+00  }
0x150: {  	[tilespmem:s17+$0x13850] =	vst v2;
	v2 =	vsel vm2, $0x3F800000, v0;
	vm2 =	vgt.f32 v1, $0.0e+00  }
0x151: {  	[tilespmem:s17+$0x13860] =	vst v2;
	v1 =	vsel vm2, $0x3F800000, v0  }
0x152: {  	[tilespmem:s17+$0x13870] =	vst v1  }
0x153: {  	v1 =	vld @!p0 [tilespmem:s18+$0x410];
	_ =	sdelay $0x6  }
0x154: {  	s20 =	simm.s32 @!p0 $0x9C00;
	s19 =	simm.s32 @!p0 $0x0  }
0x155: {  	[tilespmem:s20], [sflag:$0x2] =	stream.indirect_vreg.gather @!p0 [hbm4b:s3+s19], $0x40, v1, vm1, $0xb8;
	[tilespmem:$0x15800] =	vst v63  }
0x156: {  	v1 =	vld @!p0 [tilespmem:s18+$0x420];
	_ =	sdelay $0x6  }
0x157: {  	s20 =	simm.s32 @!p0 $0xA000  }
0x158: {  	[tilespmem:s20], [sflag:$0x2] =	stream.indirect_vreg.gather @!p0 [hbm4b:s3+s19], $0x40, v1, vm1, $0xb8;
	[tilespmem:$0x15800] =	vst v63  }
0x159: {  	v1 =	vld @!p0 [tilespmem:s18+$0x430];
	_ =	sdelay $0x6  }
0x15a: {  	s20 =	simm.s32 @!p0 $0xA400  }
0x15b: {  	[tilespmem:s20], [sflag:$0x2] =	stream.indirect_vreg.gather @!p0 [hbm4b:s3+s19], $0x40, v1, vm1, $0xb8;
	[tilespmem:$0x15800] =	vst v63  }
0x15c: {  	v1 =	vld @!p0 [tilespmem:s18+$0x440];
	_ =	sdelay $0x6  }
0x15d: {  	s20 =	simm.s32 @!p0 $0xA800  }
0x15e: {  	[tilespmem:s20], [sflag:$0x2] =	stream.indirect_vreg.gather @!p0 [hbm4b:s3+s19], $0x40, v1, vm1, $0xb8;
	[tilespmem:$0x15800] =	vst v63  }
0x15f: {  	v1 =	vld @!p0 [tilespmem:s18+$0x450];
	_ =	sdelay $0x6  }
0x160: {  	s20 =	simm.s32 @!p0 $0xAC00  }
0x161: {  	[tilespmem:s20], [sflag:$0x2] =	stream.indirect_vreg.gather @!p0 [hbm4b:s3+s19], $0x40, v1, vm1, $0xb8;
	[tilespmem:$0x15800] =	vst v63  }
0x162: {  	v1 =	vld @!p0 [tilespmem:s18+$0x460];
	_ =	sdelay $0x6  }
0x163: {  	s20 =	simm.s32 @!p0 $0xB000  }
0x164: {  	[tilespmem:s20], [sflag:$0x2] =	stream.indirect_vreg.gather @!p0 [hbm4b:s3+s19], $0x40, v1, vm1, $0xb8;
	[tilespmem:$0x15800] =	vst v63  }
0x165: {  	v1 =	vld @!p0 [tilespmem:s18+$0x470];
	_ =	sdelay $0x6  }
0x166: {  	s20 =	simm.s32 @!p0 $0xB400  }
0x167: {  	[tilespmem:s20], [sflag:$0x2] =	stream.indirect_vreg.gather @!p0 [hbm4b:s3+s19], $0x40, v1, vm1, $0xb8;
	[tilespmem:$0x15800] =	vst v63  }
0x168: {  	v1 =	vld @!p0 [tilespmem:s18+$0x480];
	_ =	sdelay $0x6  }
0x169: {  	s20 =	simm.s32 @!p0 $0xB800  }
0x16a: {  	[tilespmem:s20], [sflag:$0x2] =	stream.indirect_vreg.gather @!p0 [hbm4b:s3+s19], $0x40, v1, vm1, $0xb8;
	[tilespmem:$0x15800] =	vst v63  }
0x16b: {  	v1 =	vld @!p0 [tilespmem:s18+$0x490];
	_ =	sdelay $0x6  }
0x16c: {  	s20 =	simm.s32 @!p0 $0xBC00  }
0x16d: {  	[tilespmem:s20], [sflag:$0x2] =	stream.indirect_vreg.gather @!p0 [hbm4b:s3+s19], $0x40, v1, vm1, $0xb8;
	[tilespmem:$0x15800] =	vst v63  }
0x16e: {  	v1 =	vld @!p0 [tilespmem:s18+$0x4A0];
	_ =	sdelay $0x6  }
0x16f: {  	s20 =	simm.s32 @!p0 $0xC000  }
0x170: {  	[tilespmem:s20], [sflag:$0x2] =	stream.indirect_vreg.gather @!p0 [hbm4b:s3+s19], $0x40, v1, vm1, $0xb8;
	[tilespmem:$0x15800] =	vst v63  }
0x171: {  	v1 =	vld @!p0 [tilespmem:s18+$0x4B0];
	_ =	sdelay $0x6  }
0x172: {  	s20 =	simm.s32 @!p0 $0xC400  }
0x173: {  	[tilespmem:s20], [sflag:$0x2] =	stream.indirect_vreg.gather @!p0 [hbm4b:s3+s19], $0x40, v1, vm1, $0xb8;
	[tilespmem:$0x15800] =	vst v63  }
0x174: {  	v1 =	vld @!p0 [tilespmem:s18+$0x4C0];
	_ =	sdelay $0x6  }
0x175: {  	s20 =	simm.s32 @!p0 $0xC800  }
0x176: {  	[tilespmem:s20], [sflag:$0x2] =	stream.indirect_vreg.gather @!p0 [hbm4b:s3+s19], $0x40, v1, vm1, $0xb8;
	[tilespmem:$0x15800] =	vst v63  }
0x177: {  	v1 =	vld @!p0 [tilespmem:s18+$0x4D0];
	_ =	sdelay $0x6  }
0x178: {  	s20 =	simm.s32 @!p0 $0xCC00  }
0x179: {  	[tilespmem:s20], [sflag:$0x2] =	stream.indirect_vreg.gather @!p0 [hbm4b:s3+s19], $0x40, v1, vm1, $0xb8;
	[tilespmem:$0x15800] =	vst v63  }
0x17a: {  	_ =	swait.ge [sflag:s12], $0x3400  }
0x17b: {  	[sflag:s12] =	ssyncset.done $0x0  }
0x17c: {  	s20 =	simm.s32 $0x0;
	[sflag:s12] =	ssyncadd.s32 $0xFFFFCC00  }
0x17d: {  	v1 =	vld [tilespmem:s20+$0xD030]  }
0x17e: {  	v2 =	vld [tilespmem:s20+$0xD070]  }
0x17f: {  	v3 =	vld [tilespmem:s20+$0xD0B0]  }
0x180: {  	v4 =	vld [tilespmem:s20+$0xD0F0]  }
0x181: {  	v5 =	vld [tilespmem:s20+$0xD000]  }
0x182: {  	v6 =	vld [tilespmem:s20+$0xD040]  }
0x183: {  	v7 =	vld [tilespmem:s20+$0xD080]  }
0x184: {  	v8 =	vld [tilespmem:s20+$0xD0C0]  }
0x185: {  	v9 =	vld [tilespmem:s20+$0xD010]  }
0x186: {  	v10 =	vld [tilespmem:s20+$0xD050]  }
0x187: {  	v11 =	vld [tilespmem:s20+$0xD090]  }
0x188: {  	v62 =	vld [tilespmem:s20+$0xD0D0];
	_ =	sdelay $0x1  }
0x189: {  	v63 =	vld [tilespmem:s20+$0xD060];
	v1 =	vadd.f32 v2, v1  }
0x18a: {  	v2 =	vadd.f32 v4, v3;
	v3 =	vld [tilespmem:s20+$0xD020];
	v4 =	vadd.f32 v6, v5  }
0x18b: {  	v5 =	vadd.f32 v8, v7;
	v6 =	vld [tilespmem:s20+$0xD0A0];
	v10 =	vadd.f32 v10, v9  }
0x18c: {  	s19 =	simm.s32 $0x100;
	v8 =	vld [tilespmem:s20+$0xD0E0];
	v11 =	vadd.f32 v62, v11;
	v1 =	vadd.f32 v2, v1  }
0x18d: {  	v7 =	vld [tilespmem:s19+$0xD070];
	v2 =	vadd.f32 v5, v4;
	v4 =	vimm.f32 $0.0e+00  }
0x18e: {  	v9 =	vld [tilespmem:s19+$0xD0B0];
	v11 =	vadd.f32 v11, v10;
	v1 =	vadd.f32 v1, v4  }
0x18f: {  	s20 =	simm.s32 $0x800;
	v5 =	vld [tilespmem:s19+$0xD030];
	v2 =	vadd.f32 v2, v4;
	v10 =	vadd.f32 v63, v3;
	v3 =	vimm.f32 $0.0e+00  }
.LBB2_7:
0x190: {  	p1 =	sne.s32 s20, $0xC400;
	v12 =	vld [tilespmem:s19+$0xD0F0]  }
0x191: {  	v13 =	vld [tilespmem:s19+$0xD000];
	v4 =	vadd.f32 v11, v4;
	v6 =	vadd.f32 v8, v6  }
0x192: {  	v8 =	vld [tilespmem:s19+$0xD040]  }
0x193: {  	v11 =	vld [tilespmem:s19+$0xD080];
	v6 =	vadd.f32 v6, v10  }
0x194: {  	v10 =	vld [tilespmem:s19+$0xD0C0]  }
0x195: {  	v5 =	vadd.f32 v7, v5;
	v14 =	vld [tilespmem:s19+$0xD010];
	v7 =	vadd.f32 v12, v9  }
0x196: {  	v3 =	vadd.f32 v6, v3;
	v9 =	vld [tilespmem:s19+$0xD050]  }
0x197: {  	v12 =	vld [tilespmem:s19+$0xD090];
	v8 =	vadd.f32 v8, v13;
	v5 =	vadd.f32 v7, v5  }
0x198: {  	v7 =	vld [tilespmem:s19+$0xD0D0]  }
0x199: {  	v13 =	vld [tilespmem:s19+$0xD020];
	v10 =	vadd.f32 v10, v11;
	v1 =	vadd.f32 v5, v1  }
0x19a: {  	v15 =	vld [tilespmem:s19+$0xD060]  }
.Ltmp4:
0x19b: {  	v6 =	vld [tilespmem:s19+$0xD0A0];
	v10 =	vadd.f32 v10, v8;
	v11 =	vadd.f32 v9, v14;
	(pc) =	sbr.rel @p1 .LBB2_7-.Ltmp4, $4  }
0x19c: {  	v8 =	vld [tilespmem:s19+$0xD0E0];
	s19 =	sshra.s32 s20, $0x2  }
0x19d: {  	v5 =	vld [tilespmem:s19+$0xD030];
	v2 =	vadd.f32 v10, v2;
	v10 =	vadd.f32 v7, v12  }
0x19e: {  	v7 =	vld [tilespmem:s19+$0xD070]  }
0x19f: {  	s20 =	sadd.s32 $0x400, s20;
	v9 =	vld [tilespmem:s19+$0xD0B0];
	v11 =	vadd.f32 v10, v11;
	v10 =	vadd.f32 v15, v13  }
0x1a0: {  	v12 =	vld [tilespmem:s19+$0xD0F0]  }
0x1a1: {  	v13 =	vld [tilespmem:s19+$0xD000]  }
0x1a2: {  	v14 =	vld [tilespmem:s19+$0xD040]  }
0x1a3: {  	v15 =	vld [tilespmem:s19+$0xD080]  }
0x1a4: {  	v16 =	vld [tilespmem:s19+$0xD0C0]  }
0x1a5: {  	v17 =	vld [tilespmem:s19+$0xD010]  }
0x1a6: {  	v18 =	vld [tilespmem:s19+$0xD050]  }
0x1a7: {  	v19 =	vld [tilespmem:s19+$0xD090]  }
0x1a8: {  	v20 =	vld [tilespmem:s19+$0xD0D0]  }
0x1a9: {  	v21 =	vld [tilespmem:s19+$0xD020]  }
0x1aa: {  	v22 =	vld [tilespmem:s19+$0xD060]  }
0x1ab: {  	v23 =	vld [tilespmem:s19+$0xD0A0];
	v6 =	vadd.f32 v8, v6  }
0x1ac: {  	v4 =	vadd.f32 v11, v4;
	v8 =	vld [tilespmem:s19+$0xD0E0]  }
0x1ad: {  	v6 =	vadd.f32 v6, v10;
	v5 =	vadd.f32 v7, v5  }
0x1ae: {  	v11 =	vadd.f32 v14, v13;
	v60 =	vadd.f32 v16, v15  }
0x1af: {  	v7 =	vadd.f32 v12, v9;
	v10 =	vadd.f32 v18, v17  }
0x1b0: {  	v9 =	vadd.f32 v60, v11;
	v11 =	vadd.f32 v20, v19  }
0x1b1: {  	v61 =	vadd.f32 v22, v21;
	v8 =	vadd.f32 v8, v23  }
0x1b2: {  	v3 =	vadd.f32 v6, v3;
	v6 =	vadd.f32 v11, v10  }
0x1b3: {  	v8 =	vadd.f32 v8, v61;
	v2 =	vadd.f32 v9, v2  }
0x1b4: {  	v5 =	vadd.f32 v7, v5;
	v4 =	vadd.f32 v6, v4  }
0x1b5: {  	v3 =	vadd.f32 v8, v3;
	vm2 =	vgt.f32 v2, $0.0e+00  }
0x1b6: {  	v1 =	vadd.f32 v5, v1;
	v2 =	vsel vm2, $0x3F800000, v0;
	vm2 =	vgt.f32 v4, $0.0e+00  }
0x1b7: {  	[tilespmem:s17+$0x13880] =	vst v2;
	v2 =	vsel vm2, $0x3F800000, v0;
	vm2 =	vgt.f32 v3, $0.0e+00  }
0x1b8: {  	[tilespmem:s17+$0x13890] =	vst v2;
	v2 =	vsel vm2, $0x3F800000, v0;
	vm2 =	vgt.f32 v1, $0.0e+00  }
0x1b9: {  	[tilespmem:s17+$0x138A0] =	vst v2;
	v1 =	vsel vm2, $0x3F800000, v0  }
0x1ba: {  	[tilespmem:s17+$0x138B0] =	vst v1  }
0x1bb: {  	v1 =	vld @!p0 [tilespmem:s18+$0x4E0];
	_ =	sdelay $0x6  }
0x1bc: {  	s20 =	simm.s32 @!p0 $0xD000;
	s19 =	simm.s32 @!p0 $0x0  }
0x1bd: {  	[tilespmem:s20], [sflag:$0x3] =	stream.indirect_vreg.gather @!p0 [hbm4b:s3+s19], $0x40, v1, vm1, $0xb8;
	[tilespmem:$0x15800] =	vst v63  }
0x1be: {  	v1 =	vld @!p0 [tilespmem:s18+$0x4F0];
	_ =	sdelay $0x6  }
0x1bf: {  	s20 =	simm.s32 @!p0 $0xD400  }
0x1c0: {  	[tilespmem:s20], [sflag:$0x3] =	stream.indirect_vreg.gather @!p0 [hbm4b:s3+s19], $0x40, v1, vm1, $0xb8;
	[tilespmem:$0x15800] =	vst v63  }
0x1c1: {  	v1 =	vld @!p0 [tilespmem:s18+$0x500];
	_ =	sdelay $0x6  }
0x1c2: {  	s20 =	simm.s32 @!p0 $0xD800  }
0x1c3: {  	[tilespmem:s20], [sflag:$0x3] =	stream.indirect_vreg.gather @!p0 [hbm4b:s3+s19], $0x40, v1, vm1, $0xb8;
	[tilespmem:$0x15800] =	vst v63  }
0x1c4: {  	v1 =	vld @!p0 [tilespmem:s18+$0x510];
	_ =	sdelay $0x6  }
0x1c5: {  	s20 =	simm.s32 @!p0 $0xDC00  }
0x1c6: {  	[tilespmem:s20], [sflag:$0x3] =	stream.indirect_vreg.gather @!p0 [hbm4b:s3+s19], $0x40, v1, vm1, $0xb8;
	[tilespmem:$0x15800] =	vst v63  }
0x1c7: {  	v1 =	vld @!p0 [tilespmem:s18+$0x520];
	_ =	sdelay $0x6  }
0x1c8: {  	s20 =	simm.s32 @!p0 $0xE000  }
0x1c9: {  	[tilespmem:s20], [sflag:$0x3] =	stream.indirect_vreg.gather @!p0 [hbm4b:s3+s19], $0x40, v1, vm1, $0xb8;
	[tilespmem:$0x15800] =	vst v63  }
0x1ca: {  	v1 =	vld @!p0 [tilespmem:s18+$0x530];
	_ =	sdelay $0x6  }
0x1cb: {  	s20 =	simm.s32 @!p0 $0xE400  }
0x1cc: {  	[tilespmem:s20], [sflag:$0x3] =	stream.indirect_vreg.gather @!p0 [hbm4b:s3+s19], $0x40, v1, vm1, $0xb8;
	[tilespmem:$0x15800] =	vst v63  }
0x1cd: {  	v1 =	vld @!p0 [tilespmem:s18+$0x540];
	_ =	sdelay $0x6  }
0x1ce: {  	s20 =	simm.s32 @!p0 $0xE800  }
0x1cf: {  	[tilespmem:s20], [sflag:$0x3] =	stream.indirect_vreg.gather @!p0 [hbm4b:s3+s19], $0x40, v1, vm1, $0xb8;
	[tilespmem:$0x15800] =	vst v63  }
0x1d0: {  	v1 =	vld @!p0 [tilespmem:s18+$0x550];
	_ =	sdelay $0x6  }
0x1d1: {  	s20 =	simm.s32 @!p0 $0xEC00  }
0x1d2: {  	[tilespmem:s20], [sflag:$0x3] =	stream.indirect_vreg.gather @!p0 [hbm4b:s3+s19], $0x40, v1, vm1, $0xb8;
	[tilespmem:$0x15800] =	vst v63  }
0x1d3: {  	v1 =	vld @!p0 [tilespmem:s18+$0x560];
	_ =	sdelay $0x6  }
0x1d4: {  	s20 =	simm.s32 @!p0 $0xF000  }
0x1d5: {  	[tilespmem:s20], [sflag:$0x3] =	stream.indirect_vreg.gather @!p0 [hbm4b:s3+s19], $0x40, v1, vm1, $0xb8;
	[tilespmem:$0x15800] =	vst v63  }
0x1d6: {  	v1 =	vld @!p0 [tilespmem:s18+$0x570];
	_ =	sdelay $0x6  }
0x1d7: {  	s20 =	simm.s32 @!p0 $0xF400  }
0x1d8: {  	[tilespmem:s20], [sflag:$0x3] =	stream.indirect_vreg.gather @!p0 [hbm4b:s3+s19], $0x40, v1, vm1, $0xb8;
	[tilespmem:$0x15800] =	vst v63  }
0x1d9: {  	v1 =	vld @!p0 [tilespmem:s18+$0x580];
	_ =	sdelay $0x6  }
0x1da: {  	s20 =	simm.s32 @!p0 $0xF800  }
0x1db: {  	[tilespmem:s20], [sflag:$0x3] =	stream.indirect_vreg.gather @!p0 [hbm4b:s3+s19], $0x40, v1, vm1, $0xb8;
	[tilespmem:$0x15800] =	vst v63  }
0x1dc: {  	v1 =	vld @!p0 [tilespmem:s18+$0x590];
	_ =	sdelay $0x6  }
0x1dd: {  	s20 =	simm.s32 @!p0 $0xFC00  }
0x1de: {  	[tilespmem:s20], [sflag:$0x3] =	stream.indirect_vreg.gather @!p0 [hbm4b:s3+s19], $0x40, v1, vm1, $0xb8;
	[tilespmem:$0x15800] =	vst v63  }
0x1df: {  	v1 =	vld @!p0 [tilespmem:s18+$0x5A0];
	_ =	sdelay $0x6  }
0x1e0: {  	s18 =	simm.s32 @!p0 $0x10000  }
0x1e1: {  	[tilespmem:s18], [sflag:$0x3] =	stream.indirect_vreg.gather @!p0 [hbm4b:s3+s19], $0x40, v1, vm1, $0xb8;
	[tilespmem:$0x15800] =	vst v63  }
0x1e2: {  	_ =	swait.ge [sflag:s13], $0x3400  }
0x1e3: {  	[sflag:s13] =	ssyncset.done $0x0  }
0x1e4: {  	s20 =	simm.s32 $0x0;
	[sflag:s13] =	ssyncadd.s32 $0xFFFFCC00  }
0x1e5: {  	v1 =	vld [tilespmem:s20+$0x10430]  }
0x1e6: {  	v2 =	vld [tilespmem:s20+$0x10470]  }
0x1e7: {  	v3 =	vld [tilespmem:s20+$0x104B0]  }
0x1e8: {  	v4 =	vld [tilespmem:s20+$0x104F0]  }
0x1e9: {  	v5 =	vld [tilespmem:s20+$0x10400]  }
0x1ea: {  	v6 =	vld [tilespmem:s20+$0x10440]  }
0x1eb: {  	v7 =	vld [tilespmem:s20+$0x10480]  }
0x1ec: {  	v8 =	vld [tilespmem:s20+$0x104C0]  }
0x1ed: {  	v9 =	vld [tilespmem:s20+$0x10410]  }
0x1ee: {  	v10 =	vld [tilespmem:s20+$0x10450]  }
0x1ef: {  	v11 =	vld [tilespmem:s20+$0x10490]  }
0x1f0: {  	v62 =	vld [tilespmem:s20+$0x104D0];
	_ =	sdelay $0x1  }
0x1f1: {  	v63 =	vld [tilespmem:s20+$0x10460];
	v1 =	vadd.f32 v2, v1  }
0x1f2: {  	v2 =	vadd.f32 v4, v3;
	v3 =	vld [tilespmem:s20+$0x10420];
	v4 =	vadd.f32 v6, v5  }
0x1f3: {  	v5 =	vadd.f32 v8, v7;
	v6 =	vld [tilespmem:s20+$0x104A0];
	v10 =	vadd.f32 v10, v9  }
0x1f4: {  	s18 =	simm.s32 $0x100;
	v8 =	vld [tilespmem:s20+$0x104E0];
	v11 =	vadd.f32 v62, v11;
	v1 =	vadd.f32 v2, v1  }
0x1f5: {  	v7 =	vld [tilespmem:s18+$0x10470];
	v2 =	vadd.f32 v5, v4;
	v4 =	vimm.f32 $0.0e+00  }
0x1f6: {  	v9 =	vld [tilespmem:s18+$0x104B0];
	v11 =	vadd.f32 v11, v10;
	v1 =	vadd.f32 v1, v4  }
0x1f7: {  	s19 =	simm.s32 $0x800;
	v5 =	vld [tilespmem:s18+$0x10430];
	v2 =	vadd.f32 v2, v4;
	v10 =	vadd.f32 v63, v3;
	v3 =	vimm.f32 $0.0e+00  }
.LBB2_9:
0x1f8: {  	p1 =	sne.s32 s19, $0xC400;
	v12 =	vld [tilespmem:s18+$0x104F0]  }
0x1f9: {  	v13 =	vld [tilespmem:s18+$0x10400];
	v4 =	vadd.f32 v11, v4;
	v6 =	vadd.f32 v8, v6  }
0x1fa: {  	v8 =	vld [tilespmem:s18+$0x10440]  }
0x1fb: {  	v11 =	vld [tilespmem:s18+$0x10480];
	v6 =	vadd.f32 v6, v10  }
0x1fc: {  	v10 =	vld [tilespmem:s18+$0x104C0]  }
0x1fd: {  	v5 =	vadd.f32 v7, v5;
	v14 =	vld [tilespmem:s18+$0x10410];
	v7 =	vadd.f32 v12, v9  }
0x1fe: {  	v3 =	vadd.f32 v6, v3;
	v9 =	vld [tilespmem:s18+$0x10450]  }
0x1ff: {  	v12 =	vld [tilespmem:s18+$0x10490];
	v8 =	vadd.f32 v8, v13;
	v5 =	vadd.f32 v7, v5  }
0x200: {  	v7 =	vld [tilespmem:s18+$0x104D0]  }
0x201: {  	v13 =	vld [tilespmem:s18+$0x10420];
	v10 =	vadd.f32 v10, v11;
	v1 =	vadd.f32 v5, v1  }
0x202: {  	v15 =	vld [tilespmem:s18+$0x10460]  }
.Ltmp5:
0x203: {  	v6 =	vld [tilespmem:s18+$0x104A0];
	v10 =	vadd.f32 v10, v8;
	v11 =	vadd.f32 v9, v14;
	(pc) =	sbr.rel @p1 .LBB2_9-.Ltmp5, $4  }
0x204: {  	v8 =	vld [tilespmem:s18+$0x104E0];
	s18 =	sshra.s32 s19, $0x2  }
0x205: {  	v5 =	vld [tilespmem:s18+$0x10430];
	v2 =	vadd.f32 v10, v2;
	v10 =	vadd.f32 v7, v12  }
0x206: {  	v7 =	vld [tilespmem:s18+$0x10470]  }
0x207: {  	s19 =	sadd.s32 $0x400, s19;
	v9 =	vld [tilespmem:s18+$0x104B0];
	v11 =	vadd.f32 v10, v11;
	v10 =	vadd.f32 v15, v13  }
0x208: {  	v12 =	vld [tilespmem:s18+$0x104F0]  }
0x209: {  	v13 =	vld [tilespmem:s18+$0x10400]  }
0x20a: {  	v14 =	vld [tilespmem:s18+$0x10440]  }
0x20b: {  	v15 =	vld [tilespmem:s18+$0x10480]  }
0x20c: {  	v16 =	vld [tilespmem:s18+$0x104C0]  }
0x20d: {  	v17 =	vld [tilespmem:s18+$0x10410]  }
0x20e: {  	v18 =	vld [tilespmem:s18+$0x10450]  }
0x20f: {  	v19 =	vld [tilespmem:s18+$0x10490]  }
0x210: {  	v20 =	vld [tilespmem:s18+$0x104D0]  }
0x211: {  	v21 =	vld [tilespmem:s18+$0x10420]  }
0x212: {  	v22 =	vld [tilespmem:s18+$0x10460]  }
0x213: {  	v23 =	vld [tilespmem:s18+$0x104A0];
	v6 =	vadd.f32 v8, v6  }
0x214: {  	v55 =	vld [tilespmem:s18+$0x104E0];
	v4 =	vadd.f32 v11, v4  }
0x215: {  	v6 =	vadd.f32 v6, v10;
	v5 =	vadd.f32 v7, v5  }
0x216: {  	v56 =	vadd.f32 v14, v13;
	v57 =	vadd.f32 v16, v15  }
0x217: {  	v58 =	vadd.f32 v12, v9;
	v60 =	vadd.f32 v18, v17  }
0x218: {  	v61 =	vadd.f32 v20, v19;
	v62 =	vadd.f32 v22, v21  }
0x219: {  	v8 =	vadd.f32 v55, v23;
	v59 =	vadd.f32 v57, v56  }
0x21a: {  	v3 =	vadd.f32 v6, v3;
	v63 =	vadd.f32 v61, v60  }
0x21b: {  	v8 =	vadd.f32 v8, v62;
	v2 =	vadd.f32 v59, v2  }
0x21c: {  	v5 =	vadd.f32 v58, v5;
	v4 =	vadd.f32 v63, v4  }
0x21d: {  	v3 =	vadd.f32 v8, v3;
	vm1 =	vgt.f32 v2, $0.0e+00  }
.Ltmp6:
0x21e: {  	v1 =	vadd.f32 v5, v1;
	v2 =	vsel vm1, $0x3F800000, v0;
	vm1 =	vgt.f32 v4, $0.0e+00;
	(pc) =	sbr.rel @p0 .LBB2_12-.Ltmp6, $4  }
0x21f: {  	[tilespmem:s17+$0x138C0] =	vst v2;
	v2 =	vsel vm1, $0x3F800000, v0;
	vm1 =	vgt.f32 v3, $0.0e+00  }
0x220: {  	[tilespmem:s17+$0x138D0] =	vst v2;
	v2 =	vsel vm1, $0x3F800000, v0;
	vm1 =	vgt.f32 v1, $0.0e+00  }
0x221: {  	[tilespmem:s17+$0x138E0] =	vst v2;
	v1 =	vsel vm1, $0x3F800000, v0  }
0x222: {  	[tilespmem:s17+$0x138F0] =	vst v1  }
0x223: {  	s17 =	smul.u32 $0xD00, s16;
	_ =	sdelay $0x1  }
0x224: {  	s17 =	sshra.s32 s17, $0x2  }
0x225: {  	v1 =	vld [tilespmem:s17+$0x5B0];
	_ =	sdelay $0x7  }
0x226: {  	[tilespmem:s22], [sflag:$0x4] =	stream.indirect_vreg.gather [hbm4b:s3+s2], $0x40, v1, vm0, $0xb8;
	[tilespmem:$0x15800] =	vst v63  }
0x227: {  	v1 =	vld [tilespmem:s17+$0x5C0];
	_ =	sdelay $0x7  }
0x228: {  	[tilespmem:s23], [sflag:$0x4] =	stream.indirect_vreg.gather [hbm4b:s3+s2], $0x40, v1, vm0, $0xb8;
	[tilespmem:$0x15800] =	vst v63  }
0x229: {  	v1 =	vld [tilespmem:s17+$0x5D0];
	_ =	sdelay $0x7  }
0x22a: {  	[tilespmem:s24], [sflag:$0x4] =	stream.indirect_vreg.gather [hbm4b:s3+s2], $0x40, v1, vm0, $0xb8;
	[tilespmem:$0x15800] =	vst v63  }
0x22b: {  	v1 =	vld [tilespmem:s17+$0x5E0];
	_ =	sdelay $0x7  }
0x22c: {  	[tilespmem:s25], [sflag:$0x4] =	stream.indirect_vreg.gather [hbm4b:s3+s2], $0x40, v1, vm0, $0xb8;
	[tilespmem:$0x15800] =	vst v63  }
0x22d: {  	v1 =	vld [tilespmem:s17+$0x5F0];
	_ =	sdelay $0x7  }
0x22e: {  	[tilespmem:s26], [sflag:$0x4] =	stream.indirect_vreg.gather [hbm4b:s3+s2], $0x40, v1, vm0, $0xb8;
	[tilespmem:$0x15800] =	vst v63  }
0x22f: {  	v1 =	vld [tilespmem:s17+$0x600];
	_ =	sdelay $0x7  }
0x230: {  	[tilespmem:s28], [sflag:$0x4] =	stream.indirect_vreg.gather [hbm4b:s3+s2], $0x40, v1, vm0, $0xb8;
	[tilespmem:$0x15800] =	vst v63  }
0x231: {  	v1 =	vld [tilespmem:s17+$0x610];
	_ =	sdelay $0x7  }
0x232: {  	[tilespmem:s29], [sflag:$0x4] =	stream.indirect_vreg.gather [hbm4b:s3+s2], $0x40, v1, vm0, $0xb8;
	[tilespmem:$0x15800] =	vst v63  }
0x233: {  	v1 =	vld [tilespmem:s17+$0x620];
	_ =	sdelay $0x7  }
0x234: {  	[tilespmem:s30], [sflag:$0x4] =	stream.indirect_vreg.gather [hbm4b:s3+s2], $0x40, v1, vm0, $0xb8;
	[tilespmem:$0x15800] =	vst v63  }
0x235: {  	v1 =	vld [tilespmem:s17+$0x630];
	_ =	sdelay $0x7  }
0x236: {  	[tilespmem:s31], [sflag:$0x4] =	stream.indirect_vreg.gather [hbm4b:s3+s2], $0x40, v1, vm0, $0xb8;
	[tilespmem:$0x15800] =	vst v63  }
0x237: {  	v1 =	vld [tilespmem:s17+$0x640];
	_ =	sdelay $0x7  }
0x238: {  	[tilespmem:s1], [sflag:$0x4] =	stream.indirect_vreg.gather [hbm4b:s3+s2], $0x40, v1, vm0, $0xb8;
	[tilespmem:$0x15800] =	vst v63  }
0x239: {  	v1 =	vld [tilespmem:s17+$0x650];
	_ =	sdelay $0x7  }
0x23a: {  	[tilespmem:s0], [sflag:$0x4] =	stream.indirect_vreg.gather [hbm4b:s3+s2], $0x40, v1, vm0, $0xb8;
	[tilespmem:$0x15800] =	vst v63  }
0x23b: {  	v1 =	vld [tilespmem:s17+$0x660];
	_ =	sdelay $0x7  }
0x23c: {  	[tilespmem:s8], [sflag:$0x4] =	stream.indirect_vreg.gather [hbm4b:s3+s2], $0x40, v1, vm0, $0xb8;
	[tilespmem:$0x15800] =	vst v63  }
0x23d: {  	v1 =	vld [tilespmem:s17+$0x670];
	_ =	sdelay $0x3  }
.Ltmp7:
0x23e: {  	_ = 	snop;
	(pc) =	sbr.rel .LBB2_2-.Ltmp7, $3  }
0x23f: {  	_ =	sdelay $0x1  }
0x240: {  	s16 =	sadd.s32 $0x1, s16  }
0x241: {  	[tilespmem:s9], [sflag:$0x4] =	stream.indirect_vreg.gather [hbm4b:s3+s2], $0x40, v1, vm0, $0xb8;
	[tilespmem:$0x15800] =	vst v63  }
.LBB2_13:
0x242: {  	_ =	sfence.sel $0x180000  }
0x243: {  	[bflag:$0x0] =	sbarrier.arrive $0xFFFF  }
0x244: {  	_ =	strace $0x90000047  }
0x245: {  	s0 =	stileid.u32;
	[bflag:$0x2] =	sbarrier.arrive $0xFFFF  }
0x246: {  	p0 =	sne.s32 s0, $0x0;
	s0 =	rddreg [dreg:$0x2]  }
0x247: {  	s0 =	sadd.s32 @!p0 $0x100000, s0  }
0x248: {  	[sflag:s0] =	ssyncadd.tile.s32 @!p0 $0x1;
	_ =	shalt  }
.Lfunc_end2:
_tile_overlayer_lowered:
.L_overlay_start_2:
0x249: {  	(tag) =	ssettag $0x2  }
0x24a: {  	s0 =	rddreg [dreg:$0x0];
	s2 =	stileid.u32  }
0x24b: {  	s1 =	rddreg [dreg:$0x1];
	p0 =	sne.s32 s2, $0x0  }
0x24c: {  	s3 =	rddreg [dreg:$0x2];
	[bflag:$0x3] =	sbarrier.arrive $0xFFFF;
	s2 =	simm.s32 @!p0 $0x1C05  }
0x24d: {  	[timem:s3], [sflag:s2] =	dma.local @!p0 [hbm:s0], s1  }
0x24e: {  	s0 =	simm.s32 @!p0 $0x5  }
0x24f: {  	_ =	swait.ge @!p0 [sflag:s0], s1  }
0x250: {  	s1 =	ssub.s32 @!p0 $0x0, s1;
	[sflag:s0] =	ssyncset.done @!p0 $0x0  }
0x251: {  	[sflag:s0] =	ssyncadd.s32 @!p0 s1  }
0x252: {  	[bflag:$0x3] =	sbarrier.arrive $0xFFFF  }
0x253: {  	_ =	shalt  }

</sc_bundles>
